<compile_context>
chip_gen: v7x
topology: tpu7x:2x2x1
jax: 0.10.2.dev20260603
libtpu: 0.0.44.dev20260713+nightly
codegen_flags: <defaults>
</compile_context>

<pallas_src>
import math

import jax
import jax.numpy as jnp
from jax.experimental import pallas as pl
from jax.experimental.pallas import tpu as pltpu
from jax.experimental.pallas import tpu_sc as plsc

B, S, D, H, K, RES, SAMPLE = 2, 2048, 768, 12, 16, 32, 128
HD = D // H
FF = 4 * D
N = S * K

RQ = 512
RF = 512


def _dot(a, b):
    return jax.lax.dot_general(a, b, (((1,), (0,)), ((), ())),
                               preferred_element_type=jnp.float32)


def _dot_t(a, b):
    return jax.lax.dot_general(a, b, (((1,), (1,)), ((), ())),
                               preferred_element_type=jnp.float32)


def _bf(a):
    return a.astype(jnp.bfloat16)


def _attn_kernel(xq_ref, xkv_ref, xs_ref, wq, bq, wk, bk, wv, bv,
                 ctx_ref, parts_ref, k_s, v_s):
    i = pl.program_id(1)

    @pl.when(i == 0)
    def _():
        xkv = xkv_ref[0]
        k_s[...] = _dot(xkv, wk[...]) + bk[...]
        v_s[...] = _dot(xkv, wv[...]) + bv[...]

    xq = xq_ref[0]
    qs = (_dot(xq, wq[...]) + bq[...]) * (1.0 / math.sqrt(HD))

    for h in range(H):
        sl = slice(h * HD, (h + 1) * HD)
        s = _dot_t(qs[:, sl], k_s[:, sl])
        m = jnp.max(s, axis=-1, keepdims=True)
        e = jnp.exp(s - m)
        r = 1.0 / jnp.sum(e, axis=-1, keepdims=True)
        ctx_ref[0, :, sl] = _dot(e, v_s[:, sl]) * r

    xsb = xs_ref[0]
    xn = jnp.sum(xq * xq, axis=-1, keepdims=True)
    xsn = jnp.sum(xsb * xsb, axis=-1)[None, :]
    d2 = xn + xsn - 2.0 * _dot_t(xq, xsb)

    lane = jax.lax.broadcasted_iota(jnp.int32, (RQ, SAMPLE), 1)
    work = d2
    s_acc = jnp.float32(0.0)
    ss_acc = jnp.float32(0.0)
    minv = jnp.float32(jnp.inf)
    maxv = jnp.float32(-jnp.inf)
    for it in range(K):
        m = jnp.min(work, axis=1, keepdims=True)
        dv = jnp.sqrt(jnp.maximum(m, 0.0))
        s_acc = s_acc + jnp.sum(dv)
        ss_acc = ss_acc + jnp.sum(dv * dv)
        if it == 0:
            minv = jnp.min(dv)
        if it == K - 1:
            maxv = jnp.max(dv)
        if it < K - 1:
            cand = jnp.where(work == m, lane, SAMPLE)
            j = jnp.min(cand, axis=1, keepdims=True)
            work = jnp.where(lane == j, jnp.inf, work)

    lout = jax.lax.broadcasted_iota(jnp.int32, (1, 128), 1)
    cur = jnp.where(lout == 0, s_acc,
          jnp.where(lout == 1, ss_acc,
          jnp.where(lout == 2, minv,
          jnp.where(lout == 3, maxv, 0.0))))

    @pl.when(i == 0)
    def _():
        parts_ref[0] = jnp.where(lout == 2, jnp.inf,
                       jnp.where(lout == 3, -jnp.inf, 0.0))

    prev = parts_ref[0]
    parts_ref[0] = jnp.where(lout < 2, prev + cur,
                   jnp.where(lout == 2, jnp.minimum(prev, cur),
                   jnp.where(lout == 3, jnp.maximum(prev, cur), 0.0)))


def _ffn_kernel(x_ref, ctx_ref, parts_ref, gate_ref, wo, bo,
                s1w, s1b, s2w, s2b, p0w, p0b, p1w, p1b, tw, tb,
                ln1g, ln1b, w1, b1, w2, b2, ln2g, ln2b, out_ref, topo_s):
    i = pl.program_id(1)

    @pl.when(i == 0)
    def _():
        part = parts_ref[0]
        sumv = part[:, 0:1]
        sumsq = part[:, 1:2]
        mn = part[:, 2:3]
        mx = part[:, 3:4]
        mean = sumv / N
        var = (sumsq - N * mean * mean) / (N - 1)
        std = jnp.sqrt(jnp.maximum(var, 0.0))
        z = jnp.zeros_like(mean)

        l8 = jax.lax.broadcasted_iota(jnp.int32, (1, 8), 1)

        def build(c0, c1, c2, c3, c4, c5):
            return jnp.where(l8 == 0, c0,
                   jnp.where(l8 == 1, c1,
                   jnp.where(l8 == 2, c2,
                   jnp.where(l8 == 3, c3,
                   jnp.where(l8 == 4, c4,
                   jnp.where(l8 == 5, c5, z))))))

        stats0 = build(mean, std, mn, mx, mean / 2, std / 2)
        stats1 = build(mean * 0.7, std * 0.7, mean * 0.3, mean * 1.2,
                       mean * 0.5, std * 0.3)

        def landscape(st, pw, pb):
            hh = jnp.maximum(_dot(st, s1w[...]) + s1b[...], 0.0)
            ll = _dot(hh, s2w[...]) + s2b[...]
            return _dot(ll, pw[...]) + pb[...]

        lm = 0.5 * (landscape(stats0, p0w, p0b) + landscape(stats1, p1w, p1b))
        topo_s[...] = gate_ref[0, 0] * (_dot(lm, tw[...]) + tb[...])

    xb = x_ref[0]
    cb = ctx_ref[0]
    attn = _dot(cb, wo[...]) + bo[...] + topo_s[...]
    pre = xb + attn
    mu = jnp.mean(pre, axis=-1, keepdims=True)
    var1 = jnp.mean((pre - mu) ** 2, axis=-1, keepdims=True)
    h = (pre - mu) / jnp.sqrt(var1 + 1e-5) * ln1g[...] + ln1b[...]
    f = jax.nn.gelu(_dot(h, w1[...]) + b1[...])
    f = _dot(f, w2[...]) + b2[...]
    pre2 = h + f
    mu2 = jnp.mean(pre2, axis=-1, keepdims=True)
    var2 = jnp.mean((pre2 - mu2) ** 2, axis=-1, keepdims=True)
    out_ref[0] = (pre2 - mu2) / jnp.sqrt(var2 + 1e-5) * ln2g[...] + ln2b[...]


def _row2d(a):
    return a.reshape(1, -1)


_GW = 128
_CHUNKS = D // 128
_NIDX = B * SAMPLE * _CHUNKS


def _sc_gather(x2d, idx2d):
    mesh = plsc.VectorSubcoreMesh(core_axis_name="core",
                                  subcore_axis_name="subcore")

    @pl.kernel(out_type=jax.ShapeDtypeStruct((_NIDX, 128), jnp.float32),
               mesh=mesh)
    def kern(x_hbm, i_hbm, o_hbm):
        def body(i_vmem, o_vmem):
            pltpu.sync_copy(x_hbm.at[i_vmem.at[0]], o_vmem)

        pltpu.emit_pipeline(
            body,
            grid=(_NIDX // _GW,),
            in_specs=[pl.BlockSpec((1, _GW), lambda i: (0, i))],
            out_specs=[pl.BlockSpec((_GW, 128), lambda i: (i, 0))],
            core_axis_name=("core", "subcore"),
            dimension_semantics=(pltpu.PARALLEL,),
        )(i_hbm, o_hbm)

    return kern(x2d, idx2d)


@jax.jit
def kernel(x, params, sample_idx):
    p = params
    row_ids = jnp.concatenate([sample_idx + b * S for b in range(B)])
    chunk_ids = (row_ids[:, None] * _CHUNKS
                 + jnp.arange(_CHUNKS, dtype=jnp.int32)[None, :])
    xs = _sc_gather(x.reshape(B * S * _CHUNKS, 128),
                    chunk_ids.reshape(1, _NIDX)).reshape(B, SAMPLE, D)

    ctx, parts = pl.pallas_call(
        _attn_kernel,
        grid=(B, S // RQ),
        in_specs=[
            pl.BlockSpec((1, RQ, D), lambda b, i: (b, i, 0)),
            pl.BlockSpec((1, S, D), lambda b, i: (b, 0, 0)),
            pl.BlockSpec((1, SAMPLE, D), lambda b, i: (b, 0, 0)),
            pl.BlockSpec((D, D), lambda b, i: (0, 0)),
            pl.BlockSpec((1, D), lambda b, i: (0, 0)),
            pl.BlockSpec((D, D), lambda b, i: (0, 0)),
            pl.BlockSpec((1, D), lambda b, i: (0, 0)),
            pl.BlockSpec((D, D), lambda b, i: (0, 0)),
            pl.BlockSpec((1, D), lambda b, i: (0, 0)),
        ],
        out_specs=[
            pl.BlockSpec((1, RQ, D), lambda b, i: (b, i, 0)),
            pl.BlockSpec((1, 1, 128), lambda b, i: (b, 0, 0)),
        ],
        out_shape=[
            jax.ShapeDtypeStruct((B, S, D), jnp.float32),
            jax.ShapeDtypeStruct((B, 1, 128), jnp.float32),
        ],
        scratch_shapes=[
            pltpu.VMEM((S, D), jnp.float32),
            pltpu.VMEM((S, D), jnp.float32),
        ],
        compiler_params=pltpu.CompilerParams(
            vmem_limit_bytes=64 * 1024 * 1024),
    )(x, x, xs,
      p["q"]["w"], _row2d(p["q"]["b"]),
      p["k"]["w"], _row2d(p["k"]["b"]),
      p["v"]["w"], _row2d(p["v"]["b"]))

    gate = p["topo_gate"].reshape(1, 1)
    out = pl.pallas_call(
        _ffn_kernel,
        grid=(B, S // RF),
        in_specs=[
            pl.BlockSpec((1, RF, D), lambda b, i: (b, i, 0)),
            pl.BlockSpec((1, RF, D), lambda b, i: (b, i, 0)),
            pl.BlockSpec((1, 1, 128), lambda b, i: (b, 0, 0)),
            pl.BlockSpec((1, 1), lambda b, i: (0, 0)),
            pl.BlockSpec((D, D), lambda b, i: (0, 0)),
            pl.BlockSpec((1, D), lambda b, i: (0, 0)),
            pl.BlockSpec((8, D // 4), lambda b, i: (0, 0)),
            pl.BlockSpec((1, D // 4), lambda b, i: (0, 0)),
            pl.BlockSpec((D // 4, RES), lambda b, i: (0, 0)),
            pl.BlockSpec((1, RES), lambda b, i: (0, 0)),
            pl.BlockSpec((RES, RES), lambda b, i: (0, 0)),
            pl.BlockSpec((1, RES), lambda b, i: (0, 0)),
            pl.BlockSpec((RES, RES), lambda b, i: (0, 0)),
            pl.BlockSpec((1, RES), lambda b, i: (0, 0)),
            pl.BlockSpec((RES, D), lambda b, i: (0, 0)),
            pl.BlockSpec((1, D), lambda b, i: (0, 0)),
            pl.BlockSpec((1, D), lambda b, i: (0, 0)),
            pl.BlockSpec((1, D), lambda b, i: (0, 0)),
            pl.BlockSpec((D, FF), lambda b, i: (0, 0)),
            pl.BlockSpec((1, FF), lambda b, i: (0, 0)),
            pl.BlockSpec((FF, D), lambda b, i: (0, 0)),
            pl.BlockSpec((1, D), lambda b, i: (0, 0)),
            pl.BlockSpec((1, D), lambda b, i: (0, 0)),
            pl.BlockSpec((1, D), lambda b, i: (0, 0)),
        ],
        out_specs=pl.BlockSpec((1, RF, D), lambda b, i: (b, i, 0)),
        out_shape=jax.ShapeDtypeStruct((B, S, D), jnp.float32),
        scratch_shapes=[pltpu.VMEM((1, D), jnp.float32)],
    )(x, ctx, parts, gate,
      p["o"]["w"], _row2d(p["o"]["b"]),
      p["stats1"]["w"], _row2d(p["stats1"]["b"]),
      p["stats2"]["w"], _row2d(p["stats2"]["b"]),
      p["proc0"]["w"], _row2d(p["proc0"]["b"]),
      p["proc1"]["w"], _row2d(p["proc1"]["b"]),
      p["topo_proj"]["w"], _row2d(p["topo_proj"]["b"]),
      _row2d(p["ln1_g"]), _row2d(p["ln1_b"]),
      p["ffn1"]["w"], _row2d(p["ffn1"]["b"]),
      p["ffn2"]["w"], _row2d(p["ffn2"]["b"]),
      _row2d(p["ln2_g"]), _row2d(p["ln2_b"]))
    return out

# --- scband reference (transcript-rebuilt; emitter-appended) ---
"""Pipeline reference for scband-topoformer-layer-74225624809855 (READ-ONLY COPY).

The authoritative reference and input builder live on the scoring server;
editing this copy changes nothing except your own understanding.
"""

import jax, jax.numpy as jnp
import numpy as np

B, S, D, H, K, RES, SAMPLE = 2, 2048, 768, 12, 16, 32, 128
HD = D // H


def _lin_init(k, fin, fout):
    kw, kb = jax.random.split(k)
    s = 1.0 / np.sqrt(fin)
    return {"w": jax.random.uniform(kw, (fin, fout), jnp.float32, -s, s),
            "b": jax.random.uniform(kb, (fout,), jnp.float32, -s, s)}


def _lin(p, x):
    return x @ p["w"] + p["b"]


def _layernorm(x, g, b):
    mu = x.mean(-1, keepdims=True)
    var = ((x - mu) ** 2).mean(-1, keepdims=True)
    return (x - mu) / jnp.sqrt(var + 1e-5) * g + b


def setup_inputs(seed: int = 0) -> dict:
    key = jax.random.key(seed)
    ks = jax.random.split(key, 16)
    x = jax.random.normal(ks[0], (B, S, D), jnp.float32)
    sample_idx = jax.random.randint(ks[1], (SAMPLE,), 0, S, dtype=jnp.int32)
    params = {
        "q": _lin_init(ks[2], D, D), "k": _lin_init(ks[3], D, D),
        "v": _lin_init(ks[4], D, D), "o": _lin_init(ks[5], D, D),
        "topo_proj": _lin_init(ks[6], RES, D), "topo_gate": jnp.float32(0.1),
        "stats1": _lin_init(ks[7], 8, D // 4), "stats2": _lin_init(ks[8], D // 4, RES),
        "proc0": _lin_init(ks[9], RES, RES), "proc1": _lin_init(ks[10], RES, RES),
        "ln1_g": jnp.ones((D,), jnp.float32), "ln1_b": jnp.zeros((D,), jnp.float32),
        "ln2_g": jnp.ones((D,), jnp.float32), "ln2_b": jnp.zeros((D,), jnp.float32),
        "ffn1": _lin_init(ks[11], D, 4 * D), "ffn2": _lin_init(ks[12], 4 * D, D),
    }
    return {"x": x, "params": params, "sample_idx": sample_idx}


def _forward(x, params, sample_idx):
    # --- FastLSH sampled KNN (seq_len > 256 path) ---
    xs = jnp.take(x, sample_idx, axis=1)                      # [B, SAMPLE, D]
    d2 = (jnp.sum(x * x, -1)[:, :, None]
          + jnp.sum(xs * xs, -1)[:, None, :]
          - 2.0 * jnp.einsum('bsd,bmd->bsm', x, xs))
    dist = jnp.sqrt(jnp.maximum(d2, 0.0))                     # [B, S, SAMPLE]
    neg_top, nbr_local = jax.lax.top_k(-dist, K)
    distances = -neg_top                                      # [B, S, K]
    neighbors = jnp.take(sample_idx, nbr_local)               # [B, S, K]
    # --- SimplifiedPersistenceComputer (stats via .item() -> no grad) ---
    dsg = jax.lax.stop_gradient(distances)
    mean = dsg.mean(axis=(1, 2))
    std = jnp.std(dsg, axis=(1, 2), ddof=1)
    mn = dsg.min(axis=(1, 2))
    mx = dsg.max(axis=(1, 2))
    z = jnp.zeros_like(mean)
    stats0 = jnp.stack([mean, std, mn, mx, mean / 2, std / 2, z, z], -1)
    stats1 = jnp.stack([mean * 0.7, std * 0.7, mean * 0.3, mean * 1.2,
                        mean * 0.5, std * 0.3, z, z], -1)
    # --- FastPersistenceLandscape ---
    def landscape(s, proc):
        h = jax.nn.relu(_lin(params["stats1"], s))
        return _lin(proc, _lin(params["stats2"], h))
    l0 = landscape(stats0, params["proc0"])
    l1 = landscape(stats1, params["proc1"])
    landscapes = jnp.stack([l0, l1], axis=1)                  # [B, 2, RES]
    # --- TopologicalAttention ---
    q = _lin(params["q"], x).reshape(B, S, H, HD).transpose(0, 2, 1, 3)
    k = _lin(params["k"], x).reshape(B, S, H, HD).transpose(0, 2, 1, 3)
    v = _lin(params["v"], x).reshape(B, S, H, HD).transpose(0, 2, 1, 3)
    scores = jnp.einsum('bhqd,bhkd->bhqk', q, k) / np.sqrt(HD)
    attn = jax.nn.softmax(scores, axis=-1)
    ctx = jnp.einsum('bhqk,bhkd->bhqd', attn, v)
    ctx = ctx.transpose(0, 2, 1, 3).reshape(B, S, D)
    attn_out = _lin(params["o"], ctx)
    topo = _lin(params["topo_proj"], landscapes.mean(axis=1))  # [B, D]
    attn_out = attn_out + params["topo_gate"] * topo[:, None, :]
    # --- residual + LN + FFN + LN ---
    h = _layernorm(x + attn_out, params["ln1_g"], params["ln1_b"])
    f = _lin(params["ffn2"], jax.nn.gelu(_lin(params["ffn1"], h)))
    out = _layernorm(h + f, params["ln2_g"], params["ln2_b"])
    return out


def reference(x, params, sample_idx):
    return _forward(x, params, sample_idx)

if __name__ == "__main__":
    import jax
    _d = setup_inputs()
    print(jax.jit(kernel)(*tuple(_d.values())))

</pallas_src>

<mosaic_0001>
#map = affine_map<(d0, d1) -> (0, 0)>
module attributes {stable_mosaic.version = 14 : i64} {
  func.func @kern(%arg0: i32, %arg1: i32, %arg2: memref<24576x128xf32, #tpu.memory_space<hbm>>, %arg3: memref<1x1536xi32, #tpu.memory_space<hbm>>, %arg4: memref<1536x128xf32, #tpu.memory_space<hbm>>) attributes {dimension_semantics = [#tpu.dimension_semantics<core_parallel>, #tpu.dimension_semantics<subcore_parallel>], iteration_bounds = array<i64: 2, 16>, scalar_prefetch = 0 : i64, scratch_operands = 0 : i64, tpu.core_type = #tpu.core_type<sc_vector_subcore>, window_params = [{transform_indices = #map}, {transform_indices = #map}, {transform_indices = #map}]} {
    %mul3A = arith.constant 1 : i32
    %mul3A_0 = arith.muli %arg1, %mul3A : i32
    %add3A = arith.constant 0 : i32
    %add3A_1 = arith.addi %add3A, %mul3A_0 : i32
    %mul3A_2 = arith.constant 16 : i32
    %mul3A_3 = arith.muli %arg0, %mul3A_2 : i32
    %add3A_4 = arith.addi %add3A_1, %mul3A_3 : i32
    %lt3A = arith.constant 12 : i32
    %lt3A_5 = arith.cmpi slt, %add3A_4, %lt3A : i32
    %jit3A = arith.constant 1 : i32
    %jit3A_6 = arith.constant 0 : i32
    %select_n3A = arith.select %lt3A_5, %jit3A, %jit3A_6 : i32
    %lt3A_7 = arith.constant 12 : i32
    %lt3A_8 = arith.cmpi slt, %add3A_4, %lt3A_7 : i32
    %mul3A_9 = arith.muli %add3A_4, %select_n3A : i32
    %mul3A_10 = arith.constant 0 : i32
    %mul3A_11 = arith.muli %add3A_4, %mul3A_10 : i32
    %add3A_12 = arith.constant 12 : i32
    %add3A_13 = arith.addi %mul3A_11, %add3A_12 : i32
    %select_n3A_14 = arith.select %lt3A_8, %mul3A_9, %add3A_13 : i32
    %mul3A_15 = arith.constant 1 : i32
    %mul3A_16 = arith.muli %mul3A_15, %select_n3A : i32
    "tpu.region"() ({
      %run_scoped3A = memref.alloca() : memref<2x1x128xi32, #tpu.memory_space<vmem>>
      %run_scoped3A_17 = tpu.sem_alloc : memref<2x!tpu.dma_semaphore, #tpu.memory_space<semaphore_mem>>
      %run_scoped3A_18 = memref.alloca() : memref<2x128x128xf32, #tpu.memory_space<vmem>>
      %run_scoped3A_19 = tpu.sem_alloc : memref<2x!tpu.dma_semaphore, #tpu.memory_space<semaphore_mem>>
      %gt3A = arith.constant 0 : i32
      %gt3A_20 = arith.cmpi sgt, %mul3A_16, %gt3A : i32
      %convert_element_type3A = arith.extui %gt3A_20 : i1 to i32
      %cond3A = arith.constant 0 : i32
      %cond3A_21 = arith.cmpi ne, %convert_element_type3A, %cond3A : i32
      scf.if %cond3A_21 {
        %mul3A_22 = arith.constant 1 : i32
        %mul3A_23 = arith.muli %mul3A_22, %select_n3A : i32
        %sub3A = arith.constant 1 : i32
        %sub3A_24 = arith.subi %mul3A_23, %sub3A : i32
        %eq3A = arith.constant 0 : i32
        %eq3A_25 = arith.cmpi eq, %sub3A_24, %eq3A : i32
        %add3A_26 = arith.constant 0 : i32
        %add3A_27 = arith.addi %add3A_26, %select_n3A_14 : i32
        %select_n3A_28 = arith.constant true
        %select_n3A_29 = arith.constant 0 : i32
        %select_n3A_30 = arith.constant -1 : i32
        %select_n3A_31 = arith.select %select_n3A_28, %select_n3A_30, %select_n3A_29 : i32
        %eq3A_32 = arith.constant -1 : i32
        %eq3A_33 = arith.cmpi eq, %select_n3A_31, %eq3A_32 : i32
        %sub3A_34 = arith.constant 1 : i32
        %sub3A_35 = arith.subi %select_n3A, %sub3A_34 : i32
        %select_n3A_36 = arith.select %eq3A_33, %sub3A_35, %select_n3A_31 : i32
        %add3A_37 = arith.addi %select_n3A_36, %select_n3A_14 : i32
        %select_n3A_38 = arith.constant true
        %select_n3A_39 = arith.constant 0 : i32
        %select_n3A_40 = arith.constant 1 : i32
        %select_n3A_41 = arith.select %select_n3A_38, %select_n3A_40, %select_n3A_39 : i32
        %eq3A_42 = arith.cmpi eq, %select_n3A_41, %select_n3A : i32
        %select_n3A_43 = arith.constant 0 : i32
        %select_n3A_44 = arith.select %eq3A_42, %select_n3A_43, %select_n3A_41 : i32
        %add3A_45 = arith.addi %select_n3A_44, %select_n3A_14 : i32
        %add3A_46 = arith.constant 1 : i32
        %add3A_47 = arith.addi %select_n3A_44, %add3A_46 : i32
        %select_n3A_48 = arith.constant true
        %select_n3A_49 = arith.select %select_n3A_48, %add3A_47, %select_n3A_44 : i32
        %eq3A_50 = arith.cmpi eq, %select_n3A_49, %select_n3A : i32
        %select_n3A_51 = arith.constant 0 : i32
        %select_n3A_52 = arith.select %eq3A_50, %select_n3A_51, %select_n3A_49 : i32
        %add3A_53 = arith.addi %select_n3A_52, %select_n3A_14 : i32
        "tpu.trace_start"() <{level = 10 : i32, message = "ep_initialize_0"}> : () -> ()
        %rem3A = arith.constant 0 : i32
        %rem3A_54 = arith.constant 2 : i32
        %rem3A_55 = arith.remui %rem3A, %rem3A_54 : i32
        %mul3A_56 = arith.constant 128 : i32
        %mul3A_57 = arith.muli %mul3A_56, %add3A_27 : i32
        %dma_start3A = arith.constant 0 : i32
        %dma_start3A_58 = arith.constant 0 : i32
        %dma_start3A_59 = tpu.memref_slice %run_scoped3A[%rem3A_55, %dma_start3A, %dma_start3A_58] : memref<2x1x128xi32, #tpu.memory_space<vmem>> -> memref<1x1x128xi32, #tpu.memory_space<vmem>>
        %dma_start3A_60 = tpu.memref_squeeze %dma_start3A_59 : memref<1x1x128xi32, #tpu.memory_space<vmem>> -> memref<1x128xi32, #tpu.memory_space<vmem>>
        %dma_start3A_61 = arith.constant 0 : i32
        %dma_start3A_62 = tpu.memref_slice %arg3[%dma_start3A_61, %mul3A_57] : memref<1x1536xi32, #tpu.memory_space<hbm>> -> memref<1x128xi32, #tpu.memory_space<hbm>>
        %dma_start3A_63 = tpu.memref_slice %run_scoped3A_17[%rem3A_55] : memref<2x!tpu.dma_semaphore, #tpu.memory_space<semaphore_mem>> -> memref<1x!tpu.dma_semaphore, #tpu.memory_space<semaphore_mem>>
        %dma_start3A_64 = tpu.memref_squeeze %dma_start3A_63 : memref<1x!tpu.dma_semaphore, #tpu.memory_space<semaphore_mem>> -> memref<!tpu.dma_semaphore, #tpu.memory_space<semaphore_mem>>
        %dma_start3A_65 = arith.constant 0 : i32
        %dma_start3A_66 = arith.constant 0 : i32
        %dma_start3A_67 = tpu.memref_slice %run_scoped3A[%rem3A_55, %dma_start3A_65, %dma_start3A_66] : memref<2x1x128xi32, #tpu.memory_space<vmem>> -> memref<1x1x128xi32, #tpu.memory_space<vmem>>
        %dma_start3A_68 = tpu.memref_squeeze %dma_start3A_67 : memref<1x1x128xi32, #tpu.memory_space<vmem>> -> memref<1x128xi32, #tpu.memory_space<vmem>>
        %dma_start3A_69 = arith.constant 0 : i32
        %dma_start3A_70 = tpu.memref_slice %arg3[%dma_start3A_69, %mul3A_57] : memref<1x1536xi32, #tpu.memory_space<hbm>> -> memref<1x128xi32, #tpu.memory_space<hbm>>
        tpu.enqueue_dma source(%dma_start3A_70 : memref<1x128xi32, #tpu.memory_space<hbm>>) target(%dma_start3A_68 : memref<1x128xi32, #tpu.memory_space<vmem>>) target_semaphore(%dma_start3A_64 : memref<!tpu.dma_semaphore, #tpu.memory_space<semaphore_mem>>)
        %add3A_71 = arith.constant 0 : i32
        %add3A_72 = arith.constant 1 : i32
        %add3A_73 = arith.addi %add3A_71, %add3A_72 : i32
        %select_n3A_74 = arith.constant true
        %select_n3A_75 = arith.constant 0 : i32
        %select_n3A_76 = arith.select %select_n3A_74, %add3A_73, %select_n3A_75 : i32
        %while3A = arith.constant 0 : i32
        %while3A_77 = arith.constant 0 : i32
        %while3A_78 = arith.constant 0 : i32
        %while3A_79 = arith.constant 0 : i32
        %while3A_80 = arith.constant 0 : i32
        "tpu.trace_stop"() : () -> ()
        %while3A_81 = arith.subi %mul3A_16, %while3A : i32
        %while3A_82 = arith.addi %while3A, %while3A_81 : i32
        %while3A_83 = arith.constant 1 : i32
        %while3A_84 = arith.divsi %while3A_81, %while3A_83 : i32
        %while3A_85 = arith.muli %while3A_84, %while3A_83 : i32
        %while3A_86 = arith.addi %while3A, %while3A_85 : i32
        %while3A_87 = arith.constant 1 : i32
        %while3A_88:5 = scf.for %while3A_142 = %while3A to %while3A_86 step %while3A_87 iter_args(%while3A_143 = %select_n3A_76, %while3A_144 = %while3A_77, %while3A_145 = %while3A_78, %while3A_146 = %while3A_79, %while3A_147 = %while3A_80) -> (i32, i32, i32, i32, i32)  : i32 {
          %mul3A_148 = arith.constant 1 : i32
          %mul3A_149 = arith.muli %mul3A_148, %select_n3A : i32
          %eq3A_150 = arith.constant 0 : i32
          %eq3A_151 = arith.cmpi eq, %while3A_142, %eq3A_150 : i32
          %sub3A_152 = arith.constant 1 : i32
          %sub3A_153 = arith.subi %mul3A_149, %sub3A_152 : i32
          %eq3A_154 = arith.cmpi eq, %while3A_142, %sub3A_153 : i32
          %add3A_155 = arith.addi %while3A_147, %select_n3A_14 : i32
          %sub3A_156 = arith.constant 1 : i32
          %sub3A_157 = arith.subi %while3A_147, %sub3A_156 : i32
          %select_n3A_158 = arith.constant true
          %select_n3A_159 = arith.select %select_n3A_158, %sub3A_157, %while3A_147 : i32
          %eq3A_160 = arith.constant -1 : i32
          %eq3A_161 = arith.cmpi eq, %select_n3A_159, %eq3A_160 : i32
          %sub3A_162 = arith.constant 1 : i32
          %sub3A_163 = arith.subi %select_n3A, %sub3A_162 : i32
          %select_n3A_164 = arith.select %eq3A_161, %sub3A_163, %select_n3A_159 : i32
          %add3A_165 = arith.addi %select_n3A_164, %select_n3A_14 : i32
          %add3A_166 = arith.constant 1 : i32
          %add3A_167 = arith.addi %while3A_147, %add3A_166 : i32
          %select_n3A_168 = arith.constant true
          %select_n3A_169 = arith.select %select_n3A_168, %add3A_167, %while3A_147 : i32
          %eq3A_170 = arith.cmpi eq, %select_n3A_169, %select_n3A : i32
          %select_n3A_171 = arith.constant 0 : i32
          %select_n3A_172 = arith.select %eq3A_170, %select_n3A_171, %select_n3A_169 : i32
          %add3A_173 = arith.addi %select_n3A_172, %select_n3A_14 : i32
          %add3A_174 = arith.constant 1 : i32
          %add3A_175 = arith.addi %select_n3A_172, %add3A_174 : i32
          %select_n3A_176 = arith.constant true
          %select_n3A_177 = arith.select %select_n3A_176, %add3A_175, %select_n3A_172 : i32
          %eq3A_178 = arith.cmpi eq, %select_n3A_177, %select_n3A : i32
          %select_n3A_179 = arith.constant 0 : i32
          %select_n3A_180 = arith.select %eq3A_178, %select_n3A_179, %select_n3A_177 : i32
          %add3A_181 = arith.addi %select_n3A_180, %select_n3A_14 : i32
          %ne3A = arith.cmpi ne, %add3A_155, %add3A_173 : i32
          %or3A = arith.constant false
          %or3A_182 = arith.ori %or3A, %ne3A : i1
          %sub3A_183 = arith.constant 2 : i32
          %sub3A_184 = arith.subi %mul3A_149, %sub3A_183 : i32
          %add3A_185 = arith.constant 1 : i32
          %add3A_186 = arith.addi %sub3A_184, %add3A_185 : i32
          %ge3A = arith.cmpi sge, %while3A_142, %add3A_186 : i32
          %not3A = arith.constant true
          %not3A_187 = arith.xori %ge3A, %not3A : i1
          %and3A = arith.andi %or3A_182, %not3A_187 : i1
          %convert_element_type3A_188 = arith.extui %and3A : i1 to i32
          %cond3A_189 = arith.constant 0 : i32
          %cond3A_190 = arith.cmpi ne, %convert_element_type3A_188, %cond3A_189 : i32
          scf.if %cond3A_190 {
            "tpu.trace_start"() <{level = 10 : i32, message = "ep_copy_in"}> : () -> ()
            %rem3A_294 = arith.constant 2 : i32
            %rem3A_295 = arith.remui %while3A_143, %rem3A_294 : i32
            %mul3A_296 = arith.constant 128 : i32
            %mul3A_297 = arith.muli %mul3A_296, %add3A_173 : i32
            %dma_start3A_298 = arith.constant 0 : i32
            %dma_start3A_299 = arith.constant 0 : i32
            %dma_start3A_300 = tpu.memref_slice %run_scoped3A[%rem3A_295, %dma_start3A_298, %dma_start3A_299] : memref<2x1x128xi32, #tpu.memory_space<vmem>> -> memref<1x1x128xi32, #tpu.memory_space<vmem>>
            %dma_start3A_301 = tpu.memref_squeeze %dma_start3A_300 : memref<1x1x128xi32, #tpu.memory_space<vmem>> -> memref<1x128xi32, #tpu.memory_space<vmem>>
            %dma_start3A_302 = arith.constant 0 : i32
            %dma_start3A_303 = tpu.memref_slice %arg3[%dma_start3A_302, %mul3A_297] : memref<1x1536xi32, #tpu.memory_space<hbm>> -> memref<1x128xi32, #tpu.memory_space<hbm>>
            %dma_start3A_304 = tpu.memref_slice %run_scoped3A_17[%rem3A_295] : memref<2x!tpu.dma_semaphore, #tpu.memory_space<semaphore_mem>> -> memref<1x!tpu.dma_semaphore, #tpu.memory_space<semaphore_mem>>
            %dma_start3A_305 = tpu.memref_squeeze %dma_start3A_304 : memref<1x!tpu.dma_semaphore, #tpu.memory_space<semaphore_mem>> -> memref<!tpu.dma_semaphore, #tpu.memory_space<semaphore_mem>>
            %dma_start3A_306 = arith.constant 0 : i32
            %dma_start3A_307 = arith.constant 0 : i32
            %dma_start3A_308 = tpu.memref_slice %run_scoped3A[%rem3A_295, %dma_start3A_306, %dma_start3A_307] : memref<2x1x128xi32, #tpu.memory_space<vmem>> -> memref<1x1x128xi32, #tpu.memory_space<vmem>>
            %dma_start3A_309 = tpu.memref_squeeze %dma_start3A_308 : memref<1x1x128xi32, #tpu.memory_space<vmem>> -> memref<1x128xi32, #tpu.memory_space<vmem>>
            %dma_start3A_310 = arith.constant 0 : i32
            %dma_start3A_311 = tpu.memref_slice %arg3[%dma_start3A_310, %mul3A_297] : memref<1x1536xi32, #tpu.memory_space<hbm>> -> memref<1x128xi32, #tpu.memory_space<hbm>>
            tpu.enqueue_dma source(%dma_start3A_311 : memref<1x128xi32, #tpu.memory_space<hbm>>) target(%dma_start3A_309 : memref<1x128xi32, #tpu.memory_space<vmem>>) target_semaphore(%dma_start3A_305 : memref<!tpu.dma_semaphore, #tpu.memory_space<semaphore_mem>>)
            "tpu.trace_stop"() : () -> ()
          } else {
          }
          %and3A_191 = arith.constant true
          %and3A_192 = arith.andi %and3A, %and3A_191 : i1
          %add3A_193 = arith.constant 1 : i32
          %add3A_194 = arith.addi %while3A_143, %add3A_193 : i32
          %select_n3A_195 = arith.select %and3A_192, %add3A_194, %while3A_143 : i32
          %ne3A_196 = arith.cmpi ne, %add3A_155, %add3A_173 : i32
          %or3A_197 = arith.constant false
          %or3A_198 = arith.ori %or3A_197, %ne3A_196 : i1
          %or3A_199 = arith.constant false
          %or3A_200 = arith.ori %or3A_198, %or3A_199 : i1
          %sub3A_201 = arith.constant 2 : i32
          %sub3A_202 = arith.subi %mul3A_149, %sub3A_201 : i32
          %add3A_203 = arith.constant 1 : i32
          %add3A_204 = arith.addi %sub3A_202, %add3A_203 : i32
          %ge3A_205 = arith.cmpi sge, %while3A_142, %add3A_204 : i32
          %not3A_206 = arith.constant true
          %not3A_207 = arith.xori %ge3A_205, %not3A_206 : i1
          %and3A_208 = arith.andi %or3A_200, %not3A_207 : i1
          %ne3A_209 = arith.cmpi ne, %add3A_155, %add3A_165 : i32
          %or3A_210 = arith.constant false
          %or3A_211 = arith.ori %or3A_210, %ne3A_209 : i1
          %or3A_212 = arith.ori %or3A_211, %eq3A_151 : i1
          %convert_element_type3A_213 = arith.extui %or3A_212 : i1 to i32
          %cond3A_214 = arith.constant 0 : i32
          %cond3A_215 = arith.cmpi ne, %convert_element_type3A_213, %cond3A_214 : i32
          scf.if %cond3A_215 {
            "tpu.trace_start"() <{level = 10 : i32, message = "ep_wait_in"}> : () -> ()
            %mul3A_294 = arith.constant 128 : i32
            %mul3A_295 = arith.muli %mul3A_294, %add3A_155 : i32
            %rem3A_296 = arith.constant 2 : i32
            %rem3A_297 = arith.remui %while3A_144, %rem3A_296 : i32
            %dma_wait3A = arith.constant 0 : i32
            %dma_wait3A_298 = arith.constant 0 : i32
            %dma_wait3A_299 = tpu.memref_slice %run_scoped3A[%rem3A_297, %dma_wait3A, %dma_wait3A_298] : memref<2x1x128xi32, #tpu.memory_space<vmem>> -> memref<1x1x128xi32, #tpu.memory_space<vmem>>
            %dma_wait3A_300 = tpu.memref_squeeze %dma_wait3A_299 : memref<1x1x128xi32, #tpu.memory_space<vmem>> -> memref<1x128xi32, #tpu.memory_space<vmem>>
            %dma_wait3A_301 = arith.constant 0 : i32
            %dma_wait3A_302 = tpu.memref_slice %arg3[%dma_wait3A_301, %mul3A_295] : memref<1x1536xi32, #tpu.memory_space<hbm>> -> memref<1x128xi32, #tpu.memory_space<hbm>>
            %dma_wait3A_303 = tpu.memref_slice %run_scoped3A_17[%rem3A_297] : memref<2x!tpu.dma_semaphore, #tpu.memory_space<semaphore_mem>> -> memref<1x!tpu.dma_semaphore, #tpu.memory_space<semaphore_mem>>
            %dma_wait3A_304 = tpu.memref_squeeze %dma_wait3A_303 : memref<1x!tpu.dma_semaphore, #tpu.memory_space<semaphore_mem>> -> memref<!tpu.dma_semaphore, #tpu.memory_space<semaphore_mem>>
            %dma_wait3A_305 = arith.constant 0 : i32
            %dma_wait3A_306 = arith.constant 0 : i32
            %dma_wait3A_307 = tpu.memref_slice %run_scoped3A[%rem3A_297, %dma_wait3A_305, %dma_wait3A_306] : memref<2x1x128xi32, #tpu.memory_space<vmem>> -> memref<1x1x128xi32, #tpu.memory_space<vmem>>
            %dma_wait3A_308 = tpu.memref_squeeze %dma_wait3A_307 : memref<1x1x128xi32, #tpu.memory_space<vmem>> -> memref<1x128xi32, #tpu.memory_space<vmem>>
            %dma_wait3A_309 = arith.constant 0 : i32
            %dma_wait3A_310 = tpu.memref_slice %arg3[%dma_wait3A_309, %mul3A_295] : memref<1x1536xi32, #tpu.memory_space<hbm>> -> memref<1x128xi32, #tpu.memory_space<hbm>>
            tpu.wait_dma2 semaphore(%dma_wait3A_304 : memref<!tpu.dma_semaphore, #tpu.memory_space<semaphore_mem>>) src(%dma_wait3A_310 : memref<1x128xi32, #tpu.memory_space<hbm>>) dst(%dma_wait3A_308 : memref<1x128xi32, #tpu.memory_space<vmem>>)
            "tpu.trace_stop"() : () -> ()
          } else {
          }
          %ne3A_216 = arith.cmpi ne, %add3A_155, %add3A_165 : i32
          %or3A_217 = arith.constant false
          %or3A_218 = arith.ori %or3A_217, %ne3A_216 : i1
          %or3A_219 = arith.constant false
          %or3A_220 = arith.ori %or3A_218, %or3A_219 : i1
          %or3A_221 = arith.ori %or3A_220, %eq3A_151 : i1
          %convert_element_type3A_222 = arith.extui %or3A_221 : i1 to i32
          %cond3A_223 = arith.constant 0 : i32
          %cond3A_224 = arith.cmpi ne, %convert_element_type3A_222, %cond3A_223 : i32
          scf.if %cond3A_224 {
          } else {
          }
          %rem3A_225 = arith.constant 2 : i32
          %rem3A_226 = arith.remui %while3A_144, %rem3A_225 : i32
          %rem3A_227 = arith.constant 2 : i32
          %rem3A_228 = arith.remui %while3A_145, %rem3A_227 : i32
          %run_scoped3A_229 = arith.constant 0 : i32
          "tpu.trace_start"() <{level = 10 : i32, message = "ep_run_kernel"}> : () -> ()
          "tpu.region"() ({
            %run_scoped3A_294 = tpu.sem_alloc : memref<!tpu.dma_semaphore, #tpu.memory_space<semaphore_mem>>
            %dma_start3A_295 = arith.constant 0 : i32
            %dma_start3A_296 = arith.constant 0 : i32
            %dma_start3A_297 = tpu.memref_slice %run_scoped3A_18[%rem3A_228, %dma_start3A_295, %dma_start3A_296] : memref<2x128x128xf32, #tpu.memory_space<vmem>> -> memref<1x128x128xf32, #tpu.memory_space<vmem>>
            %dma_start3A_298 = tpu.memref_squeeze %dma_start3A_297 : memref<1x128x128xf32, #tpu.memory_space<vmem>> -> memref<128x128xf32, #tpu.memory_space<vmem>>
            %dma_start3A_299 = arith.constant 0 : i32
            %dma_start3A_300 = arith.constant 0 : i32
            %dma_start3A_301 = tpu.memref_slice %run_scoped3A[%rem3A_226, %dma_start3A_299, %dma_start3A_300] : memref<2x1x128xi32, #tpu.memory_space<vmem>> -> memref<1x1x128xi32, #tpu.memory_space<vmem>>
            %dma_start3A_302 = tpu.memref_squeeze %dma_start3A_301 : memref<1x1x128xi32, #tpu.memory_space<vmem>> -> memref<1x128xi32, #tpu.memory_space<vmem>>
            %dma_start3A_303 = arith.constant 0 : i32
            %dma_start3A_304 = tpu.memref_slice %dma_start3A_302[%run_scoped3A_229, %dma_start3A_303] : memref<1x128xi32, #tpu.memory_space<vmem>> -> memref<1x128xi32, #tpu.memory_space<vmem>>
            %dma_start3A_305 = tpu.memref_squeeze %dma_start3A_304 : memref<1x128xi32, #tpu.memory_space<vmem>> -> memref<128xi32, #tpu.memory_space<vmem>>
            %dma_start3A_306 = arith.constant 0 : i32
            %dma_start3A_307 = arith.constant 0 : i32
            %dma_start3A_308 = tpu.memref_slice %arg2[%dma_start3A_306, %dma_start3A_307] : memref<24576x128xf32, #tpu.memory_space<hbm>> -> memref<24576x128xf32, #tpu.memory_space<hbm>>
            tpu.enqueue_indirect_dma source(%dma_start3A_308 : memref<24576x128xf32, #tpu.memory_space<hbm>>) target(%dma_start3A_298 : memref<128x128xf32, #tpu.memory_space<vmem>>) offsets(%dma_start3A_305 : memref<128xi32, #tpu.memory_space<vmem>>) semaphore(%run_scoped3A_294 : memref<!tpu.dma_semaphore, #tpu.memory_space<semaphore_mem>>)
            %dma_wait3A = arith.constant 0 : i32
            %dma_wait3A_309 = arith.constant 0 : i32
            %dma_wait3A_310 = tpu.memref_slice %run_scoped3A_18[%rem3A_228, %dma_wait3A, %dma_wait3A_309] : memref<2x128x128xf32, #tpu.memory_space<vmem>> -> memref<1x128x128xf32, #tpu.memory_space<vmem>>
            %dma_wait3A_311 = tpu.memref_squeeze %dma_wait3A_310 : memref<1x128x128xf32, #tpu.memory_space<vmem>> -> memref<128x128xf32, #tpu.memory_space<vmem>>
            %dma_wait3A_312 = arith.constant 0 : i32
            %dma_wait3A_313 = arith.constant 0 : i32
            %dma_wait3A_314 = tpu.memref_slice %run_scoped3A[%rem3A_226, %dma_wait3A_312, %dma_wait3A_313] : memref<2x1x128xi32, #tpu.memory_space<vmem>> -> memref<1x1x128xi32, #tpu.memory_space<vmem>>
            %dma_wait3A_315 = tpu.memref_squeeze %dma_wait3A_314 : memref<1x1x128xi32, #tpu.memory_space<vmem>> -> memref<1x128xi32, #tpu.memory_space<vmem>>
            %dma_wait3A_316 = arith.constant 0 : i32
            %dma_wait3A_317 = tpu.memref_slice %dma_wait3A_315[%run_scoped3A_229, %dma_wait3A_316] : memref<1x128xi32, #tpu.memory_space<vmem>> -> memref<1x128xi32, #tpu.memory_space<vmem>>
            %dma_wait3A_318 = tpu.memref_squeeze %dma_wait3A_317 : memref<1x128xi32, #tpu.memory_space<vmem>> -> memref<128xi32, #tpu.memory_space<vmem>>
            %dma_wait3A_319 = arith.constant 0 : i32
            %dma_wait3A_320 = arith.constant 0 : i32
            %dma_wait3A_321 = tpu.memref_slice %arg2[%dma_wait3A_319, %dma_wait3A_320] : memref<24576x128xf32, #tpu.memory_space<hbm>> -> memref<24576x128xf32, #tpu.memory_space<hbm>>
            tpu.wait_indirect_dma semaphore(%run_scoped3A_294 : memref<!tpu.dma_semaphore, #tpu.memory_space<semaphore_mem>>) src(%dma_wait3A_321 : memref<24576x128xf32, #tpu.memory_space<hbm>>) dst(%dma_wait3A_311 : memref<128x128xf32, #tpu.memory_space<vmem>>)
            tpu.yield
          }) : () -> ()
          "tpu.trace_stop"() : () -> ()
          %ne3A_230 = arith.cmpi ne, %add3A_155, %add3A_173 : i32
          %or3A_231 = arith.constant false
          %or3A_232 = arith.ori %or3A_231, %ne3A_230 : i1
          %or3A_233 = arith.ori %or3A_232, %eq3A_154 : i1
          %convert_element_type3A_234 = arith.extui %or3A_233 : i1 to i32
          %cond3A_235 = arith.constant 0 : i32
          %cond3A_236 = arith.cmpi ne, %convert_element_type3A_234, %cond3A_235 : i32
          scf.if %cond3A_236 {
          } else {
          }
          %and3A_237 = arith.constant false
          %and3A_238 = arith.andi %or3A_233, %and3A_237 : i1
          %ne3A_239 = arith.cmpi ne, %add3A_155, %add3A_173 : i32
          %or3A_240 = arith.constant false
          %or3A_241 = arith.ori %or3A_240, %ne3A_239 : i1
          %or3A_242 = arith.constant false
          %or3A_243 = arith.ori %or3A_241, %or3A_242 : i1
          %or3A_244 = arith.ori %or3A_243, %eq3A_154 : i1
          %convert_element_type3A_245 = arith.extui %or3A_244 : i1 to i32
          %cond3A_246 = arith.constant 0 : i32
          %cond3A_247 = arith.cmpi ne, %convert_element_type3A_245, %cond3A_246 : i32
          scf.if %cond3A_247 {
            "tpu.trace_start"() <{level = 10 : i32, message = "ep_copy_out"}> : () -> ()
            %rem3A_294 = arith.constant 2 : i32
            %rem3A_295 = arith.remui %while3A_145, %rem3A_294 : i32
            %mul3A_296 = arith.constant 128 : i32
            %mul3A_297 = arith.muli %mul3A_296, %add3A_155 : i32
            %dma_start3A_298 = arith.constant 0 : i32
            %dma_start3A_299 = arith.constant 0 : i32
            %dma_start3A_300 = tpu.memref_slice %run_scoped3A_18[%rem3A_295, %dma_start3A_298, %dma_start3A_299] : memref<2x128x128xf32, #tpu.memory_space<vmem>> -> memref<1x128x128xf32, #tpu.memory_space<vmem>>
            %dma_start3A_301 = tpu.memref_squeeze %dma_start3A_300 : memref<1x128x128xf32, #tpu.memory_space<vmem>> -> memref<128x128xf32, #tpu.memory_space<vmem>>
            %dma_start3A_302 = arith.constant 0 : i32
            %dma_start3A_303 = tpu.memref_slice %arg4[%mul3A_297, %dma_start3A_302] : memref<1536x128xf32, #tpu.memory_space<hbm>> -> memref<128x128xf32, #tpu.memory_space<hbm>>
            %dma_start3A_304 = tpu.memref_slice %run_scoped3A_19[%rem3A_295] : memref<2x!tpu.dma_semaphore, #tpu.memory_space<semaphore_mem>> -> memref<1x!tpu.dma_semaphore, #tpu.memory_space<semaphore_mem>>
            %dma_start3A_305 = tpu.memref_squeeze %dma_start3A_304 : memref<1x!tpu.dma_semaphore, #tpu.memory_space<semaphore_mem>> -> memref<!tpu.dma_semaphore, #tpu.memory_space<semaphore_mem>>
            %dma_start3A_306 = arith.constant 0 : i32
            %dma_start3A_307 = tpu.memref_slice %arg4[%mul3A_297, %dma_start3A_306] : memref<1536x128xf32, #tpu.memory_space<hbm>> -> memref<128x128xf32, #tpu.memory_space<hbm>>
            %dma_start3A_308 = arith.constant 0 : i32
            %dma_start3A_309 = arith.constant 0 : i32
            %dma_start3A_310 = tpu.memref_slice %run_scoped3A_18[%rem3A_295, %dma_start3A_308, %dma_start3A_309] : memref<2x128x128xf32, #tpu.memory_space<vmem>> -> memref<1x128x128xf32, #tpu.memory_space<vmem>>
            %dma_start3A_311 = tpu.memref_squeeze %dma_start3A_310 : memref<1x128x128xf32, #tpu.memory_space<vmem>> -> memref<128x128xf32, #tpu.memory_space<vmem>>
            tpu.enqueue_dma source(%dma_start3A_311 : memref<128x128xf32, #tpu.memory_space<vmem>>) target(%dma_start3A_307 : memref<128x128xf32, #tpu.memory_space<hbm>>) target_semaphore(%dma_start3A_305 : memref<!tpu.dma_semaphore, #tpu.memory_space<semaphore_mem>>)
            "tpu.trace_stop"() : () -> ()
          } else {
          }
          %and3A_248 = arith.constant true
          %and3A_249 = arith.andi %or3A_244, %and3A_248 : i1
          %add3A_250 = arith.constant 1 : i32
          %add3A_251 = arith.addi %while3A_145, %add3A_250 : i32
          %select_n3A_252 = arith.select %and3A_249, %add3A_251, %while3A_145 : i32
          %ne3A_253 = arith.cmpi ne, %add3A_155, %add3A_165 : i32
          %or3A_254 = arith.constant false
          %or3A_255 = arith.ori %or3A_254, %ne3A_253 : i1
          %not3A_256 = arith.constant true
          %not3A_257 = arith.xori %eq3A_151, %not3A_256 : i1
          %and3A_258 = arith.andi %or3A_255, %not3A_257 : i1
          %convert_element_type3A_259 = arith.extui %and3A_258 : i1 to i32
          %cond3A_260 = arith.constant 0 : i32
          %cond3A_261 = arith.cmpi ne, %convert_element_type3A_259, %cond3A_260 : i32
          scf.if %cond3A_261 {
          } else {
          }
          %and3A_262 = arith.constant false
          %and3A_263 = arith.andi %and3A_258, %and3A_262 : i1
          %ne3A_264 = arith.cmpi ne, %add3A_155, %add3A_165 : i32
          %or3A_265 = arith.constant false
          %or3A_266 = arith.ori %or3A_265, %ne3A_264 : i1
          %or3A_267 = arith.constant false
          %or3A_268 = arith.ori %or3A_266, %or3A_267 : i1
          %not3A_269 = arith.constant true
          %not3A_270 = arith.xori %eq3A_151, %not3A_269 : i1
          %and3A_271 = arith.andi %or3A_268, %not3A_270 : i1
          %convert_element_type3A_272 = arith.extui %and3A_271 : i1 to i32
          %cond3A_273 = arith.constant 0 : i32
          %cond3A_274 = arith.cmpi ne, %convert_element_type3A_272, %cond3A_273 : i32
          scf.if %cond3A_274 {
            "tpu.trace_start"() <{level = 10 : i32, message = "ep_wait_out"}> : () -> ()
            %rem3A_294 = arith.constant 2 : i32
            %rem3A_295 = arith.remui %while3A_146, %rem3A_294 : i32
            %mul3A_296 = arith.constant 128 : i32
            %mul3A_297 = arith.muli %mul3A_296, %add3A_165 : i32
            %dma_wait3A = arith.constant 0 : i32
            %dma_wait3A_298 = arith.constant 0 : i32
            %dma_wait3A_299 = tpu.memref_slice %run_scoped3A_18[%rem3A_295, %dma_wait3A, %dma_wait3A_298] : memref<2x128x128xf32, #tpu.memory_space<vmem>> -> memref<1x128x128xf32, #tpu.memory_space<vmem>>
            %dma_wait3A_300 = tpu.memref_squeeze %dma_wait3A_299 : memref<1x128x128xf32, #tpu.memory_space<vmem>> -> memref<128x128xf32, #tpu.memory_space<vmem>>
            %dma_wait3A_301 = arith.constant 0 : i32
            %dma_wait3A_302 = tpu.memref_slice %arg4[%mul3A_297, %dma_wait3A_301] : memref<1536x128xf32, #tpu.memory_space<hbm>> -> memref<128x128xf32, #tpu.memory_space<hbm>>
            %dma_wait3A_303 = tpu.memref_slice %run_scoped3A_19[%rem3A_295] : memref<2x!tpu.dma_semaphore, #tpu.memory_space<semaphore_mem>> -> memref<1x!tpu.dma_semaphore, #tpu.memory_space<semaphore_mem>>
            %dma_wait3A_304 = tpu.memref_squeeze %dma_wait3A_303 : memref<1x!tpu.dma_semaphore, #tpu.memory_space<semaphore_mem>> -> memref<!tpu.dma_semaphore, #tpu.memory_space<semaphore_mem>>
            %dma_wait3A_305 = arith.constant 0 : i32
            %dma_wait3A_306 = tpu.memref_slice %arg4[%mul3A_297, %dma_wait3A_305] : memref<1536x128xf32, #tpu.memory_space<hbm>> -> memref<128x128xf32, #tpu.memory_space<hbm>>
            %dma_wait3A_307 = arith.constant 0 : i32
            %dma_wait3A_308 = arith.constant 0 : i32
            %dma_wait3A_309 = tpu.memref_slice %run_scoped3A_18[%rem3A_295, %dma_wait3A_307, %dma_wait3A_308] : memref<2x128x128xf32, #tpu.memory_space<vmem>> -> memref<1x128x128xf32, #tpu.memory_space<vmem>>
            %dma_wait3A_310 = tpu.memref_squeeze %dma_wait3A_309 : memref<1x128x128xf32, #tpu.memory_space<vmem>> -> memref<128x128xf32, #tpu.memory_space<vmem>>
            tpu.wait_dma2 semaphore(%dma_wait3A_304 : memref<!tpu.dma_semaphore, #tpu.memory_space<semaphore_mem>>) src(%dma_wait3A_310 : memref<128x128xf32, #tpu.memory_space<vmem>>) dst(%dma_wait3A_306 : memref<128x128xf32, #tpu.memory_space<hbm>>)
            "tpu.trace_stop"() : () -> ()
          } else {
          }
          %and3A_275 = arith.constant true
          %and3A_276 = arith.andi %and3A_271, %and3A_275 : i1
          %add3A_277 = arith.constant 1 : i32
          %add3A_278 = arith.addi %while3A_146, %add3A_277 : i32
          %select_n3A_279 = arith.select %and3A_276, %add3A_278, %while3A_146 : i32
          %ne3A_280 = arith.cmpi ne, %add3A_155, %add3A_173 : i32
          %or3A_281 = arith.constant false
          %or3A_282 = arith.ori %or3A_281, %ne3A_280 : i1
          %or3A_283 = arith.ori %or3A_282, %eq3A_154 : i1
          %add3A_284 = arith.constant 1 : i32
          %add3A_285 = arith.addi %while3A_144, %add3A_284 : i32
          %select_n3A_286 = arith.select %or3A_283, %add3A_285, %while3A_144 : i32
          %add3A_287 = arith.constant 1 : i32
          %add3A_288 = arith.addi %while3A_147, %add3A_287 : i32
          %select_n3A_289 = arith.constant true
          %select_n3A_290 = arith.select %select_n3A_289, %add3A_288, %while3A_147 : i32
          %eq3A_291 = arith.cmpi eq, %select_n3A_290, %select_n3A : i32
          %select_n3A_292 = arith.constant 0 : i32
          %select_n3A_293 = arith.select %eq3A_291, %select_n3A_292, %select_n3A_290 : i32
          scf.yield %select_n3A_195, %select_n3A_286, %select_n3A_252, %select_n3A_279, %select_n3A_293 : i32, i32, i32, i32, i32
        }
        %while3A_89 = arith.constant 1 : i32
        %while3A_90:5 = scf.for %while3A_142 = %while3A_86 to %while3A_82 step %while3A_89 iter_args(%while3A_143 = %while3A_88#0, %while3A_144 = %while3A_88#1, %while3A_145 = %while3A_88#2, %while3A_146 = %while3A_88#3, %while3A_147 = %while3A_88#4) -> (i32, i32, i32, i32, i32)  : i32 {
          %mul3A_148 = arith.constant 1 : i32
          %mul3A_149 = arith.muli %mul3A_148, %select_n3A : i32
          %eq3A_150 = arith.constant 0 : i32
          %eq3A_151 = arith.cmpi eq, %while3A_142, %eq3A_150 : i32
          %sub3A_152 = arith.constant 1 : i32
          %sub3A_153 = arith.subi %mul3A_149, %sub3A_152 : i32
          %eq3A_154 = arith.cmpi eq, %while3A_142, %sub3A_153 : i32
          %add3A_155 = arith.addi %while3A_147, %select_n3A_14 : i32
          %sub3A_156 = arith.constant 1 : i32
          %sub3A_157 = arith.subi %while3A_147, %sub3A_156 : i32
          %select_n3A_158 = arith.constant true
          %select_n3A_159 = arith.select %select_n3A_158, %sub3A_157, %while3A_147 : i32
          %eq3A_160 = arith.constant -1 : i32
          %eq3A_161 = arith.cmpi eq, %select_n3A_159, %eq3A_160 : i32
          %sub3A_162 = arith.constant 1 : i32
          %sub3A_163 = arith.subi %select_n3A, %sub3A_162 : i32
          %select_n3A_164 = arith.select %eq3A_161, %sub3A_163, %select_n3A_159 : i32
          %add3A_165 = arith.addi %select_n3A_164, %select_n3A_14 : i32
          %add3A_166 = arith.constant 1 : i32
          %add3A_167 = arith.addi %while3A_147, %add3A_166 : i32
          %select_n3A_168 = arith.constant true
          %select_n3A_169 = arith.select %select_n3A_168, %add3A_167, %while3A_147 : i32
          %eq3A_170 = arith.cmpi eq, %select_n3A_169, %select_n3A : i32
          %select_n3A_171 = arith.constant 0 : i32
          %select_n3A_172 = arith.select %eq3A_170, %select_n3A_171, %select_n3A_169 : i32
          %add3A_173 = arith.addi %select_n3A_172, %select_n3A_14 : i32
          %add3A_174 = arith.constant 1 : i32
          %add3A_175 = arith.addi %select_n3A_172, %add3A_174 : i32
          %select_n3A_176 = arith.constant true
          %select_n3A_177 = arith.select %select_n3A_176, %add3A_175, %select_n3A_172 : i32
          %eq3A_178 = arith.cmpi eq, %select_n3A_177, %select_n3A : i32
          %select_n3A_179 = arith.constant 0 : i32
          %select_n3A_180 = arith.select %eq3A_178, %select_n3A_179, %select_n3A_177 : i32
          %add3A_181 = arith.addi %select_n3A_180, %select_n3A_14 : i32
          %ne3A = arith.cmpi ne, %add3A_155, %add3A_173 : i32
          %or3A = arith.constant false
          %or3A_182 = arith.ori %or3A, %ne3A : i1
          %sub3A_183 = arith.constant 2 : i32
          %sub3A_184 = arith.subi %mul3A_149, %sub3A_183 : i32
          %add3A_185 = arith.constant 1 : i32
          %add3A_186 = arith.addi %sub3A_184, %add3A_185 : i32
          %ge3A = arith.cmpi sge, %while3A_142, %add3A_186 : i32
          %not3A = arith.constant true
          %not3A_187 = arith.xori %ge3A, %not3A : i1
          %and3A = arith.andi %or3A_182, %not3A_187 : i1
          %convert_element_type3A_188 = arith.extui %and3A : i1 to i32
          %cond3A_189 = arith.constant 0 : i32
          %cond3A_190 = arith.cmpi ne, %convert_element_type3A_188, %cond3A_189 : i32
          scf.if %cond3A_190 {
            "tpu.trace_start"() <{level = 10 : i32, message = "ep_copy_in"}> : () -> ()
            %rem3A_294 = arith.constant 2 : i32
            %rem3A_295 = arith.remui %while3A_143, %rem3A_294 : i32
            %mul3A_296 = arith.constant 128 : i32
            %mul3A_297 = arith.muli %mul3A_296, %add3A_173 : i32
            %dma_start3A_298 = arith.constant 0 : i32
            %dma_start3A_299 = arith.constant 0 : i32
            %dma_start3A_300 = tpu.memref_slice %run_scoped3A[%rem3A_295, %dma_start3A_298, %dma_start3A_299] : memref<2x1x128xi32, #tpu.memory_space<vmem>> -> memref<1x1x128xi32, #tpu.memory_space<vmem>>
            %dma_start3A_301 = tpu.memref_squeeze %dma_start3A_300 : memref<1x1x128xi32, #tpu.memory_space<vmem>> -> memref<1x128xi32, #tpu.memory_space<vmem>>
            %dma_start3A_302 = arith.constant 0 : i32
            %dma_start3A_303 = tpu.memref_slice %arg3[%dma_start3A_302, %mul3A_297] : memref<1x1536xi32, #tpu.memory_space<hbm>> -> memref<1x128xi32, #tpu.memory_space<hbm>>
            %dma_start3A_304 = tpu.memref_slice %run_scoped3A_17[%rem3A_295] : memref<2x!tpu.dma_semaphore, #tpu.memory_space<semaphore_mem>> -> memref<1x!tpu.dma_semaphore, #tpu.memory_space<semaphore_mem>>
            %dma_start3A_305 = tpu.memref_squeeze %dma_start3A_304 : memref<1x!tpu.dma_semaphore, #tpu.memory_space<semaphore_mem>> -> memref<!tpu.dma_semaphore, #tpu.memory_space<semaphore_mem>>
            %dma_start3A_306 = arith.constant 0 : i32
            %dma_start3A_307 = arith.constant 0 : i32
            %dma_start3A_308 = tpu.memref_slice %run_scoped3A[%rem3A_295, %dma_start3A_306, %dma_start3A_307] : memref<2x1x128xi32, #tpu.memory_space<vmem>> -> memref<1x1x128xi32, #tpu.memory_space<vmem>>
            %dma_start3A_309 = tpu.memref_squeeze %dma_start3A_308 : memref<1x1x128xi32, #tpu.memory_space<vmem>> -> memref<1x128xi32, #tpu.memory_space<vmem>>
            %dma_start3A_310 = arith.constant 0 : i32
            %dma_start3A_311 = tpu.memref_slice %arg3[%dma_start3A_310, %mul3A_297] : memref<1x1536xi32, #tpu.memory_space<hbm>> -> memref<1x128xi32, #tpu.memory_space<hbm>>
            tpu.enqueue_dma source(%dma_start3A_311 : memref<1x128xi32, #tpu.memory_space<hbm>>) target(%dma_start3A_309 : memref<1x128xi32, #tpu.memory_space<vmem>>) target_semaphore(%dma_start3A_305 : memref<!tpu.dma_semaphore, #tpu.memory_space<semaphore_mem>>)
            "tpu.trace_stop"() : () -> ()
          } else {
          }
          %and3A_191 = arith.constant true
          %and3A_192 = arith.andi %and3A, %and3A_191 : i1
          %add3A_193 = arith.constant 1 : i32
          %add3A_194 = arith.addi %while3A_143, %add3A_193 : i32
          %select_n3A_195 = arith.select %and3A_192, %add3A_194, %while3A_143 : i32
          %ne3A_196 = arith.cmpi ne, %add3A_155, %add3A_173 : i32
          %or3A_197 = arith.constant false
          %or3A_198 = arith.ori %or3A_197, %ne3A_196 : i1
          %or3A_199 = arith.constant false
          %or3A_200 = arith.ori %or3A_198, %or3A_199 : i1
          %sub3A_201 = arith.constant 2 : i32
          %sub3A_202 = arith.subi %mul3A_149, %sub3A_201 : i32
          %add3A_203 = arith.constant 1 : i32
          %add3A_204 = arith.addi %sub3A_202, %add3A_203 : i32
          %ge3A_205 = arith.cmpi sge, %while3A_142, %add3A_204 : i32
          %not3A_206 = arith.constant true
          %not3A_207 = arith.xori %ge3A_205, %not3A_206 : i1
          %and3A_208 = arith.andi %or3A_200, %not3A_207 : i1
          %ne3A_209 = arith.cmpi ne, %add3A_155, %add3A_165 : i32
          %or3A_210 = arith.constant false
          %or3A_211 = arith.ori %or3A_210, %ne3A_209 : i1
          %or3A_212 = arith.ori %or3A_211, %eq3A_151 : i1
          %convert_element_type3A_213 = arith.extui %or3A_212 : i1 to i32
          %cond3A_214 = arith.constant 0 : i32
          %cond3A_215 = arith.cmpi ne, %convert_element_type3A_213, %cond3A_214 : i32
          scf.if %cond3A_215 {
            "tpu.trace_start"() <{level = 10 : i32, message = "ep_wait_in"}> : () -> ()
            %mul3A_294 = arith.constant 128 : i32
            %mul3A_295 = arith.muli %mul3A_294, %add3A_155 : i32
            %rem3A_296 = arith.constant 2 : i32
            %rem3A_297 = arith.remui %while3A_144, %rem3A_296 : i32
            %dma_wait3A = arith.constant 0 : i32
            %dma_wait3A_298 = arith.constant 0 : i32
            %dma_wait3A_299 = tpu.memref_slice %run_scoped3A[%rem3A_297, %dma_wait3A, %dma_wait3A_298] : memref<2x1x128xi32, #tpu.memory_space<vmem>> -> memref<1x1x128xi32, #tpu.memory_space<vmem>>
            %dma_wait3A_300 = tpu.memref_squeeze %dma_wait3A_299 : memref<1x1x128xi32, #tpu.memory_space<vmem>> -> memref<1x128xi32, #tpu.memory_space<vmem>>
            %dma_wait3A_301 = arith.constant 0 : i32
            %dma_wait3A_302 = tpu.memref_slice %arg3[%dma_wait3A_301, %mul3A_295] : memref<1x1536xi32, #tpu.memory_space<hbm>> -> memref<1x128xi32, #tpu.memory_space<hbm>>
            %dma_wait3A_303 = tpu.memref_slice %run_scoped3A_17[%rem3A_297] : memref<2x!tpu.dma_semaphore, #tpu.memory_space<semaphore_mem>> -> memref<1x!tpu.dma_semaphore, #tpu.memory_space<semaphore_mem>>
            %dma_wait3A_304 = tpu.memref_squeeze %dma_wait3A_303 : memref<1x!tpu.dma_semaphore, #tpu.memory_space<semaphore_mem>> -> memref<!tpu.dma_semaphore, #tpu.memory_space<semaphore_mem>>
            %dma_wait3A_305 = arith.constant 0 : i32
            %dma_wait3A_306 = arith.constant 0 : i32
            %dma_wait3A_307 = tpu.memref_slice %run_scoped3A[%rem3A_297, %dma_wait3A_305, %dma_wait3A_306] : memref<2x1x128xi32, #tpu.memory_space<vmem>> -> memref<1x1x128xi32, #tpu.memory_space<vmem>>
            %dma_wait3A_308 = tpu.memref_squeeze %dma_wait3A_307 : memref<1x1x128xi32, #tpu.memory_space<vmem>> -> memref<1x128xi32, #tpu.memory_space<vmem>>
            %dma_wait3A_309 = arith.constant 0 : i32
            %dma_wait3A_310 = tpu.memref_slice %arg3[%dma_wait3A_309, %mul3A_295] : memref<1x1536xi32, #tpu.memory_space<hbm>> -> memref<1x128xi32, #tpu.memory_space<hbm>>
            tpu.wait_dma2 semaphore(%dma_wait3A_304 : memref<!tpu.dma_semaphore, #tpu.memory_space<semaphore_mem>>) src(%dma_wait3A_310 : memref<1x128xi32, #tpu.memory_space<hbm>>) dst(%dma_wait3A_308 : memref<1x128xi32, #tpu.memory_space<vmem>>)
            "tpu.trace_stop"() : () -> ()
          } else {
          }
          %ne3A_216 = arith.cmpi ne, %add3A_155, %add3A_165 : i32
          %or3A_217 = arith.constant false
          %or3A_218 = arith.ori %or3A_217, %ne3A_216 : i1
          %or3A_219 = arith.constant false
          %or3A_220 = arith.ori %or3A_218, %or3A_219 : i1
          %or3A_221 = arith.ori %or3A_220, %eq3A_151 : i1
          %convert_element_type3A_222 = arith.extui %or3A_221 : i1 to i32
          %cond3A_223 = arith.constant 0 : i32
          %cond3A_224 = arith.cmpi ne, %convert_element_type3A_222, %cond3A_223 : i32
          scf.if %cond3A_224 {
          } else {
          }
          %rem3A_225 = arith.constant 2 : i32
          %rem3A_226 = arith.remui %while3A_144, %rem3A_225 : i32
          %rem3A_227 = arith.constant 2 : i32
          %rem3A_228 = arith.remui %while3A_145, %rem3A_227 : i32
          %run_scoped3A_229 = arith.constant 0 : i32
          "tpu.trace_start"() <{level = 10 : i32, message = "ep_run_kernel"}> : () -> ()
          "tpu.region"() ({
            %run_scoped3A_294 = tpu.sem_alloc : memref<!tpu.dma_semaphore, #tpu.memory_space<semaphore_mem>>
            %dma_start3A_295 = arith.constant 0 : i32
            %dma_start3A_296 = arith.constant 0 : i32
            %dma_start3A_297 = tpu.memref_slice %run_scoped3A_18[%rem3A_228, %dma_start3A_295, %dma_start3A_296] : memref<2x128x128xf32, #tpu.memory_space<vmem>> -> memref<1x128x128xf32, #tpu.memory_space<vmem>>
            %dma_start3A_298 = tpu.memref_squeeze %dma_start3A_297 : memref<1x128x128xf32, #tpu.memory_space<vmem>> -> memref<128x128xf32, #tpu.memory_space<vmem>>
            %dma_start3A_299 = arith.constant 0 : i32
            %dma_start3A_300 = arith.constant 0 : i32
            %dma_start3A_301 = tpu.memref_slice %run_scoped3A[%rem3A_226, %dma_start3A_299, %dma_start3A_300] : memref<2x1x128xi32, #tpu.memory_space<vmem>> -> memref<1x1x128xi32, #tpu.memory_space<vmem>>
            %dma_start3A_302 = tpu.memref_squeeze %dma_start3A_301 : memref<1x1x128xi32, #tpu.memory_space<vmem>> -> memref<1x128xi32, #tpu.memory_space<vmem>>
            %dma_start3A_303 = arith.constant 0 : i32
            %dma_start3A_304 = tpu.memref_slice %dma_start3A_302[%run_scoped3A_229, %dma_start3A_303] : memref<1x128xi32, #tpu.memory_space<vmem>> -> memref<1x128xi32, #tpu.memory_space<vmem>>
            %dma_start3A_305 = tpu.memref_squeeze %dma_start3A_304 : memref<1x128xi32, #tpu.memory_space<vmem>> -> memref<128xi32, #tpu.memory_space<vmem>>
            %dma_start3A_306 = arith.constant 0 : i32
            %dma_start3A_307 = arith.constant 0 : i32
            %dma_start3A_308 = tpu.memref_slice %arg2[%dma_start3A_306, %dma_start3A_307] : memref<24576x128xf32, #tpu.memory_space<hbm>> -> memref<24576x128xf32, #tpu.memory_space<hbm>>
            tpu.enqueue_indirect_dma source(%dma_start3A_308 : memref<24576x128xf32, #tpu.memory_space<hbm>>) target(%dma_start3A_298 : memref<128x128xf32, #tpu.memory_space<vmem>>) offsets(%dma_start3A_305 : memref<128xi32, #tpu.memory_space<vmem>>) semaphore(%run_scoped3A_294 : memref<!tpu.dma_semaphore, #tpu.memory_space<semaphore_mem>>)
            %dma_wait3A = arith.constant 0 : i32
            %dma_wait3A_309 = arith.constant 0 : i32
            %dma_wait3A_310 = tpu.memref_slice %run_scoped3A_18[%rem3A_228, %dma_wait3A, %dma_wait3A_309] : memref<2x128x128xf32, #tpu.memory_space<vmem>> -> memref<1x128x128xf32, #tpu.memory_space<vmem>>
            %dma_wait3A_311 = tpu.memref_squeeze %dma_wait3A_310 : memref<1x128x128xf32, #tpu.memory_space<vmem>> -> memref<128x128xf32, #tpu.memory_space<vmem>>
            %dma_wait3A_312 = arith.constant 0 : i32
            %dma_wait3A_313 = arith.constant 0 : i32
            %dma_wait3A_314 = tpu.memref_slice %run_scoped3A[%rem3A_226, %dma_wait3A_312, %dma_wait3A_313] : memref<2x1x128xi32, #tpu.memory_space<vmem>> -> memref<1x1x128xi32, #tpu.memory_space<vmem>>
            %dma_wait3A_315 = tpu.memref_squeeze %dma_wait3A_314 : memref<1x1x128xi32, #tpu.memory_space<vmem>> -> memref<1x128xi32, #tpu.memory_space<vmem>>
            %dma_wait3A_316 = arith.constant 0 : i32
            %dma_wait3A_317 = tpu.memref_slice %dma_wait3A_315[%run_scoped3A_229, %dma_wait3A_316] : memref<1x128xi32, #tpu.memory_space<vmem>> -> memref<1x128xi32, #tpu.memory_space<vmem>>
            %dma_wait3A_318 = tpu.memref_squeeze %dma_wait3A_317 : memref<1x128xi32, #tpu.memory_space<vmem>> -> memref<128xi32, #tpu.memory_space<vmem>>
            %dma_wait3A_319 = arith.constant 0 : i32
            %dma_wait3A_320 = arith.constant 0 : i32
            %dma_wait3A_321 = tpu.memref_slice %arg2[%dma_wait3A_319, %dma_wait3A_320] : memref<24576x128xf32, #tpu.memory_space<hbm>> -> memref<24576x128xf32, #tpu.memory_space<hbm>>
            tpu.wait_indirect_dma semaphore(%run_scoped3A_294 : memref<!tpu.dma_semaphore, #tpu.memory_space<semaphore_mem>>) src(%dma_wait3A_321 : memref<24576x128xf32, #tpu.memory_space<hbm>>) dst(%dma_wait3A_311 : memref<128x128xf32, #tpu.memory_space<vmem>>)
            tpu.yield
          }) : () -> ()
          "tpu.trace_stop"() : () -> ()
          %ne3A_230 = arith.cmpi ne, %add3A_155, %add3A_173 : i32
          %or3A_231 = arith.constant false
          %or3A_232 = arith.ori %or3A_231, %ne3A_230 : i1
          %or3A_233 = arith.ori %or3A_232, %eq3A_154 : i1
          %convert_element_type3A_234 = arith.extui %or3A_233 : i1 to i32
          %cond3A_235 = arith.constant 0 : i32
          %cond3A_236 = arith.cmpi ne, %convert_element_type3A_234, %cond3A_235 : i32
          scf.if %cond3A_236 {
          } else {
          }
          %and3A_237 = arith.constant false
          %and3A_238 = arith.andi %or3A_233, %and3A_237 : i1
          %ne3A_239 = arith.cmpi ne, %add3A_155, %add3A_173 : i32
          %or3A_240 = arith.constant false
          %or3A_241 = arith.ori %or3A_240, %ne3A_239 : i1
          %or3A_242 = arith.constant false
          %or3A_243 = arith.ori %or3A_241, %or3A_242 : i1
          %or3A_244 = arith.ori %or3A_243, %eq3A_154 : i1
          %convert_element_type3A_245 = arith.extui %or3A_244 : i1 to i32
          %cond3A_246 = arith.constant 0 : i32
          %cond3A_247 = arith.cmpi ne, %convert_element_type3A_245, %cond3A_246 : i32
          scf.if %cond3A_247 {
            "tpu.trace_start"() <{level = 10 : i32, message = "ep_copy_out"}> : () -> ()
            %rem3A_294 = arith.constant 2 : i32
            %rem3A_295 = arith.remui %while3A_145, %rem3A_294 : i32
            %mul3A_296 = arith.constant 128 : i32
            %mul3A_297 = arith.muli %mul3A_296, %add3A_155 : i32
            %dma_start3A_298 = arith.constant 0 : i32
            %dma_start3A_299 = arith.constant 0 : i32
            %dma_start3A_300 = tpu.memref_slice %run_scoped3A_18[%rem3A_295, %dma_start3A_298, %dma_start3A_299] : memref<2x128x128xf32, #tpu.memory_space<vmem>> -> memref<1x128x128xf32, #tpu.memory_space<vmem>>
            %dma_start3A_301 = tpu.memref_squeeze %dma_start3A_300 : memref<1x128x128xf32, #tpu.memory_space<vmem>> -> memref<128x128xf32, #tpu.memory_space<vmem>>
            %dma_start3A_302 = arith.constant 0 : i32
            %dma_start3A_303 = tpu.memref_slice %arg4[%mul3A_297, %dma_start3A_302] : memref<1536x128xf32, #tpu.memory_space<hbm>> -> memref<128x128xf32, #tpu.memory_space<hbm>>
            %dma_start3A_304 = tpu.memref_slice %run_scoped3A_19[%rem3A_295] : memref<2x!tpu.dma_semaphore, #tpu.memory_space<semaphore_mem>> -> memref<1x!tpu.dma_semaphore, #tpu.memory_space<semaphore_mem>>
            %dma_start3A_305 = tpu.memref_squeeze %dma_start3A_304 : memref<1x!tpu.dma_semaphore, #tpu.memory_space<semaphore_mem>> -> memref<!tpu.dma_semaphore, #tpu.memory_space<semaphore_mem>>
            %dma_start3A_306 = arith.constant 0 : i32
            %dma_start3A_307 = tpu.memref_slice %arg4[%mul3A_297, %dma_start3A_306] : memref<1536x128xf32, #tpu.memory_space<hbm>> -> memref<128x128xf32, #tpu.memory_space<hbm>>
            %dma_start3A_308 = arith.constant 0 : i32
            %dma_start3A_309 = arith.constant 0 : i32
            %dma_start3A_310 = tpu.memref_slice %run_scoped3A_18[%rem3A_295, %dma_start3A_308, %dma_start3A_309] : memref<2x128x128xf32, #tpu.memory_space<vmem>> -> memref<1x128x128xf32, #tpu.memory_space<vmem>>
            %dma_start3A_311 = tpu.memref_squeeze %dma_start3A_310 : memref<1x128x128xf32, #tpu.memory_space<vmem>> -> memref<128x128xf32, #tpu.memory_space<vmem>>
            tpu.enqueue_dma source(%dma_start3A_311 : memref<128x128xf32, #tpu.memory_space<vmem>>) target(%dma_start3A_307 : memref<128x128xf32, #tpu.memory_space<hbm>>) target_semaphore(%dma_start3A_305 : memref<!tpu.dma_semaphore, #tpu.memory_space<semaphore_mem>>)
            "tpu.trace_stop"() : () -> ()
          } else {
          }
          %and3A_248 = arith.constant true
          %and3A_249 = arith.andi %or3A_244, %and3A_248 : i1
          %add3A_250 = arith.constant 1 : i32
          %add3A_251 = arith.addi %while3A_145, %add3A_250 : i32
          %select_n3A_252 = arith.select %and3A_249, %add3A_251, %while3A_145 : i32
          %ne3A_253 = arith.cmpi ne, %add3A_155, %add3A_165 : i32
          %or3A_254 = arith.constant false
          %or3A_255 = arith.ori %or3A_254, %ne3A_253 : i1
          %not3A_256 = arith.constant true
          %not3A_257 = arith.xori %eq3A_151, %not3A_256 : i1
          %and3A_258 = arith.andi %or3A_255, %not3A_257 : i1
          %convert_element_type3A_259 = arith.extui %and3A_258 : i1 to i32
          %cond3A_260 = arith.constant 0 : i32
          %cond3A_261 = arith.cmpi ne, %convert_element_type3A_259, %cond3A_260 : i32
          scf.if %cond3A_261 {
          } else {
          }
          %and3A_262 = arith.constant false
          %and3A_263 = arith.andi %and3A_258, %and3A_262 : i1
          %ne3A_264 = arith.cmpi ne, %add3A_155, %add3A_165 : i32
          %or3A_265 = arith.constant false
          %or3A_266 = arith.ori %or3A_265, %ne3A_264 : i1
          %or3A_267 = arith.constant false
          %or3A_268 = arith.ori %or3A_266, %or3A_267 : i1
          %not3A_269 = arith.constant true
          %not3A_270 = arith.xori %eq3A_151, %not3A_269 : i1
          %and3A_271 = arith.andi %or3A_268, %not3A_270 : i1
          %convert_element_type3A_272 = arith.extui %and3A_271 : i1 to i32
          %cond3A_273 = arith.constant 0 : i32
          %cond3A_274 = arith.cmpi ne, %convert_element_type3A_272, %cond3A_273 : i32
          scf.if %cond3A_274 {
            "tpu.trace_start"() <{level = 10 : i32, message = "ep_wait_out"}> : () -> ()
            %rem3A_294 = arith.constant 2 : i32
            %rem3A_295 = arith.remui %while3A_146, %rem3A_294 : i32
            %mul3A_296 = arith.constant 128 : i32
            %mul3A_297 = arith.muli %mul3A_296, %add3A_165 : i32
            %dma_wait3A = arith.constant 0 : i32
            %dma_wait3A_298 = arith.constant 0 : i32
            %dma_wait3A_299 = tpu.memref_slice %run_scoped3A_18[%rem3A_295, %dma_wait3A, %dma_wait3A_298] : memref<2x128x128xf32, #tpu.memory_space<vmem>> -> memref<1x128x128xf32, #tpu.memory_space<vmem>>
            %dma_wait3A_300 = tpu.memref_squeeze %dma_wait3A_299 : memref<1x128x128xf32, #tpu.memory_space<vmem>> -> memref<128x128xf32, #tpu.memory_space<vmem>>
            %dma_wait3A_301 = arith.constant 0 : i32
            %dma_wait3A_302 = tpu.memref_slice %arg4[%mul3A_297, %dma_wait3A_301] : memref<1536x128xf32, #tpu.memory_space<hbm>> -> memref<128x128xf32, #tpu.memory_space<hbm>>
            %dma_wait3A_303 = tpu.memref_slice %run_scoped3A_19[%rem3A_295] : memref<2x!tpu.dma_semaphore, #tpu.memory_space<semaphore_mem>> -> memref<1x!tpu.dma_semaphore, #tpu.memory_space<semaphore_mem>>
            %dma_wait3A_304 = tpu.memref_squeeze %dma_wait3A_303 : memref<1x!tpu.dma_semaphore, #tpu.memory_space<semaphore_mem>> -> memref<!tpu.dma_semaphore, #tpu.memory_space<semaphore_mem>>
            %dma_wait3A_305 = arith.constant 0 : i32
            %dma_wait3A_306 = tpu.memref_slice %arg4[%mul3A_297, %dma_wait3A_305] : memref<1536x128xf32, #tpu.memory_space<hbm>> -> memref<128x128xf32, #tpu.memory_space<hbm>>
            %dma_wait3A_307 = arith.constant 0 : i32
            %dma_wait3A_308 = arith.constant 0 : i32
            %dma_wait3A_309 = tpu.memref_slice %run_scoped3A_18[%rem3A_295, %dma_wait3A_307, %dma_wait3A_308] : memref<2x128x128xf32, #tpu.memory_space<vmem>> -> memref<1x128x128xf32, #tpu.memory_space<vmem>>
            %dma_wait3A_310 = tpu.memref_squeeze %dma_wait3A_309 : memref<1x128x128xf32, #tpu.memory_space<vmem>> -> memref<128x128xf32, #tpu.memory_space<vmem>>
            tpu.wait_dma2 semaphore(%dma_wait3A_304 : memref<!tpu.dma_semaphore, #tpu.memory_space<semaphore_mem>>) src(%dma_wait3A_310 : memref<128x128xf32, #tpu.memory_space<vmem>>) dst(%dma_wait3A_306 : memref<128x128xf32, #tpu.memory_space<hbm>>)
            "tpu.trace_stop"() : () -> ()
          } else {
          }
          %and3A_275 = arith.constant true
          %and3A_276 = arith.andi %and3A_271, %and3A_275 : i1
          %add3A_277 = arith.constant 1 : i32
          %add3A_278 = arith.addi %while3A_146, %add3A_277 : i32
          %select_n3A_279 = arith.select %and3A_276, %add3A_278, %while3A_146 : i32
          %ne3A_280 = arith.cmpi ne, %add3A_155, %add3A_173 : i32
          %or3A_281 = arith.constant false
          %or3A_282 = arith.ori %or3A_281, %ne3A_280 : i1
          %or3A_283 = arith.ori %or3A_282, %eq3A_154 : i1
          %add3A_284 = arith.constant 1 : i32
          %add3A_285 = arith.addi %while3A_144, %add3A_284 : i32
          %select_n3A_286 = arith.select %or3A_283, %add3A_285, %while3A_144 : i32
          %add3A_287 = arith.constant 1 : i32
          %add3A_288 = arith.addi %while3A_147, %add3A_287 : i32
          %select_n3A_289 = arith.constant true
          %select_n3A_290 = arith.select %select_n3A_289, %add3A_288, %while3A_147 : i32
          %eq3A_291 = arith.cmpi eq, %select_n3A_290, %select_n3A : i32
          %select_n3A_292 = arith.constant 0 : i32
          %select_n3A_293 = arith.select %eq3A_291, %select_n3A_292, %select_n3A_290 : i32
          scf.yield %select_n3A_195, %select_n3A_286, %select_n3A_252, %select_n3A_279, %select_n3A_293 : i32, i32, i32, i32, i32
        }
        %sub3A_91 = arith.constant 1 : i32
        %sub3A_92 = arith.subi %while3A_90#4, %sub3A_91 : i32
        %select_n3A_93 = arith.constant true
        %select_n3A_94 = arith.select %select_n3A_93, %sub3A_92, %while3A_90#4 : i32
        %eq3A_95 = arith.constant -1 : i32
        %eq3A_96 = arith.cmpi eq, %select_n3A_94, %eq3A_95 : i32
        %sub3A_97 = arith.constant 1 : i32
        %sub3A_98 = arith.subi %select_n3A, %sub3A_97 : i32
        %select_n3A_99 = arith.select %eq3A_96, %sub3A_98, %select_n3A_94 : i32
        %sub3A_100 = arith.constant 1 : i32
        %sub3A_101 = arith.subi %mul3A_16, %sub3A_100 : i32
        %mul3A_102 = arith.constant 1 : i32
        %mul3A_103 = arith.muli %mul3A_102, %select_n3A : i32
        %eq3A_104 = arith.constant 0 : i32
        %eq3A_105 = arith.cmpi eq, %sub3A_101, %eq3A_104 : i32
        %sub3A_106 = arith.constant 1 : i32
        %sub3A_107 = arith.subi %mul3A_103, %sub3A_106 : i32
        %eq3A_108 = arith.cmpi eq, %sub3A_101, %sub3A_107 : i32
        %add3A_109 = arith.addi %select_n3A_99, %select_n3A_14 : i32
        %sub3A_110 = arith.constant 1 : i32
        %sub3A_111 = arith.subi %select_n3A_99, %sub3A_110 : i32
        %select_n3A_112 = arith.constant true
        %select_n3A_113 = arith.select %select_n3A_112, %sub3A_111, %select_n3A_99 : i32
        %eq3A_114 = arith.constant -1 : i32
        %eq3A_115 = arith.cmpi eq, %select_n3A_113, %eq3A_114 : i32
        %sub3A_116 = arith.constant 1 : i32
        %sub3A_117 = arith.subi %select_n3A, %sub3A_116 : i32
        %select_n3A_118 = arith.select %eq3A_115, %sub3A_117, %select_n3A_113 : i32
        %add3A_119 = arith.addi %select_n3A_118, %select_n3A_14 : i32
        %add3A_120 = arith.constant 1 : i32
        %add3A_121 = arith.addi %select_n3A_99, %add3A_120 : i32
        %select_n3A_122 = arith.constant true
        %select_n3A_123 = arith.select %select_n3A_122, %add3A_121, %select_n3A_99 : i32
        %eq3A_124 = arith.cmpi eq, %select_n3A_123, %select_n3A : i32
        %select_n3A_125 = arith.constant 0 : i32
        %select_n3A_126 = arith.select %eq3A_124, %select_n3A_125, %select_n3A_123 : i32
        %add3A_127 = arith.addi %select_n3A_126, %select_n3A_14 : i32
        %add3A_128 = arith.constant 1 : i32
        %add3A_129 = arith.addi %select_n3A_126, %add3A_128 : i32
        %select_n3A_130 = arith.constant true
        %select_n3A_131 = arith.select %select_n3A_130, %add3A_129, %select_n3A_126 : i32
        %eq3A_132 = arith.cmpi eq, %select_n3A_131, %select_n3A : i32
        %select_n3A_133 = arith.constant 0 : i32
        %select_n3A_134 = arith.select %eq3A_132, %select_n3A_133, %select_n3A_131 : i32
        %add3A_135 = arith.addi %select_n3A_134, %select_n3A_14 : i32
        %convert_element_type3A_136 = arith.extui %eq3A_108 : i1 to i32
        %cond3A_137 = arith.constant 0 : i32
        %cond3A_138 = arith.cmpi ne, %convert_element_type3A_136, %cond3A_137 : i32
        scf.if %cond3A_138 {
        } else {
        }
        %convert_element_type3A_139 = arith.extui %eq3A_108 : i1 to i32
        %cond3A_140 = arith.constant 0 : i32
        %cond3A_141 = arith.cmpi ne, %convert_element_type3A_139, %cond3A_140 : i32
        scf.if %cond3A_141 {
          "tpu.trace_start"() <{level = 10 : i32, message = "ep_finalize"}> : () -> ()
          %rem3A_142 = arith.constant 2 : i32
          %rem3A_143 = arith.remui %while3A_90#3, %rem3A_142 : i32
          %mul3A_144 = arith.constant 128 : i32
          %mul3A_145 = arith.muli %mul3A_144, %add3A_109 : i32
          %dma_wait3A = arith.constant 0 : i32
          %dma_wait3A_146 = arith.constant 0 : i32
          %dma_wait3A_147 = tpu.memref_slice %run_scoped3A_18[%rem3A_143, %dma_wait3A, %dma_wait3A_146] : memref<2x128x128xf32, #tpu.memory_space<vmem>> -> memref<1x128x128xf32, #tpu.memory_space<vmem>>
          %dma_wait3A_148 = tpu.memref_squeeze %dma_wait3A_147 : memref<1x128x128xf32, #tpu.memory_space<vmem>> -> memref<128x128xf32, #tpu.memory_space<vmem>>
          %dma_wait3A_149 = arith.constant 0 : i32
          %dma_wait3A_150 = tpu.memref_slice %arg4[%mul3A_145, %dma_wait3A_149] : memref<1536x128xf32, #tpu.memory_space<hbm>> -> memref<128x128xf32, #tpu.memory_space<hbm>>
          %dma_wait3A_151 = tpu.memref_slice %run_scoped3A_19[%rem3A_143] : memref<2x!tpu.dma_semaphore, #tpu.memory_space<semaphore_mem>> -> memref<1x!tpu.dma_semaphore, #tpu.memory_space<semaphore_mem>>
          %dma_wait3A_152 = tpu.memref_squeeze %dma_wait3A_151 : memref<1x!tpu.dma_semaphore, #tpu.memory_space<semaphore_mem>> -> memref<!tpu.dma_semaphore, #tpu.memory_space<semaphore_mem>>
          %dma_wait3A_153 = arith.constant 0 : i32
          %dma_wait3A_154 = tpu.memref_slice %arg4[%mul3A_145, %dma_wait3A_153] : memref<1536x128xf32, #tpu.memory_space<hbm>> -> memref<128x128xf32, #tpu.memory_space<hbm>>
          %dma_wait3A_155 = arith.constant 0 : i32
          %dma_wait3A_156 = arith.constant 0 : i32
          %dma_wait3A_157 = tpu.memref_slice %run_scoped3A_18[%rem3A_143, %dma_wait3A_155, %dma_wait3A_156] : memref<2x128x128xf32, #tpu.memory_space<vmem>> -> memref<1x128x128xf32, #tpu.memory_space<vmem>>
          %dma_wait3A_158 = tpu.memref_squeeze %dma_wait3A_157 : memref<1x128x128xf32, #tpu.memory_space<vmem>> -> memref<128x128xf32, #tpu.memory_space<vmem>>
          tpu.wait_dma2 semaphore(%dma_wait3A_152 : memref<!tpu.dma_semaphore, #tpu.memory_space<semaphore_mem>>) src(%dma_wait3A_158 : memref<128x128xf32, #tpu.memory_space<vmem>>) dst(%dma_wait3A_154 : memref<128x128xf32, #tpu.memory_space<hbm>>)
          "tpu.trace_stop"() : () -> ()
        } else {
        }
      } else {
      }
      tpu.yield
    }) : () -> ()
    return
  }
}

module attributes {stable_mosaic.version = 14 : i64} {
  func.func @_attn_kernel(%arg0: i32, %arg1: i32, %arg2: memref<1x512x768xf32, #tpu.memory_space<vmem>>, %arg3: memref<1x2048x768xf32, #tpu.memory_space<vmem>>, %arg4: memref<1x128x768xf32, #tpu.memory_space<vmem>>, %arg5: memref<768x768xf32, #tpu.memory_space<vmem>>, %arg6: memref<1x768xf32, #tpu.memory_space<vmem>>, %arg7: memref<768x768xf32, #tpu.memory_space<vmem>>, %arg8: memref<1x768xf32, #tpu.memory_space<vmem>>, %arg9: memref<768x768xf32, #tpu.memory_space<vmem>>, %arg10: memref<1x768xf32, #tpu.memory_space<vmem>>, %arg11: memref<1x512x768xf32, #tpu.memory_space<vmem>>, %arg12: memref<1x1x128xf32, #tpu.memory_space<vmem>>, %arg13: memref<2048x768xf32, #tpu.memory_space<vmem>>, %arg14: memref<2048x768xf32, #tpu.memory_space<vmem>>) attributes {dimension_semantics = [#tpu.dimension_semantics<arbitrary>, #tpu.dimension_semantics<arbitrary>], iteration_bounds = array<i64: 2, 4>, scalar_prefetch = 0 : i64, scratch_operands = 2 : i64, tpu.core_type = #tpu.core_type<tc>, window_params = [{transform_indices = @transform_0, window_bounds = array<i64: 1, 512, 768>}, {transform_indices = @transform_1, window_bounds = array<i64: 1, 2048, 768>}, {transform_indices = @transform_2, window_bounds = array<i64: 1, 128, 768>}, {pipeline_mode = #tpu.pipeline_mode<synchronous>, transform_indices = @transform_3, window_bounds = array<i64: 768, 768>}, {pipeline_mode = #tpu.pipeline_mode<synchronous>, transform_indices = @transform_4, window_bounds = array<i64: 1, 768>}, {pipeline_mode = #tpu.pipeline_mode<synchronous>, transform_indices = @transform_5, window_bounds = array<i64: 768, 768>}, {pipeline_mode = #tpu.pipeline_mode<synchronous>, transform_indices = @transform_6, window_bounds = array<i64: 1, 768>}, {pipeline_mode = #tpu.pipeline_mode<synchronous>, transform_indices = @transform_7, window_bounds = array<i64: 768, 768>}, {pipeline_mode = #tpu.pipeline_mode<synchronous>, transform_indices = @transform_8, window_bounds = array<i64: 1, 768>}, {transform_indices = @transform_9, window_bounds = array<i64: 1, 512, 768>}, {transform_indices = @transform_10, window_bounds = array<i64: 1, 1, 128>}]} {
    %eq3A = arith.constant 0 : i32
    %eq3A_0 = arith.cmpi eq, %arg1, %eq3A : i32
    %convert_element_type3A = arith.extui %eq3A_0 : i1 to i32
    %cond3A = arith.constant 0 : i32
    %cond3A_1 = arith.cmpi ne, %convert_element_type3A, %cond3A : i32
    scf.if %cond3A_1 {
      %get3A_978 = arith.constant 0 : index
      %get3A_979 = arith.constant 0 : index
      %get3A_980 = arith.constant 0 : index
      %get3A_981 = vector.load %arg3[%get3A_978, %get3A_979, %get3A_980] : memref<1x2048x768xf32, #tpu.memory_space<vmem>>, vector<1x2048x768xf32>
      %get3A_982 = vector.shape_cast %get3A_981 : vector<1x2048x768xf32> to vector<2048x768xf32>
      %get3A_983 = arith.constant 0 : index
      %get3A_984 = arith.constant 0 : index
      %get3A_985 = vector.load %arg7[%get3A_983, %get3A_984] : memref<768x768xf32, #tpu.memory_space<vmem>>, vector<768x768xf32>
      %dot_general3A_986 = arith.constant dense<0.000000e+00> : vector<2048x768xf32>
      %dot_general3A_987 = tpu.matmul %get3A_982, %get3A_985, %dot_general3A_986 {dimension_numbers = #tpu.dot_dimension_numbers<[1], [0], [0], [1], [0, 0, 1, 1], [], []>, transpose_lhs_hint = false} : vector<2048x768xf32>, vector<768x768xf32>, vector<2048x768xf32> -> vector<2048x768xf32>
      %get3A_988 = arith.constant 0 : index
      %get3A_989 = arith.constant 0 : index
      %get3A_990 = vector.load %arg8[%get3A_988, %get3A_989] : memref<1x768xf32, #tpu.memory_space<vmem>>, vector<1x768xf32>
      %add3A_991 = vector.broadcast %get3A_990 : vector<1x768xf32> to vector<2048x768xf32>
      %add3A_992 = arith.addf %dot_general3A_987, %add3A_991 : vector<2048x768xf32>
      %swap3A_993 = arith.constant 0 : index
      %swap3A_994 = arith.constant 0 : index
      %swap3A_995 = vector.load %arg13[%swap3A_993, %swap3A_994] : memref<2048x768xf32, #tpu.memory_space<vmem>>, vector<2048x768xf32>
      tpu.vector_store %arg13[%swap3A_993, %swap3A_994], %add3A_992 {strides = array<i32>} : memref<2048x768xf32, #tpu.memory_space<vmem>>, vector<2048x768xf32>,
      %get3A_996 = arith.constant 0 : index
      %get3A_997 = arith.constant 0 : index
      %get3A_998 = vector.load %arg9[%get3A_996, %get3A_997] : memref<768x768xf32, #tpu.memory_space<vmem>>, vector<768x768xf32>
      %dot_general3A_999 = arith.constant dense<0.000000e+00> : vector<2048x768xf32>
      %dot_general3A_1000 = tpu.matmul %get3A_982, %get3A_998, %dot_general3A_999 {dimension_numbers = #tpu.dot_dimension_numbers<[1], [0], [0], [1], [0, 0, 1, 1], [], []>, transpose_lhs_hint = false} : vector<2048x768xf32>, vector<768x768xf32>, vector<2048x768xf32> -> vector<2048x768xf32>
      %get3A_1001 = arith.constant 0 : index
      %get3A_1002 = arith.constant 0 : index
      %get3A_1003 = vector.load %arg10[%get3A_1001, %get3A_1002] : memref<1x768xf32, #tpu.memory_space<vmem>>, vector<1x768xf32>
      %add3A_1004 = vector.broadcast %get3A_1003 : vector<1x768xf32> to vector<2048x768xf32>
      %add3A_1005 = arith.addf %dot_general3A_1000, %add3A_1004 : vector<2048x768xf32>
      %swap3A_1006 = arith.constant 0 : index
      %swap3A_1007 = arith.constant 0 : index
      %swap3A_1008 = vector.load %arg14[%swap3A_1006, %swap3A_1007] : memref<2048x768xf32, #tpu.memory_space<vmem>>, vector<2048x768xf32>
      tpu.vector_store %arg14[%swap3A_1006, %swap3A_1007], %add3A_1005 {strides = array<i32>} : memref<2048x768xf32, #tpu.memory_space<vmem>>, vector<2048x768xf32>,
    } else {
    }
    %get3A = arith.constant 0 : index
    %get3A_2 = arith.constant 0 : index
    %get3A_3 = arith.constant 0 : index
    %get3A_4 = vector.load %arg2[%get3A, %get3A_2, %get3A_3] : memref<1x512x768xf32, #tpu.memory_space<vmem>>, vector<1x512x768xf32>
    %get3A_5 = vector.shape_cast %get3A_4 : vector<1x512x768xf32> to vector<512x768xf32>
    %get3A_6 = arith.constant 0 : index
    %get3A_7 = arith.constant 0 : index
    %get3A_8 = vector.load %arg5[%get3A_6, %get3A_7] : memref<768x768xf32, #tpu.memory_space<vmem>>, vector<768x768xf32>
    %dot_general3A = arith.constant dense<0.000000e+00> : vector<512x768xf32>
    %dot_general3A_9 = tpu.matmul %get3A_5, %get3A_8, %dot_general3A {dimension_numbers = #tpu.dot_dimension_numbers<[1], [0], [0], [1], [0, 0, 1, 1], [], []>, transpose_lhs_hint = false} : vector<512x768xf32>, vector<768x768xf32>, vector<512x768xf32> -> vector<512x768xf32>
    %get3A_10 = arith.constant 0 : index
    %get3A_11 = arith.constant 0 : index
    %get3A_12 = vector.load %arg6[%get3A_10, %get3A_11] : memref<1x768xf32, #tpu.memory_space<vmem>>, vector<1x768xf32>
    %add3A = vector.broadcast %get3A_12 : vector<1x768xf32> to vector<512x768xf32>
    %add3A_13 = arith.addf %dot_general3A_9, %add3A : vector<512x768xf32>
    %mul3A = arith.constant 1.250000e-01 : f32
    %mul3A_14 = vector.broadcast %mul3A : f32 to vector<512x768xf32>
    %mul3A_15 = arith.mulf %add3A_13, %mul3A_14 : vector<512x768xf32>
    %slice3A = vector.extract_strided_slice %mul3A_15 {offsets = [0, 0], sizes = [512, 64], strides = [1, 1]} : vector<512x768xf32> to vector<512x64xf32>
    %get3A_16 = arith.constant 0 : index
    %get3A_17 = arith.constant 0 : index
    %get3A_18 = vector.load %arg13[%get3A_16, %get3A_17] : memref<2048x768xf32, #tpu.memory_space<vmem>>, vector<2048x64xf32>
    %dot_general3A_19 = arith.constant dense<0.000000e+00> : vector<512x2048xf32>
    %dot_general3A_20 = tpu.matmul %slice3A, %get3A_18, %dot_general3A_19 {dimension_numbers = #tpu.dot_dimension_numbers<[1], [1], [0], [0], [0, 0, 1, 0], [], []>, transpose_lhs_hint = false} : vector<512x64xf32>, vector<2048x64xf32>, vector<512x2048xf32> -> vector<512x2048xf32>
    %reduce_max3A = arith.constant dense<0xFF800000> : vector<512xf32>
    %reduce_max3A_21 = vector.multi_reduction <maximumf>, %dot_general3A_20, %reduce_max3A [1] : vector<512x2048xf32> to vector<512xf32>
    %broadcast_in_dim3A = vector.shape_cast %reduce_max3A_21 : vector<512xf32> to vector<512x1xf32>
    %sub3A = vector.broadcast %broadcast_in_dim3A : vector<512x1xf32> to vector<512x2048xf32>
    %sub3A_22 = arith.subf %dot_general3A_20, %sub3A : vector<512x2048xf32>
    %exp3A = math.exp %sub3A_22 : vector<512x2048xf32>
    %reduce_sum3A = arith.constant dense<0.000000e+00> : vector<512xf32>
    %reduce_sum3A_23 = vector.multi_reduction <add>, %exp3A, %reduce_sum3A [1] : vector<512x2048xf32> to vector<512xf32>
    %broadcast_in_dim3A_24 = vector.shape_cast %reduce_sum3A_23 : vector<512xf32> to vector<512x1xf32>
    %div3A = arith.constant 1.000000e+00 : f32
    %div3A_25 = vector.broadcast %div3A : f32 to vector<512x1xf32>
    %div3A_26 = arith.divf %div3A_25, %broadcast_in_dim3A_24 : vector<512x1xf32>
    %get3A_27 = arith.constant 0 : index
    %get3A_28 = arith.constant 0 : index
    %get3A_29 = vector.load %arg14[%get3A_27, %get3A_28] : memref<2048x768xf32, #tpu.memory_space<vmem>>, vector<2048x64xf32>
    %dot_general3A_30 = arith.constant dense<0.000000e+00> : vector<512x64xf32>
    %dot_general3A_31 = tpu.matmul %exp3A, %get3A_29, %dot_general3A_30 {dimension_numbers = #tpu.dot_dimension_numbers<[1], [0], [0], [1], [0, 0, 1, 1], [], []>, transpose_lhs_hint = false} : vector<512x2048xf32>, vector<2048x64xf32>, vector<512x64xf32> -> vector<512x64xf32>
    %mul3A_32 = vector.broadcast %div3A_26 : vector<512x1xf32> to vector<512x64xf32>
    %mul3A_33 = arith.mulf %dot_general3A_31, %mul3A_32 : vector<512x64xf32>
    %swap3A = arith.constant 0 : index
    %swap3A_34 = arith.constant 0 : index
    %swap3A_35 = arith.constant 0 : index
    %swap3A_36 = vector.load %arg11[%swap3A, %swap3A_34, %swap3A_35] : memref<1x512x768xf32, #tpu.memory_space<vmem>>, vector<1x512x64xf32>
    %swap3A_37 = vector.shape_cast %swap3A_36 : vector<1x512x64xf32> to vector<512x64xf32>
    %swap3A_38 = vector.shape_cast %mul3A_33 : vector<512x64xf32> to vector<1x512x64xf32>
    tpu.vector_store %arg11[%swap3A, %swap3A_34, %swap3A_35], %swap3A_38 {strides = array<i32>} : memref<1x512x768xf32, #tpu.memory_space<vmem>>, vector<1x512x64xf32>,
    %slice3A_39 = vector.extract_strided_slice %mul3A_15 {offsets = [0, 64], sizes = [512, 64], strides = [1, 1]} : vector<512x768xf32> to vector<512x64xf32>
    %get3A_40 = arith.constant 0 : index
    %get3A_41 = arith.constant 64 : index
    %get3A_42 = vector.load %arg13[%get3A_40, %get3A_41] : memref<2048x768xf32, #tpu.memory_space<vmem>>, vector<2048x64xf32>
    %dot_general3A_43 = arith.constant dense<0.000000e+00> : vector<512x2048xf32>
    %dot_general3A_44 = tpu.matmul %slice3A_39, %get3A_42, %dot_general3A_43 {dimension_numbers = #tpu.dot_dimension_numbers<[1], [1], [0], [0], [0, 0, 1, 0], [], []>, transpose_lhs_hint = false} : vector<512x64xf32>, vector<2048x64xf32>, vector<512x2048xf32> -> vector<512x2048xf32>
    %reduce_max3A_45 = arith.constant dense<0xFF800000> : vector<512xf32>
    %reduce_max3A_46 = vector.multi_reduction <maximumf>, %dot_general3A_44, %reduce_max3A_45 [1] : vector<512x2048xf32> to vector<512xf32>
    %broadcast_in_dim3A_47 = vector.shape_cast %reduce_max3A_46 : vector<512xf32> to vector<512x1xf32>
    %sub3A_48 = vector.broadcast %broadcast_in_dim3A_47 : vector<512x1xf32> to vector<512x2048xf32>
    %sub3A_49 = arith.subf %dot_general3A_44, %sub3A_48 : vector<512x2048xf32>
    %exp3A_50 = math.exp %sub3A_49 : vector<512x2048xf32>
    %reduce_sum3A_51 = arith.constant dense<0.000000e+00> : vector<512xf32>
    %reduce_sum3A_52 = vector.multi_reduction <add>, %exp3A_50, %reduce_sum3A_51 [1] : vector<512x2048xf32> to vector<512xf32>
    %broadcast_in_dim3A_53 = vector.shape_cast %reduce_sum3A_52 : vector<512xf32> to vector<512x1xf32>
    %div3A_54 = arith.constant 1.000000e+00 : f32
    %div3A_55 = vector.broadcast %div3A_54 : f32 to vector<512x1xf32>
    %div3A_56 = arith.divf %div3A_55, %broadcast_in_dim3A_53 : vector<512x1xf32>
    %get3A_57 = arith.constant 0 : index
    %get3A_58 = arith.constant 64 : index
    %get3A_59 = vector.load %arg14[%get3A_57, %get3A_58] : memref<2048x768xf32, #tpu.memory_space<vmem>>, vector<2048x64xf32>
    %dot_general3A_60 = arith.constant dense<0.000000e+00> : vector<512x64xf32>
    %dot_general3A_61 = tpu.matmul %exp3A_50, %get3A_59, %dot_general3A_60 {dimension_numbers = #tpu.dot_dimension_numbers<[1], [0], [0], [1], [0, 0, 1, 1], [], []>, transpose_lhs_hint = false} : vector<512x2048xf32>, vector<2048x64xf32>, vector<512x64xf32> -> vector<512x64xf32>
    %mul3A_62 = vector.broadcast %div3A_56 : vector<512x1xf32> to vector<512x64xf32>
    %mul3A_63 = arith.mulf %dot_general3A_61, %mul3A_62 : vector<512x64xf32>
    %swap3A_64 = arith.constant 0 : index
    %swap3A_65 = arith.constant 0 : index
    %swap3A_66 = arith.constant 64 : index
    %swap3A_67 = vector.load %arg11[%swap3A_64, %swap3A_65, %swap3A_66] : memref<1x512x768xf32, #tpu.memory_space<vmem>>, vector<1x512x64xf32>
    %swap3A_68 = vector.shape_cast %swap3A_67 : vector<1x512x64xf32> to vector<512x64xf32>
    %swap3A_69 = vector.shape_cast %mul3A_63 : vector<512x64xf32> to vector<1x512x64xf32>
    tpu.vector_store %arg11[%swap3A_64, %swap3A_65, %swap3A_66], %swap3A_69 {strides = array<i32>} : memref<1x512x768xf32, #tpu.memory_space<vmem>>, vector<1x512x64xf32>,
    %slice3A_70 = vector.extract_strided_slice %mul3A_15 {offsets = [0, 128], sizes = [512, 64], strides = [1, 1]} : vector<512x768xf32> to vector<512x64xf32>
    %get3A_71 = arith.constant 0 : index
    %get3A_72 = arith.constant 128 : index
    %get3A_73 = vector.load %arg13[%get3A_71, %get3A_72] : memref<2048x768xf32, #tpu.memory_space<vmem>>, vector<2048x64xf32>
    %dot_general3A_74 = arith.constant dense<0.000000e+00> : vector<512x2048xf32>
    %dot_general3A_75 = tpu.matmul %slice3A_70, %get3A_73, %dot_general3A_74 {dimension_numbers = #tpu.dot_dimension_numbers<[1], [1], [0], [0], [0, 0, 1, 0], [], []>, transpose_lhs_hint = false} : vector<512x64xf32>, vector<2048x64xf32>, vector<512x2048xf32> -> vector<512x2048xf32>
    %reduce_max3A_76 = arith.constant dense<0xFF800000> : vector<512xf32>
    %reduce_max3A_77 = vector.multi_reduction <maximumf>, %dot_general3A_75, %reduce_max3A_76 [1] : vector<512x2048xf32> to vector<512xf32>
    %broadcast_in_dim3A_78 = vector.shape_cast %reduce_max3A_77 : vector<512xf32> to vector<512x1xf32>
    %sub3A_79 = vector.broadcast %broadcast_in_dim3A_78 : vector<512x1xf32> to vector<512x2048xf32>
    %sub3A_80 = arith.subf %dot_general3A_75, %sub3A_79 : vector<512x2048xf32>
    %exp3A_81 = math.exp %sub3A_80 : vector<512x2048xf32>
    %reduce_sum3A_82 = arith.constant dense<0.000000e+00> : vector<512xf32>
    %reduce_sum3A_83 = vector.multi_reduction <add>, %exp3A_81, %reduce_sum3A_82 [1] : vector<512x2048xf32> to vector<512xf32>
    %broadcast_in_dim3A_84 = vector.shape_cast %reduce_sum3A_83 : vector<512xf32> to vector<512x1xf32>
    %div3A_85 = arith.constant 1.000000e+00 : f32
    %div3A_86 = vector.broadcast %div3A_85 : f32 to vector<512x1xf32>
    %div3A_87 = arith.divf %div3A_86, %broadcast_in_dim3A_84 : vector<512x1xf32>
    %get3A_88 = arith.constant 0 : index
    %get3A_89 = arith.constant 128 : index
    %get3A_90 = vector.load %arg14[%get3A_88, %get3A_89] : memref<2048x768xf32, #tpu.memory_space<vmem>>, vector<2048x64xf32>
    %dot_general3A_91 = arith.constant dense<0.000000e+00> : vector<512x64xf32>
    %dot_general3A_92 = tpu.matmul %exp3A_81, %get3A_90, %dot_general3A_91 {dimension_numbers = #tpu.dot_dimension_numbers<[1], [0], [0], [1], [0, 0, 1, 1], [], []>, transpose_lhs_hint = false} : vector<512x2048xf32>, vector<2048x64xf32>, vector<512x64xf32> -> vector<512x64xf32>
    %mul3A_93 = vector.broadcast %div3A_87 : vector<512x1xf32> to vector<512x64xf32>
    %mul3A_94 = arith.mulf %dot_general3A_92, %mul3A_93 : vector<512x64xf32>
    %swap3A_95 = arith.constant 0 : index
    %swap3A_96 = arith.constant 0 : index
    %swap3A_97 = arith.constant 128 : index
    %swap3A_98 = vector.load %arg11[%swap3A_95, %swap3A_96, %swap3A_97] : memref<1x512x768xf32, #tpu.memory_space<vmem>>, vector<1x512x64xf32>
    %swap3A_99 = vector.shape_cast %swap3A_98 : vector<1x512x64xf32> to vector<512x64xf32>
    %swap3A_100 = vector.shape_cast %mul3A_94 : vector<512x64xf32> to vector<1x512x64xf32>
    tpu.vector_store %arg11[%swap3A_95, %swap3A_96, %swap3A_97], %swap3A_100 {strides = array<i32>} : memref<1x512x768xf32, #tpu.memory_space<vmem>>, vector<1x512x64xf32>,
    %slice3A_101 = vector.extract_strided_slice %mul3A_15 {offsets = [0, 192], sizes = [512, 64], strides = [1, 1]} : vector<512x768xf32> to vector<512x64xf32>
    %get3A_102 = arith.constant 0 : index
    %get3A_103 = arith.constant 192 : index
    %get3A_104 = vector.load %arg13[%get3A_102, %get3A_103] : memref<2048x768xf32, #tpu.memory_space<vmem>>, vector<2048x64xf32>
    %dot_general3A_105 = arith.constant dense<0.000000e+00> : vector<512x2048xf32>
    %dot_general3A_106 = tpu.matmul %slice3A_101, %get3A_104, %dot_general3A_105 {dimension_numbers = #tpu.dot_dimension_numbers<[1], [1], [0], [0], [0, 0, 1, 0], [], []>, transpose_lhs_hint = false} : vector<512x64xf32>, vector<2048x64xf32>, vector<512x2048xf32> -> vector<512x2048xf32>
    %reduce_max3A_107 = arith.constant dense<0xFF800000> : vector<512xf32>
    %reduce_max3A_108 = vector.multi_reduction <maximumf>, %dot_general3A_106, %reduce_max3A_107 [1] : vector<512x2048xf32> to vector<512xf32>
    %broadcast_in_dim3A_109 = vector.shape_cast %reduce_max3A_108 : vector<512xf32> to vector<512x1xf32>
    %sub3A_110 = vector.broadcast %broadcast_in_dim3A_109 : vector<512x1xf32> to vector<512x2048xf32>
    %sub3A_111 = arith.subf %dot_general3A_106, %sub3A_110 : vector<512x2048xf32>
    %exp3A_112 = math.exp %sub3A_111 : vector<512x2048xf32>
    %reduce_sum3A_113 = arith.constant dense<0.000000e+00> : vector<512xf32>
    %reduce_sum3A_114 = vector.multi_reduction <add>, %exp3A_112, %reduce_sum3A_113 [1] : vector<512x2048xf32> to vector<512xf32>
    %broadcast_in_dim3A_115 = vector.shape_cast %reduce_sum3A_114 : vector<512xf32> to vector<512x1xf32>
    %div3A_116 = arith.constant 1.000000e+00 : f32
    %div3A_117 = vector.broadcast %div3A_116 : f32 to vector<512x1xf32>
    %div3A_118 = arith.divf %div3A_117, %broadcast_in_dim3A_115 : vector<512x1xf32>
    %get3A_119 = arith.constant 0 : index
    %get3A_120 = arith.constant 192 : index
    %get3A_121 = vector.load %arg14[%get3A_119, %get3A_120] : memref<2048x768xf32, #tpu.memory_space<vmem>>, vector<2048x64xf32>
    %dot_general3A_122 = arith.constant dense<0.000000e+00> : vector<512x64xf32>
    %dot_general3A_123 = tpu.matmul %exp3A_112, %get3A_121, %dot_general3A_122 {dimension_numbers = #tpu.dot_dimension_numbers<[1], [0], [0], [1], [0, 0, 1, 1], [], []>, transpose_lhs_hint = false} : vector<512x2048xf32>, vector<2048x64xf32>, vector<512x64xf32> -> vector<512x64xf32>
    %mul3A_124 = vector.broadcast %div3A_118 : vector<512x1xf32> to vector<512x64xf32>
    %mul3A_125 = arith.mulf %dot_general3A_123, %mul3A_124 : vector<512x64xf32>
    %swap3A_126 = arith.constant 0 : index
    %swap3A_127 = arith.constant 0 : index
    %swap3A_128 = arith.constant 192 : index
    %swap3A_129 = vector.load %arg11[%swap3A_126, %swap3A_127, %swap3A_128] : memref<1x512x768xf32, #tpu.memory_space<vmem>>, vector<1x512x64xf32>
    %swap3A_130 = vector.shape_cast %swap3A_129 : vector<1x512x64xf32> to vector<512x64xf32>
    %swap3A_131 = vector.shape_cast %mul3A_125 : vector<512x64xf32> to vector<1x512x64xf32>
    tpu.vector_store %arg11[%swap3A_126, %swap3A_127, %swap3A_128], %swap3A_131 {strides = array<i32>} : memref<1x512x768xf32, #tpu.memory_space<vmem>>, vector<1x512x64xf32>,
    %slice3A_132 = vector.extract_strided_slice %mul3A_15 {offsets = [0, 256], sizes = [512, 64], strides = [1, 1]} : vector<512x768xf32> to vector<512x64xf32>
    %get3A_133 = arith.constant 0 : index
    %get3A_134 = arith.constant 256 : index
    %get3A_135 = vector.load %arg13[%get3A_133, %get3A_134] : memref<2048x768xf32, #tpu.memory_space<vmem>>, vector<2048x64xf32>
    %dot_general3A_136 = arith.constant dense<0.000000e+00> : vector<512x2048xf32>
    %dot_general3A_137 = tpu.matmul %slice3A_132, %get3A_135, %dot_general3A_136 {dimension_numbers = #tpu.dot_dimension_numbers<[1], [1], [0], [0], [0, 0, 1, 0], [], []>, transpose_lhs_hint = false} : vector<512x64xf32>, vector<2048x64xf32>, vector<512x2048xf32> -> vector<512x2048xf32>
    %reduce_max3A_138 = arith.constant dense<0xFF800000> : vector<512xf32>
    %reduce_max3A_139 = vector.multi_reduction <maximumf>, %dot_general3A_137, %reduce_max3A_138 [1] : vector<512x2048xf32> to vector<512xf32>
    %broadcast_in_dim3A_140 = vector.shape_cast %reduce_max3A_139 : vector<512xf32> to vector<512x1xf32>
    %sub3A_141 = vector.broadcast %broadcast_in_dim3A_140 : vector<512x1xf32> to vector<512x2048xf32>
    %sub3A_142 = arith.subf %dot_general3A_137, %sub3A_141 : vector<512x2048xf32>
    %exp3A_143 = math.exp %sub3A_142 : vector<512x2048xf32>
    %reduce_sum3A_144 = arith.constant dense<0.000000e+00> : vector<512xf32>
    %reduce_sum3A_145 = vector.multi_reduction <add>, %exp3A_143, %reduce_sum3A_144 [1] : vector<512x2048xf32> to vector<512xf32>
    %broadcast_in_dim3A_146 = vector.shape_cast %reduce_sum3A_145 : vector<512xf32> to vector<512x1xf32>
    %div3A_147 = arith.constant 1.000000e+00 : f32
    %div3A_148 = vector.broadcast %div3A_147 : f32 to vector<512x1xf32>
    %div3A_149 = arith.divf %div3A_148, %broadcast_in_dim3A_146 : vector<512x1xf32>
    %get3A_150 = arith.constant 0 : index
    %get3A_151 = arith.constant 256 : index
    %get3A_152 = vector.load %arg14[%get3A_150, %get3A_151] : memref<2048x768xf32, #tpu.memory_space<vmem>>, vector<2048x64xf32>
    %dot_general3A_153 = arith.constant dense<0.000000e+00> : vector<512x64xf32>
    %dot_general3A_154 = tpu.matmul %exp3A_143, %get3A_152, %dot_general3A_153 {dimension_numbers = #tpu.dot_dimension_numbers<[1], [0], [0], [1], [0, 0, 1, 1], [], []>, transpose_lhs_hint = false} : vector<512x2048xf32>, vector<2048x64xf32>, vector<512x64xf32> -> vector<512x64xf32>
    %mul3A_155 = vector.broadcast %div3A_149 : vector<512x1xf32> to vector<512x64xf32>
    %mul3A_156 = arith.mulf %dot_general3A_154, %mul3A_155 : vector<512x64xf32>
    %swap3A_157 = arith.constant 0 : index
    %swap3A_158 = arith.constant 0 : index
    %swap3A_159 = arith.constant 256 : index
    %swap3A_160 = vector.load %arg11[%swap3A_157, %swap3A_158, %swap3A_159] : memref<1x512x768xf32, #tpu.memory_space<vmem>>, vector<1x512x64xf32>
    %swap3A_161 = vector.shape_cast %swap3A_160 : vector<1x512x64xf32> to vector<512x64xf32>
    %swap3A_162 = vector.shape_cast %mul3A_156 : vector<512x64xf32> to vector<1x512x64xf32>
    tpu.vector_store %arg11[%swap3A_157, %swap3A_158, %swap3A_159], %swap3A_162 {strides = array<i32>} : memref<1x512x768xf32, #tpu.memory_space<vmem>>, vector<1x512x64xf32>,
    %slice3A_163 = vector.extract_strided_slice %mul3A_15 {offsets = [0, 320], sizes = [512, 64], strides = [1, 1]} : vector<512x768xf32> to vector<512x64xf32>
    %get3A_164 = arith.constant 0 : index
    %get3A_165 = arith.constant 320 : index
    %get3A_166 = vector.load %arg13[%get3A_164, %get3A_165] : memref<2048x768xf32, #tpu.memory_space<vmem>>, vector<2048x64xf32>
    %dot_general3A_167 = arith.constant dense<0.000000e+00> : vector<512x2048xf32>
    %dot_general3A_168 = tpu.matmul %slice3A_163, %get3A_166, %dot_general3A_167 {dimension_numbers = #tpu.dot_dimension_numbers<[1], [1], [0], [0], [0, 0, 1, 0], [], []>, transpose_lhs_hint = false} : vector<512x64xf32>, vector<2048x64xf32>, vector<512x2048xf32> -> vector<512x2048xf32>
    %reduce_max3A_169 = arith.constant dense<0xFF800000> : vector<512xf32>
    %reduce_max3A_170 = vector.multi_reduction <maximumf>, %dot_general3A_168, %reduce_max3A_169 [1] : vector<512x2048xf32> to vector<512xf32>
    %broadcast_in_dim3A_171 = vector.shape_cast %reduce_max3A_170 : vector<512xf32> to vector<512x1xf32>
    %sub3A_172 = vector.broadcast %broadcast_in_dim3A_171 : vector<512x1xf32> to vector<512x2048xf32>
    %sub3A_173 = arith.subf %dot_general3A_168, %sub3A_172 : vector<512x2048xf32>
    %exp3A_174 = math.exp %sub3A_173 : vector<512x2048xf32>
    %reduce_sum3A_175 = arith.constant dense<0.000000e+00> : vector<512xf32>
    %reduce_sum3A_176 = vector.multi_reduction <add>, %exp3A_174, %reduce_sum3A_175 [1] : vector<512x2048xf32> to vector<512xf32>
    %broadcast_in_dim3A_177 = vector.shape_cast %reduce_sum3A_176 : vector<512xf32> to vector<512x1xf32>
    %div3A_178 = arith.constant 1.000000e+00 : f32
    %div3A_179 = vector.broadcast %div3A_178 : f32 to vector<512x1xf32>
    %div3A_180 = arith.divf %div3A_179, %broadcast_in_dim3A_177 : vector<512x1xf32>
    %get3A_181 = arith.constant 0 : index
    %get3A_182 = arith.constant 320 : index
    %get3A_183 = vector.load %arg14[%get3A_181, %get3A_182] : memref<2048x768xf32, #tpu.memory_space<vmem>>, vector<2048x64xf32>
    %dot_general3A_184 = arith.constant dense<0.000000e+00> : vector<512x64xf32>
    %dot_general3A_185 = tpu.matmul %exp3A_174, %get3A_183, %dot_general3A_184 {dimension_numbers = #tpu.dot_dimension_numbers<[1], [0], [0], [1], [0, 0, 1, 1], [], []>, transpose_lhs_hint = false} : vector<512x2048xf32>, vector<2048x64xf32>, vector<512x64xf32> -> vector<512x64xf32>
    %mul3A_186 = vector.broadcast %div3A_180 : vector<512x1xf32> to vector<512x64xf32>
    %mul3A_187 = arith.mulf %dot_general3A_185, %mul3A_186 : vector<512x64xf32>
    %swap3A_188 = arith.constant 0 : index
    %swap3A_189 = arith.constant 0 : index
    %swap3A_190 = arith.constant 320 : index
    %swap3A_191 = vector.load %arg11[%swap3A_188, %swap3A_189, %swap3A_190] : memref<1x512x768xf32, #tpu.memory_space<vmem>>, vector<1x512x64xf32>
    %swap3A_192 = vector.shape_cast %swap3A_191 : vector<1x512x64xf32> to vector<512x64xf32>
    %swap3A_193 = vector.shape_cast %mul3A_187 : vector<512x64xf32> to vector<1x512x64xf32>
    tpu.vector_store %arg11[%swap3A_188, %swap3A_189, %swap3A_190], %swap3A_193 {strides = array<i32>} : memref<1x512x768xf32, #tpu.memory_space<vmem>>, vector<1x512x64xf32>,
    %slice3A_194 = vector.extract_strided_slice %mul3A_15 {offsets = [0, 384], sizes = [512, 64], strides = [1, 1]} : vector<512x768xf32> to vector<512x64xf32>
    %get3A_195 = arith.constant 0 : index
    %get3A_196 = arith.constant 384 : index
    %get3A_197 = vector.load %arg13[%get3A_195, %get3A_196] : memref<2048x768xf32, #tpu.memory_space<vmem>>, vector<2048x64xf32>
    %dot_general3A_198 = arith.constant dense<0.000000e+00> : vector<512x2048xf32>
    %dot_general3A_199 = tpu.matmul %slice3A_194, %get3A_197, %dot_general3A_198 {dimension_numbers = #tpu.dot_dimension_numbers<[1], [1], [0], [0], [0, 0, 1, 0], [], []>, transpose_lhs_hint = false} : vector<512x64xf32>, vector<2048x64xf32>, vector<512x2048xf32> -> vector<512x2048xf32>
    %reduce_max3A_200 = arith.constant dense<0xFF800000> : vector<512xf32>
    %reduce_max3A_201 = vector.multi_reduction <maximumf>, %dot_general3A_199, %reduce_max3A_200 [1] : vector<512x2048xf32> to vector<512xf32>
    %broadcast_in_dim3A_202 = vector.shape_cast %reduce_max3A_201 : vector<512xf32> to vector<512x1xf32>
    %sub3A_203 = vector.broadcast %broadcast_in_dim3A_202 : vector<512x1xf32> to vector<512x2048xf32>
    %sub3A_204 = arith.subf %dot_general3A_199, %sub3A_203 : vector<512x2048xf32>
    %exp3A_205 = math.exp %sub3A_204 : vector<512x2048xf32>
    %reduce_sum3A_206 = arith.constant dense<0.000000e+00> : vector<512xf32>
    %reduce_sum3A_207 = vector.multi_reduction <add>, %exp3A_205, %reduce_sum3A_206 [1] : vector<512x2048xf32> to vector<512xf32>
    %broadcast_in_dim3A_208 = vector.shape_cast %reduce_sum3A_207 : vector<512xf32> to vector<512x1xf32>
    %div3A_209 = arith.constant 1.000000e+00 : f32
    %div3A_210 = vector.broadcast %div3A_209 : f32 to vector<512x1xf32>
    %div3A_211 = arith.divf %div3A_210, %broadcast_in_dim3A_208 : vector<512x1xf32>
    %get3A_212 = arith.constant 0 : index
    %get3A_213 = arith.constant 384 : index
    %get3A_214 = vector.load %arg14[%get3A_212, %get3A_213] : memref<2048x768xf32, #tpu.memory_space<vmem>>, vector<2048x64xf32>
    %dot_general3A_215 = arith.constant dense<0.000000e+00> : vector<512x64xf32>
    %dot_general3A_216 = tpu.matmul %exp3A_205, %get3A_214, %dot_general3A_215 {dimension_numbers = #tpu.dot_dimension_numbers<[1], [0], [0], [1], [0, 0, 1, 1], [], []>, transpose_lhs_hint = false} : vector<512x2048xf32>, vector<2048x64xf32>, vector<512x64xf32> -> vector<512x64xf32>
    %mul3A_217 = vector.broadcast %div3A_211 : vector<512x1xf32> to vector<512x64xf32>
    %mul3A_218 = arith.mulf %dot_general3A_216, %mul3A_217 : vector<512x64xf32>
    %swap3A_219 = arith.constant 0 : index
    %swap3A_220 = arith.constant 0 : index
    %swap3A_221 = arith.constant 384 : index
    %swap3A_222 = vector.load %arg11[%swap3A_219, %swap3A_220, %swap3A_221] : memref<1x512x768xf32, #tpu.memory_space<vmem>>, vector<1x512x64xf32>
    %swap3A_223 = vector.shape_cast %swap3A_222 : vector<1x512x64xf32> to vector<512x64xf32>
    %swap3A_224 = vector.shape_cast %mul3A_218 : vector<512x64xf32> to vector<1x512x64xf32>
    tpu.vector_store %arg11[%swap3A_219, %swap3A_220, %swap3A_221], %swap3A_224 {strides = array<i32>} : memref<1x512x768xf32, #tpu.memory_space<vmem>>, vector<1x512x64xf32>,
    %slice3A_225 = vector.extract_strided_slice %mul3A_15 {offsets = [0, 448], sizes = [512, 64], strides = [1, 1]} : vector<512x768xf32> to vector<512x64xf32>
    %get3A_226 = arith.constant 0 : index
    %get3A_227 = arith.constant 448 : index
    %get3A_228 = vector.load %arg13[%get3A_226, %get3A_227] : memref<2048x768xf32, #tpu.memory_space<vmem>>, vector<2048x64xf32>
    %dot_general3A_229 = arith.constant dense<0.000000e+00> : vector<512x2048xf32>
    %dot_general3A_230 = tpu.matmul %slice3A_225, %get3A_228, %dot_general3A_229 {dimension_numbers = #tpu.dot_dimension_numbers<[1], [1], [0], [0], [0, 0, 1, 0], [], []>, transpose_lhs_hint = false} : vector<512x64xf32>, vector<2048x64xf32>, vector<512x2048xf32> -> vector<512x2048xf32>
    %reduce_max3A_231 = arith.constant dense<0xFF800000> : vector<512xf32>
    %reduce_max3A_232 = vector.multi_reduction <maximumf>, %dot_general3A_230, %reduce_max3A_231 [1] : vector<512x2048xf32> to vector<512xf32>
    %broadcast_in_dim3A_233 = vector.shape_cast %reduce_max3A_232 : vector<512xf32> to vector<512x1xf32>
    %sub3A_234 = vector.broadcast %broadcast_in_dim3A_233 : vector<512x1xf32> to vector<512x2048xf32>
    %sub3A_235 = arith.subf %dot_general3A_230, %sub3A_234 : vector<512x2048xf32>
    %exp3A_236 = math.exp %sub3A_235 : vector<512x2048xf32>
    %reduce_sum3A_237 = arith.constant dense<0.000000e+00> : vector<512xf32>
    %reduce_sum3A_238 = vector.multi_reduction <add>, %exp3A_236, %reduce_sum3A_237 [1] : vector<512x2048xf32> to vector<512xf32>
    %broadcast_in_dim3A_239 = vector.shape_cast %reduce_sum3A_238 : vector<512xf32> to vector<512x1xf32>
    %div3A_240 = arith.constant 1.000000e+00 : f32
    %div3A_241 = vector.broadcast %div3A_240 : f32 to vector<512x1xf32>
    %div3A_242 = arith.divf %div3A_241, %broadcast_in_dim3A_239 : vector<512x1xf32>
    %get3A_243 = arith.constant 0 : index
    %get3A_244 = arith.constant 448 : index
    %get3A_245 = vector.load %arg14[%get3A_243, %get3A_244] : memref<2048x768xf32, #tpu.memory_space<vmem>>, vector<2048x64xf32>
    %dot_general3A_246 = arith.constant dense<0.000000e+00> : vector<512x64xf32>
    %dot_general3A_247 = tpu.matmul %exp3A_236, %get3A_245, %dot_general3A_246 {dimension_numbers = #tpu.dot_dimension_numbers<[1], [0], [0], [1], [0, 0, 1, 1], [], []>, transpose_lhs_hint = false} : vector<512x2048xf32>, vector<2048x64xf32>, vector<512x64xf32> -> vector<512x64xf32>
    %mul3A_248 = vector.broadcast %div3A_242 : vector<512x1xf32> to vector<512x64xf32>
    %mul3A_249 = arith.mulf %dot_general3A_247, %mul3A_248 : vector<512x64xf32>
    %swap3A_250 = arith.constant 0 : index
    %swap3A_251 = arith.constant 0 : index
    %swap3A_252 = arith.constant 448 : index
    %swap3A_253 = vector.load %arg11[%swap3A_250, %swap3A_251, %swap3A_252] : memref<1x512x768xf32, #tpu.memory_space<vmem>>, vector<1x512x64xf32>
    %swap3A_254 = vector.shape_cast %swap3A_253 : vector<1x512x64xf32> to vector<512x64xf32>
    %swap3A_255 = vector.shape_cast %mul3A_249 : vector<512x64xf32> to vector<1x512x64xf32>
    tpu.vector_store %arg11[%swap3A_250, %swap3A_251, %swap3A_252], %swap3A_255 {strides = array<i32>} : memref<1x512x768xf32, #tpu.memory_space<vmem>>, vector<1x512x64xf32>,
    %slice3A_256 = vector.extract_strided_slice %mul3A_15 {offsets = [0, 512], sizes = [512, 64], strides = [1, 1]} : vector<512x768xf32> to vector<512x64xf32>
    %get3A_257 = arith.constant 0 : index
    %get3A_258 = arith.constant 512 : index
    %get3A_259 = vector.load %arg13[%get3A_257, %get3A_258] : memref<2048x768xf32, #tpu.memory_space<vmem>>, vector<2048x64xf32>
    %dot_general3A_260 = arith.constant dense<0.000000e+00> : vector<512x2048xf32>
    %dot_general3A_261 = tpu.matmul %slice3A_256, %get3A_259, %dot_general3A_260 {dimension_numbers = #tpu.dot_dimension_numbers<[1], [1], [0], [0], [0, 0, 1, 0], [], []>, transpose_lhs_hint = false} : vector<512x64xf32>, vector<2048x64xf32>, vector<512x2048xf32> -> vector<512x2048xf32>
    %reduce_max3A_262 = arith.constant dense<0xFF800000> : vector<512xf32>
    %reduce_max3A_263 = vector.multi_reduction <maximumf>, %dot_general3A_261, %reduce_max3A_262 [1] : vector<512x2048xf32> to vector<512xf32>
    %broadcast_in_dim3A_264 = vector.shape_cast %reduce_max3A_263 : vector<512xf32> to vector<512x1xf32>
    %sub3A_265 = vector.broadcast %broadcast_in_dim3A_264 : vector<512x1xf32> to vector<512x2048xf32>
    %sub3A_266 = arith.subf %dot_general3A_261, %sub3A_265 : vector<512x2048xf32>
    %exp3A_267 = math.exp %sub3A_266 : vector<512x2048xf32>
    %reduce_sum3A_268 = arith.constant dense<0.000000e+00> : vector<512xf32>
    %reduce_sum3A_269 = vector.multi_reduction <add>, %exp3A_267, %reduce_sum3A_268 [1] : vector<512x2048xf32> to vector<512xf32>
    %broadcast_in_dim3A_270 = vector.shape_cast %reduce_sum3A_269 : vector<512xf32> to vector<512x1xf32>
    %div3A_271 = arith.constant 1.000000e+00 : f32
    %div3A_272 = vector.broadcast %div3A_271 : f32 to vector<512x1xf32>
    %div3A_273 = arith.divf %div3A_272, %broadcast_in_dim3A_270 : vector<512x1xf32>
    %get3A_274 = arith.constant 0 : index
    %get3A_275 = arith.constant 512 : index
    %get3A_276 = vector.load %arg14[%get3A_274, %get3A_275] : memref<2048x768xf32, #tpu.memory_space<vmem>>, vector<2048x64xf32>
    %dot_general3A_277 = arith.constant dense<0.000000e+00> : vector<512x64xf32>
    %dot_general3A_278 = tpu.matmul %exp3A_267, %get3A_276, %dot_general3A_277 {dimension_numbers = #tpu.dot_dimension_numbers<[1], [0], [0], [1], [0, 0, 1, 1], [], []>, transpose_lhs_hint = false} : vector<512x2048xf32>, vector<2048x64xf32>, vector<512x64xf32> -> vector<512x64xf32>
    %mul3A_279 = vector.broadcast %div3A_273 : vector<512x1xf32> to vector<512x64xf32>
    %mul3A_280 = arith.mulf %dot_general3A_278, %mul3A_279 : vector<512x64xf32>
    %swap3A_281 = arith.constant 0 : index
    %swap3A_282 = arith.constant 0 : index
    %swap3A_283 = arith.constant 512 : index
    %swap3A_284 = vector.load %arg11[%swap3A_281, %swap3A_282, %swap3A_283] : memref<1x512x768xf32, #tpu.memory_space<vmem>>, vector<1x512x64xf32>
    %swap3A_285 = vector.shape_cast %swap3A_284 : vector<1x512x64xf32> to vector<512x64xf32>
    %swap3A_286 = vector.shape_cast %mul3A_280 : vector<512x64xf32> to vector<1x512x64xf32>
    tpu.vector_store %arg11[%swap3A_281, %swap3A_282, %swap3A_283], %swap3A_286 {strides = array<i32>} : memref<1x512x768xf32, #tpu.memory_space<vmem>>, vector<1x512x64xf32>,
    %slice3A_287 = vector.extract_strided_slice %mul3A_15 {offsets = [0, 576], sizes = [512, 64], strides = [1, 1]} : vector<512x768xf32> to vector<512x64xf32>
    %get3A_288 = arith.constant 0 : index
    %get3A_289 = arith.constant 576 : index
    %get3A_290 = vector.load %arg13[%get3A_288, %get3A_289] : memref<2048x768xf32, #tpu.memory_space<vmem>>, vector<2048x64xf32>
    %dot_general3A_291 = arith.constant dense<0.000000e+00> : vector<512x2048xf32>
    %dot_general3A_292 = tpu.matmul %slice3A_287, %get3A_290, %dot_general3A_291 {dimension_numbers = #tpu.dot_dimension_numbers<[1], [1], [0], [0], [0, 0, 1, 0], [], []>, transpose_lhs_hint = false} : vector<512x64xf32>, vector<2048x64xf32>, vector<512x2048xf32> -> vector<512x2048xf32>
    %reduce_max3A_293 = arith.constant dense<0xFF800000> : vector<512xf32>
    %reduce_max3A_294 = vector.multi_reduction <maximumf>, %dot_general3A_292, %reduce_max3A_293 [1] : vector<512x2048xf32> to vector<512xf32>
    %broadcast_in_dim3A_295 = vector.shape_cast %reduce_max3A_294 : vector<512xf32> to vector<512x1xf32>
    %sub3A_296 = vector.broadcast %broadcast_in_dim3A_295 : vector<512x1xf32> to vector<512x2048xf32>
    %sub3A_297 = arith.subf %dot_general3A_292, %sub3A_296 : vector<512x2048xf32>
    %exp3A_298 = math.exp %sub3A_297 : vector<512x2048xf32>
    %reduce_sum3A_299 = arith.constant dense<0.000000e+00> : vector<512xf32>
    %reduce_sum3A_300 = vector.multi_reduction <add>, %exp3A_298, %reduce_sum3A_299 [1] : vector<512x2048xf32> to vector<512xf32>
    %broadcast_in_dim3A_301 = vector.shape_cast %reduce_sum3A_300 : vector<512xf32> to vector<512x1xf32>
    %div3A_302 = arith.constant 1.000000e+00 : f32
    %div3A_303 = vector.broadcast %div3A_302 : f32 to vector<512x1xf32>
    %div3A_304 = arith.divf %div3A_303, %broadcast_in_dim3A_301 : vector<512x1xf32>
    %get3A_305 = arith.constant 0 : index
    %get3A_306 = arith.constant 576 : index
    %get3A_307 = vector.load %arg14[%get3A_305, %get3A_306] : memref<2048x768xf32, #tpu.memory_space<vmem>>, vector<2048x64xf32>
    %dot_general3A_308 = arith.constant dense<0.000000e+00> : vector<512x64xf32>
    %dot_general3A_309 = tpu.matmul %exp3A_298, %get3A_307, %dot_general3A_308 {dimension_numbers = #tpu.dot_dimension_numbers<[1], [0], [0], [1], [0, 0, 1, 1], [], []>, transpose_lhs_hint = false} : vector<512x2048xf32>, vector<2048x64xf32>, vector<512x64xf32> -> vector<512x64xf32>
    %mul3A_310 = vector.broadcast %div3A_304 : vector<512x1xf32> to vector<512x64xf32>
    %mul3A_311 = arith.mulf %dot_general3A_309, %mul3A_310 : vector<512x64xf32>
    %swap3A_312 = arith.constant 0 : index
    %swap3A_313 = arith.constant 0 : index
    %swap3A_314 = arith.constant 576 : index
    %swap3A_315 = vector.load %arg11[%swap3A_312, %swap3A_313, %swap3A_314] : memref<1x512x768xf32, #tpu.memory_space<vmem>>, vector<1x512x64xf32>
    %swap3A_316 = vector.shape_cast %swap3A_315 : vector<1x512x64xf32> to vector<512x64xf32>
    %swap3A_317 = vector.shape_cast %mul3A_311 : vector<512x64xf32> to vector<1x512x64xf32>
    tpu.vector_store %arg11[%swap3A_312, %swap3A_313, %swap3A_314], %swap3A_317 {strides = array<i32>} : memref<1x512x768xf32, #tpu.memory_space<vmem>>, vector<1x512x64xf32>,
    %slice3A_318 = vector.extract_strided_slice %mul3A_15 {offsets = [0, 640], sizes = [512, 64], strides = [1, 1]} : vector<512x768xf32> to vector<512x64xf32>
    %get3A_319 = arith.constant 0 : index
    %get3A_320 = arith.constant 640 : index
    %get3A_321 = vector.load %arg13[%get3A_319, %get3A_320] : memref<2048x768xf32, #tpu.memory_space<vmem>>, vector<2048x64xf32>
    %dot_general3A_322 = arith.constant dense<0.000000e+00> : vector<512x2048xf32>
    %dot_general3A_323 = tpu.matmul %slice3A_318, %get3A_321, %dot_general3A_322 {dimension_numbers = #tpu.dot_dimension_numbers<[1], [1], [0], [0], [0, 0, 1, 0], [], []>, transpose_lhs_hint = false} : vector<512x64xf32>, vector<2048x64xf32>, vector<512x2048xf32> -> vector<512x2048xf32>
    %reduce_max3A_324 = arith.constant dense<0xFF800000> : vector<512xf32>
    %reduce_max3A_325 = vector.multi_reduction <maximumf>, %dot_general3A_323, %reduce_max3A_324 [1] : vector<512x2048xf32> to vector<512xf32>
    %broadcast_in_dim3A_326 = vector.shape_cast %reduce_max3A_325 : vector<512xf32> to vector<512x1xf32>
    %sub3A_327 = vector.broadcast %broadcast_in_dim3A_326 : vector<512x1xf32> to vector<512x2048xf32>
    %sub3A_328 = arith.subf %dot_general3A_323, %sub3A_327 : vector<512x2048xf32>
    %exp3A_329 = math.exp %sub3A_328 : vector<512x2048xf32>
    %reduce_sum3A_330 = arith.constant dense<0.000000e+00> : vector<512xf32>
    %reduce_sum3A_331 = vector.multi_reduction <add>, %exp3A_329, %reduce_sum3A_330 [1] : vector<512x2048xf32> to vector<512xf32>
    %broadcast_in_dim3A_332 = vector.shape_cast %reduce_sum3A_331 : vector<512xf32> to vector<512x1xf32>
    %div3A_333 = arith.constant 1.000000e+00 : f32
    %div3A_334 = vector.broadcast %div3A_333 : f32 to vector<512x1xf32>
    %div3A_335 = arith.divf %div3A_334, %broadcast_in_dim3A_332 : vector<512x1xf32>
    %get3A_336 = arith.constant 0 : index
    %get3A_337 = arith.constant 640 : index
    %get3A_338 = vector.load %arg14[%get3A_336, %get3A_337] : memref<2048x768xf32, #tpu.memory_space<vmem>>, vector<2048x64xf32>
    %dot_general3A_339 = arith.constant dense<0.000000e+00> : vector<512x64xf32>
    %dot_general3A_340 = tpu.matmul %exp3A_329, %get3A_338, %dot_general3A_339 {dimension_numbers = #tpu.dot_dimension_numbers<[1], [0], [0], [1], [0, 0, 1, 1], [], []>, transpose_lhs_hint = false} : vector<512x2048xf32>, vector<2048x64xf32>, vector<512x64xf32> -> vector<512x64xf32>
    %mul3A_341 = vector.broadcast %div3A_335 : vector<512x1xf32> to vector<512x64xf32>
    %mul3A_342 = arith.mulf %dot_general3A_340, %mul3A_341 : vector<512x64xf32>
    %swap3A_343 = arith.constant 0 : index
    %swap3A_344 = arith.constant 0 : index
    %swap3A_345 = arith.constant 640 : index
    %swap3A_346 = vector.load %arg11[%swap3A_343, %swap3A_344, %swap3A_345] : memref<1x512x768xf32, #tpu.memory_space<vmem>>, vector<1x512x64xf32>
    %swap3A_347 = vector.shape_cast %swap3A_346 : vector<1x512x64xf32> to vector<512x64xf32>
    %swap3A_348 = vector.shape_cast %mul3A_342 : vector<512x64xf32> to vector<1x512x64xf32>
    tpu.vector_store %arg11[%swap3A_343, %swap3A_344, %swap3A_345], %swap3A_348 {strides = array<i32>} : memref<1x512x768xf32, #tpu.memory_space<vmem>>, vector<1x512x64xf32>,
    %slice3A_349 = vector.extract_strided_slice %mul3A_15 {offsets = [0, 704], sizes = [512, 64], strides = [1, 1]} : vector<512x768xf32> to vector<512x64xf32>
    %get3A_350 = arith.constant 0 : index
    %get3A_351 = arith.constant 704 : index
    %get3A_352 = vector.load %arg13[%get3A_350, %get3A_351] : memref<2048x768xf32, #tpu.memory_space<vmem>>, vector<2048x64xf32>
    %dot_general3A_353 = arith.constant dense<0.000000e+00> : vector<512x2048xf32>
    %dot_general3A_354 = tpu.matmul %slice3A_349, %get3A_352, %dot_general3A_353 {dimension_numbers = #tpu.dot_dimension_numbers<[1], [1], [0], [0], [0, 0, 1, 0], [], []>, transpose_lhs_hint = false} : vector<512x64xf32>, vector<2048x64xf32>, vector<512x2048xf32> -> vector<512x2048xf32>
    %reduce_max3A_355 = arith.constant dense<0xFF800000> : vector<512xf32>
    %reduce_max3A_356 = vector.multi_reduction <maximumf>, %dot_general3A_354, %reduce_max3A_355 [1] : vector<512x2048xf32> to vector<512xf32>
    %broadcast_in_dim3A_357 = vector.shape_cast %reduce_max3A_356 : vector<512xf32> to vector<512x1xf32>
    %sub3A_358 = vector.broadcast %broadcast_in_dim3A_357 : vector<512x1xf32> to vector<512x2048xf32>
    %sub3A_359 = arith.subf %dot_general3A_354, %sub3A_358 : vector<512x2048xf32>
    %exp3A_360 = math.exp %sub3A_359 : vector<512x2048xf32>
    %reduce_sum3A_361 = arith.constant dense<0.000000e+00> : vector<512xf32>
    %reduce_sum3A_362 = vector.multi_reduction <add>, %exp3A_360, %reduce_sum3A_361 [1] : vector<512x2048xf32> to vector<512xf32>
    %broadcast_in_dim3A_363 = vector.shape_cast %reduce_sum3A_362 : vector<512xf32> to vector<512x1xf32>
    %div3A_364 = arith.constant 1.000000e+00 : f32
    %div3A_365 = vector.broadcast %div3A_364 : f32 to vector<512x1xf32>
    %div3A_366 = arith.divf %div3A_365, %broadcast_in_dim3A_363 : vector<512x1xf32>
    %get3A_367 = arith.constant 0 : index
    %get3A_368 = arith.constant 704 : index
    %get3A_369 = vector.load %arg14[%get3A_367, %get3A_368] : memref<2048x768xf32, #tpu.memory_space<vmem>>, vector<2048x64xf32>
    %dot_general3A_370 = arith.constant dense<0.000000e+00> : vector<512x64xf32>
    %dot_general3A_371 = tpu.matmul %exp3A_360, %get3A_369, %dot_general3A_370 {dimension_numbers = #tpu.dot_dimension_numbers<[1], [0], [0], [1], [0, 0, 1, 1], [], []>, transpose_lhs_hint = false} : vector<512x2048xf32>, vector<2048x64xf32>, vector<512x64xf32> -> vector<512x64xf32>
    %mul3A_372 = vector.broadcast %div3A_366 : vector<512x1xf32> to vector<512x64xf32>
    %mul3A_373 = arith.mulf %dot_general3A_371, %mul3A_372 : vector<512x64xf32>
    %swap3A_374 = arith.constant 0 : index
    %swap3A_375 = arith.constant 0 : index
    %swap3A_376 = arith.constant 704 : index
    %swap3A_377 = vector.load %arg11[%swap3A_374, %swap3A_375, %swap3A_376] : memref<1x512x768xf32, #tpu.memory_space<vmem>>, vector<1x512x64xf32>
    %swap3A_378 = vector.shape_cast %swap3A_377 : vector<1x512x64xf32> to vector<512x64xf32>
    %swap3A_379 = vector.shape_cast %mul3A_373 : vector<512x64xf32> to vector<1x512x64xf32>
    tpu.vector_store %arg11[%swap3A_374, %swap3A_375, %swap3A_376], %swap3A_379 {strides = array<i32>} : memref<1x512x768xf32, #tpu.memory_space<vmem>>, vector<1x512x64xf32>,
    %get3A_380 = arith.constant 0 : index
    %get3A_381 = arith.constant 0 : index
    %get3A_382 = arith.constant 0 : index
    %get3A_383 = vector.load %arg4[%get3A_380, %get3A_381, %get3A_382] : memref<1x128x768xf32, #tpu.memory_space<vmem>>, vector<1x128x768xf32>
    %get3A_384 = vector.shape_cast %get3A_383 : vector<1x128x768xf32> to vector<128x768xf32>
    %mul3A_385 = arith.mulf %get3A_5, %get3A_5 : vector<512x768xf32>
    %reduce_sum3A_386 = arith.constant dense<0.000000e+00> : vector<512xf32>
    %reduce_sum3A_387 = vector.multi_reduction <add>, %mul3A_385, %reduce_sum3A_386 [1] : vector<512x768xf32> to vector<512xf32>
    %broadcast_in_dim3A_388 = vector.shape_cast %reduce_sum3A_387 : vector<512xf32> to vector<512x1xf32>
    %mul3A_389 = arith.mulf %get3A_384, %get3A_384 : vector<128x768xf32>
    %reduce_sum3A_390 = arith.constant dense<0.000000e+00> : vector<128xf32>
    %reduce_sum3A_391 = vector.multi_reduction <add>, %mul3A_389, %reduce_sum3A_390 [1] : vector<128x768xf32> to vector<128xf32>
    %broadcast_in_dim3A_392 = vector.shape_cast %reduce_sum3A_391 : vector<128xf32> to vector<1x128xf32>
    %add3A_393 = vector.broadcast %broadcast_in_dim3A_388 : vector<512x1xf32> to vector<512x128xf32>
    %add3A_394 = vector.broadcast %broadcast_in_dim3A_392 : vector<1x128xf32> to vector<512x128xf32>
    %add3A_395 = arith.addf %add3A_393, %add3A_394 : vector<512x128xf32>
    %dot_general3A_396 = arith.constant dense<0.000000e+00> : vector<512x128xf32>
    %dot_general3A_397 = tpu.matmul %get3A_5, %get3A_384, %dot_general3A_396 {dimension_numbers = #tpu.dot_dimension_numbers<[1], [1], [0], [0], [0, 0, 1, 0], [], []>, transpose_lhs_hint = false} : vector<512x768xf32>, vector<128x768xf32>, vector<512x128xf32> -> vector<512x128xf32>
    %mul3A_398 = arith.constant 2.000000e+00 : f32
    %mul3A_399 = vector.broadcast %mul3A_398 : f32 to vector<512x128xf32>
    %mul3A_400 = arith.mulf %mul3A_399, %dot_general3A_397 : vector<512x128xf32>
    %sub3A_401 = arith.subf %add3A_395, %mul3A_400 : vector<512x128xf32>
    %iota3A = tpu.iota {dimensions = array<i32: 1>} : vector<512x128xi32>
    %reduce_min3A = arith.constant dense<0x7F800000> : vector<512xf32>
    %reduce_min3A_402 = vector.multi_reduction <minimumf>, %sub3A_401, %reduce_min3A [1] : vector<512x128xf32> to vector<512xf32>
    %broadcast_in_dim3A_403 = vector.shape_cast %reduce_min3A_402 : vector<512xf32> to vector<512x1xf32>
    %max3A = arith.constant 0.000000e+00 : f32
    %max3A_404 = vector.broadcast %max3A : f32 to vector<512x1xf32>
    %max3A_405 = arith.maximumf %broadcast_in_dim3A_403, %max3A_404 : vector<512x1xf32>
    %sqrt3A = math.sqrt %max3A_405 : vector<512x1xf32>
    %reduce_sum3A_406 = vector.shape_cast %sqrt3A : vector<512x1xf32> to vector<1x512x1xf32>
    %reduce_sum3A_407 = arith.constant dense<0.000000e+00> : vector<1xf32>
    %reduce_sum3A_408 = vector.multi_reduction <add>, %reduce_sum3A_406, %reduce_sum3A_407 [1, 2] : vector<1x512x1xf32> to vector<1xf32>
    %reduce_sum3A_409 = vector.shape_cast %reduce_sum3A_408 : vector<1xf32> to vector<1x1x1xf32>
    %reduce_sum3A_410 = vector.extract %reduce_sum3A_409[0, 0, 0] : f32 from vector<1x1x1xf32>
    %add3A_411 = arith.constant 0.000000e+00 : f32
    %add3A_412 = arith.addf %add3A_411, %reduce_sum3A_410 : f32
    %mul3A_413 = arith.mulf %sqrt3A, %sqrt3A : vector<512x1xf32>
    %reduce_sum3A_414 = vector.shape_cast %mul3A_413 : vector<512x1xf32> to vector<1x512x1xf32>
    %reduce_sum3A_415 = arith.constant dense<0.000000e+00> : vector<1xf32>
    %reduce_sum3A_416 = vector.multi_reduction <add>, %reduce_sum3A_414, %reduce_sum3A_415 [1, 2] : vector<1x512x1xf32> to vector<1xf32>
    %reduce_sum3A_417 = vector.shape_cast %reduce_sum3A_416 : vector<1xf32> to vector<1x1x1xf32>
    %reduce_sum3A_418 = vector.extract %reduce_sum3A_417[0, 0, 0] : f32 from vector<1x1x1xf32>
    %add3A_419 = arith.constant 0.000000e+00 : f32
    %add3A_420 = arith.addf %add3A_419, %reduce_sum3A_418 : f32
    %reduce_min3A_421 = vector.shape_cast %sqrt3A : vector<512x1xf32> to vector<1x512x1xf32>
    %reduce_min3A_422 = arith.constant dense<0x7F800000> : vector<1xf32>
    %reduce_min3A_423 = vector.multi_reduction <minimumf>, %reduce_min3A_421, %reduce_min3A_422 [1, 2] : vector<1x512x1xf32> to vector<1xf32>
    %reduce_min3A_424 = vector.shape_cast %reduce_min3A_423 : vector<1xf32> to vector<1x1x1xf32>
    %reduce_min3A_425 = vector.extract %reduce_min3A_424[0, 0, 0] : f32 from vector<1x1x1xf32>
    %eq3A_426 = vector.broadcast %broadcast_in_dim3A_403 : vector<512x1xf32> to vector<512x128xf32>
    %eq3A_427 = arith.cmpf oeq, %sub3A_401, %eq3A_426 : vector<512x128xf32>
    %jit3A = arith.constant 128 : i32
    %broadcast_in_dim3A_428 = vector.broadcast %jit3A : i32 to vector<512x128xi32>
    %select_n3A = arith.select %eq3A_427, %iota3A, %broadcast_in_dim3A_428 : vector<512x128xi1>, vector<512x128xi32>
    %reduce_min3A_429 = arith.constant dense<2147483647> : vector<512xi32>
    %reduce_min3A_430 = vector.multi_reduction <minsi>, %select_n3A, %reduce_min3A_429 [1] : vector<512x128xi32> to vector<512xi32>
    %broadcast_in_dim3A_431 = vector.shape_cast %reduce_min3A_430 : vector<512xi32> to vector<512x1xi32>
    %eq3A_432 = vector.broadcast %broadcast_in_dim3A_431 : vector<512x1xi32> to vector<512x128xi32>
    %eq3A_433 = arith.cmpi eq, %iota3A, %eq3A_432 : vector<512x128xi32>
    %jit3A_434 = arith.constant 0x7F800000 : f32
    %broadcast_in_dim3A_435 = vector.broadcast %jit3A_434 : f32 to vector<512x128xf32>
    %select_n3A_436 = arith.select %eq3A_433, %broadcast_in_dim3A_435, %sub3A_401 : vector<512x128xi1>, vector<512x128xf32>
    %reduce_min3A_437 = arith.constant dense<0x7F800000> : vector<512xf32>
    %reduce_min3A_438 = vector.multi_reduction <minimumf>, %select_n3A_436, %reduce_min3A_437 [1] : vector<512x128xf32> to vector<512xf32>
    %broadcast_in_dim3A_439 = vector.shape_cast %reduce_min3A_438 : vector<512xf32> to vector<512x1xf32>
    %max3A_440 = arith.constant 0.000000e+00 : f32
    %max3A_441 = vector.broadcast %max3A_440 : f32 to vector<512x1xf32>
    %max3A_442 = arith.maximumf %broadcast_in_dim3A_439, %max3A_441 : vector<512x1xf32>
    %sqrt3A_443 = math.sqrt %max3A_442 : vector<512x1xf32>
    %reduce_sum3A_444 = vector.shape_cast %sqrt3A_443 : vector<512x1xf32> to vector<1x512x1xf32>
    %reduce_sum3A_445 = arith.constant dense<0.000000e+00> : vector<1xf32>
    %reduce_sum3A_446 = vector.multi_reduction <add>, %reduce_sum3A_444, %reduce_sum3A_445 [1, 2] : vector<1x512x1xf32> to vector<1xf32>
    %reduce_sum3A_447 = vector.shape_cast %reduce_sum3A_446 : vector<1xf32> to vector<1x1x1xf32>
    %reduce_sum3A_448 = vector.extract %reduce_sum3A_447[0, 0, 0] : f32 from vector<1x1x1xf32>
    %add3A_449 = arith.addf %add3A_412, %reduce_sum3A_448 : f32
    %mul3A_450 = arith.mulf %sqrt3A_443, %sqrt3A_443 : vector<512x1xf32>
    %reduce_sum3A_451 = vector.shape_cast %mul3A_450 : vector<512x1xf32> to vector<1x512x1xf32>
    %reduce_sum3A_452 = arith.constant dense<0.000000e+00> : vector<1xf32>
    %reduce_sum3A_453 = vector.multi_reduction <add>, %reduce_sum3A_451, %reduce_sum3A_452 [1, 2] : vector<1x512x1xf32> to vector<1xf32>
    %reduce_sum3A_454 = vector.shape_cast %reduce_sum3A_453 : vector<1xf32> to vector<1x1x1xf32>
    %reduce_sum3A_455 = vector.extract %reduce_sum3A_454[0, 0, 0] : f32 from vector<1x1x1xf32>
    %add3A_456 = arith.addf %add3A_420, %reduce_sum3A_455 : f32
    %eq3A_457 = vector.broadcast %broadcast_in_dim3A_439 : vector<512x1xf32> to vector<512x128xf32>
    %eq3A_458 = arith.cmpf oeq, %select_n3A_436, %eq3A_457 : vector<512x128xf32>
    %jit3A_459 = arith.constant 128 : i32
    %broadcast_in_dim3A_460 = vector.broadcast %jit3A_459 : i32 to vector<512x128xi32>
    %select_n3A_461 = arith.select %eq3A_458, %iota3A, %broadcast_in_dim3A_460 : vector<512x128xi1>, vector<512x128xi32>
    %reduce_min3A_462 = arith.constant dense<2147483647> : vector<512xi32>
    %reduce_min3A_463 = vector.multi_reduction <minsi>, %select_n3A_461, %reduce_min3A_462 [1] : vector<512x128xi32> to vector<512xi32>
    %broadcast_in_dim3A_464 = vector.shape_cast %reduce_min3A_463 : vector<512xi32> to vector<512x1xi32>
    %eq3A_465 = vector.broadcast %broadcast_in_dim3A_464 : vector<512x1xi32> to vector<512x128xi32>
    %eq3A_466 = arith.cmpi eq, %iota3A, %eq3A_465 : vector<512x128xi32>
    %jit3A_467 = arith.constant 0x7F800000 : f32
    %broadcast_in_dim3A_468 = vector.broadcast %jit3A_467 : f32 to vector<512x128xf32>
    %select_n3A_469 = arith.select %eq3A_466, %broadcast_in_dim3A_468, %select_n3A_436 : vector<512x128xi1>, vector<512x128xf32>
    %reduce_min3A_470 = arith.constant dense<0x7F800000> : vector<512xf32>
    %reduce_min3A_471 = vector.multi_reduction <minimumf>, %select_n3A_469, %reduce_min3A_470 [1] : vector<512x128xf32> to vector<512xf32>
    %broadcast_in_dim3A_472 = vector.shape_cast %reduce_min3A_471 : vector<512xf32> to vector<512x1xf32>
    %max3A_473 = arith.constant 0.000000e+00 : f32
    %max3A_474 = vector.broadcast %max3A_473 : f32 to vector<512x1xf32>
    %max3A_475 = arith.maximumf %broadcast_in_dim3A_472, %max3A_474 : vector<512x1xf32>
    %sqrt3A_476 = math.sqrt %max3A_475 : vector<512x1xf32>
    %reduce_sum3A_477 = vector.shape_cast %sqrt3A_476 : vector<512x1xf32> to vector<1x512x1xf32>
    %reduce_sum3A_478 = arith.constant dense<0.000000e+00> : vector<1xf32>
    %reduce_sum3A_479 = vector.multi_reduction <add>, %reduce_sum3A_477, %reduce_sum3A_478 [1, 2] : vector<1x512x1xf32> to vector<1xf32>
    %reduce_sum3A_480 = vector.shape_cast %reduce_sum3A_479 : vector<1xf32> to vector<1x1x1xf32>
    %reduce_sum3A_481 = vector.extract %reduce_sum3A_480[0, 0, 0] : f32 from vector<1x1x1xf32>
    %add3A_482 = arith.addf %add3A_449, %reduce_sum3A_481 : f32
    %mul3A_483 = arith.mulf %sqrt3A_476, %sqrt3A_476 : vector<512x1xf32>
    %reduce_sum3A_484 = vector.shape_cast %mul3A_483 : vector<512x1xf32> to vector<1x512x1xf32>
    %reduce_sum3A_485 = arith.constant dense<0.000000e+00> : vector<1xf32>
    %reduce_sum3A_486 = vector.multi_reduction <add>, %reduce_sum3A_484, %reduce_sum3A_485 [1, 2] : vector<1x512x1xf32> to vector<1xf32>
    %reduce_sum3A_487 = vector.shape_cast %reduce_sum3A_486 : vector<1xf32> to vector<1x1x1xf32>
    %reduce_sum3A_488 = vector.extract %reduce_sum3A_487[0, 0, 0] : f32 from vector<1x1x1xf32>
    %add3A_489 = arith.addf %add3A_456, %reduce_sum3A_488 : f32
    %eq3A_490 = vector.broadcast %broadcast_in_dim3A_472 : vector<512x1xf32> to vector<512x128xf32>
    %eq3A_491 = arith.cmpf oeq, %select_n3A_469, %eq3A_490 : vector<512x128xf32>
    %jit3A_492 = arith.constant 128 : i32
    %broadcast_in_dim3A_493 = vector.broadcast %jit3A_492 : i32 to vector<512x128xi32>
    %select_n3A_494 = arith.select %eq3A_491, %iota3A, %broadcast_in_dim3A_493 : vector<512x128xi1>, vector<512x128xi32>
    %reduce_min3A_495 = arith.constant dense<2147483647> : vector<512xi32>
    %reduce_min3A_496 = vector.multi_reduction <minsi>, %select_n3A_494, %reduce_min3A_495 [1] : vector<512x128xi32> to vector<512xi32>
    %broadcast_in_dim3A_497 = vector.shape_cast %reduce_min3A_496 : vector<512xi32> to vector<512x1xi32>
    %eq3A_498 = vector.broadcast %broadcast_in_dim3A_497 : vector<512x1xi32> to vector<512x128xi32>
    %eq3A_499 = arith.cmpi eq, %iota3A, %eq3A_498 : vector<512x128xi32>
    %jit3A_500 = arith.constant 0x7F800000 : f32
    %broadcast_in_dim3A_501 = vector.broadcast %jit3A_500 : f32 to vector<512x128xf32>
    %select_n3A_502 = arith.select %eq3A_499, %broadcast_in_dim3A_501, %select_n3A_469 : vector<512x128xi1>, vector<512x128xf32>
    %reduce_min3A_503 = arith.constant dense<0x7F800000> : vector<512xf32>
    %reduce_min3A_504 = vector.multi_reduction <minimumf>, %select_n3A_502, %reduce_min3A_503 [1] : vector<512x128xf32> to vector<512xf32>
    %broadcast_in_dim3A_505 = vector.shape_cast %reduce_min3A_504 : vector<512xf32> to vector<512x1xf32>
    %max3A_506 = arith.constant 0.000000e+00 : f32
    %max3A_507 = vector.broadcast %max3A_506 : f32 to vector<512x1xf32>
    %max3A_508 = arith.maximumf %broadcast_in_dim3A_505, %max3A_507 : vector<512x1xf32>
    %sqrt3A_509 = math.sqrt %max3A_508 : vector<512x1xf32>
    %reduce_sum3A_510 = vector.shape_cast %sqrt3A_509 : vector<512x1xf32> to vector<1x512x1xf32>
    %reduce_sum3A_511 = arith.constant dense<0.000000e+00> : vector<1xf32>
    %reduce_sum3A_512 = vector.multi_reduction <add>, %reduce_sum3A_510, %reduce_sum3A_511 [1, 2] : vector<1x512x1xf32> to vector<1xf32>
    %reduce_sum3A_513 = vector.shape_cast %reduce_sum3A_512 : vector<1xf32> to vector<1x1x1xf32>
    %reduce_sum3A_514 = vector.extract %reduce_sum3A_513[0, 0, 0] : f32 from vector<1x1x1xf32>
    %add3A_515 = arith.addf %add3A_482, %reduce_sum3A_514 : f32
    %mul3A_516 = arith.mulf %sqrt3A_509, %sqrt3A_509 : vector<512x1xf32>
    %reduce_sum3A_517 = vector.shape_cast %mul3A_516 : vector<512x1xf32> to vector<1x512x1xf32>
    %reduce_sum3A_518 = arith.constant dense<0.000000e+00> : vector<1xf32>
    %reduce_sum3A_519 = vector.multi_reduction <add>, %reduce_sum3A_517, %reduce_sum3A_518 [1, 2] : vector<1x512x1xf32> to vector<1xf32>
    %reduce_sum3A_520 = vector.shape_cast %reduce_sum3A_519 : vector<1xf32> to vector<1x1x1xf32>
    %reduce_sum3A_521 = vector.extract %reduce_sum3A_520[0, 0, 0] : f32 from vector<1x1x1xf32>
    %add3A_522 = arith.addf %add3A_489, %reduce_sum3A_521 : f32
    %eq3A_523 = vector.broadcast %broadcast_in_dim3A_505 : vector<512x1xf32> to vector<512x128xf32>
    %eq3A_524 = arith.cmpf oeq, %select_n3A_502, %eq3A_523 : vector<512x128xf32>
    %jit3A_525 = arith.constant 128 : i32
    %broadcast_in_dim3A_526 = vector.broadcast %jit3A_525 : i32 to vector<512x128xi32>
    %select_n3A_527 = arith.select %eq3A_524, %iota3A, %broadcast_in_dim3A_526 : vector<512x128xi1>, vector<512x128xi32>
    %reduce_min3A_528 = arith.constant dense<2147483647> : vector<512xi32>
    %reduce_min3A_529 = vector.multi_reduction <minsi>, %select_n3A_527, %reduce_min3A_528 [1] : vector<512x128xi32> to vector<512xi32>
    %broadcast_in_dim3A_530 = vector.shape_cast %reduce_min3A_529 : vector<512xi32> to vector<512x1xi32>
    %eq3A_531 = vector.broadcast %broadcast_in_dim3A_530 : vector<512x1xi32> to vector<512x128xi32>
    %eq3A_532 = arith.cmpi eq, %iota3A, %eq3A_531 : vector<512x128xi32>
    %jit3A_533 = arith.constant 0x7F800000 : f32
    %broadcast_in_dim3A_534 = vector.broadcast %jit3A_533 : f32 to vector<512x128xf32>
    %select_n3A_535 = arith.select %eq3A_532, %broadcast_in_dim3A_534, %select_n3A_502 : vector<512x128xi1>, vector<512x128xf32>
    %reduce_min3A_536 = arith.constant dense<0x7F800000> : vector<512xf32>
    %reduce_min3A_537 = vector.multi_reduction <minimumf>, %select_n3A_535, %reduce_min3A_536 [1] : vector<512x128xf32> to vector<512xf32>
    %broadcast_in_dim3A_538 = vector.shape_cast %reduce_min3A_537 : vector<512xf32> to vector<512x1xf32>
    %max3A_539 = arith.constant 0.000000e+00 : f32
    %max3A_540 = vector.broadcast %max3A_539 : f32 to vector<512x1xf32>
    %max3A_541 = arith.maximumf %broadcast_in_dim3A_538, %max3A_540 : vector<512x1xf32>
    %sqrt3A_542 = math.sqrt %max3A_541 : vector<512x1xf32>
    %reduce_sum3A_543 = vector.shape_cast %sqrt3A_542 : vector<512x1xf32> to vector<1x512x1xf32>
    %reduce_sum3A_544 = arith.constant dense<0.000000e+00> : vector<1xf32>
    %reduce_sum3A_545 = vector.multi_reduction <add>, %reduce_sum3A_543, %reduce_sum3A_544 [1, 2] : vector<1x512x1xf32> to vector<1xf32>
    %reduce_sum3A_546 = vector.shape_cast %reduce_sum3A_545 : vector<1xf32> to vector<1x1x1xf32>
    %reduce_sum3A_547 = vector.extract %reduce_sum3A_546[0, 0, 0] : f32 from vector<1x1x1xf32>
    %add3A_548 = arith.addf %add3A_515, %reduce_sum3A_547 : f32
    %mul3A_549 = arith.mulf %sqrt3A_542, %sqrt3A_542 : vector<512x1xf32>
    %reduce_sum3A_550 = vector.shape_cast %mul3A_549 : vector<512x1xf32> to vector<1x512x1xf32>
    %reduce_sum3A_551 = arith.constant dense<0.000000e+00> : vector<1xf32>
    %reduce_sum3A_552 = vector.multi_reduction <add>, %reduce_sum3A_550, %reduce_sum3A_551 [1, 2] : vector<1x512x1xf32> to vector<1xf32>
    %reduce_sum3A_553 = vector.shape_cast %reduce_sum3A_552 : vector<1xf32> to vector<1x1x1xf32>
    %reduce_sum3A_554 = vector.extract %reduce_sum3A_553[0, 0, 0] : f32 from vector<1x1x1xf32>
    %add3A_555 = arith.addf %add3A_522, %reduce_sum3A_554 : f32
    %eq3A_556 = vector.broadcast %broadcast_in_dim3A_538 : vector<512x1xf32> to vector<512x128xf32>
    %eq3A_557 = arith.cmpf oeq, %select_n3A_535, %eq3A_556 : vector<512x128xf32>
    %jit3A_558 = arith.constant 128 : i32
    %broadcast_in_dim3A_559 = vector.broadcast %jit3A_558 : i32 to vector<512x128xi32>
    %select_n3A_560 = arith.select %eq3A_557, %iota3A, %broadcast_in_dim3A_559 : vector<512x128xi1>, vector<512x128xi32>
    %reduce_min3A_561 = arith.constant dense<2147483647> : vector<512xi32>
    %reduce_min3A_562 = vector.multi_reduction <minsi>, %select_n3A_560, %reduce_min3A_561 [1] : vector<512x128xi32> to vector<512xi32>
    %broadcast_in_dim3A_563 = vector.shape_cast %reduce_min3A_562 : vector<512xi32> to vector<512x1xi32>
    %eq3A_564 = vector.broadcast %broadcast_in_dim3A_563 : vector<512x1xi32> to vector<512x128xi32>
    %eq3A_565 = arith.cmpi eq, %iota3A, %eq3A_564 : vector<512x128xi32>
    %jit3A_566 = arith.constant 0x7F800000 : f32
    %broadcast_in_dim3A_567 = vector.broadcast %jit3A_566 : f32 to vector<512x128xf32>
    %select_n3A_568 = arith.select %eq3A_565, %broadcast_in_dim3A_567, %select_n3A_535 : vector<512x128xi1>, vector<512x128xf32>
    %reduce_min3A_569 = arith.constant dense<0x7F800000> : vector<512xf32>
    %reduce_min3A_570 = vector.multi_reduction <minimumf>, %select_n3A_568, %reduce_min3A_569 [1] : vector<512x128xf32> to vector<512xf32>
    %broadcast_in_dim3A_571 = vector.shape_cast %reduce_min3A_570 : vector<512xf32> to vector<512x1xf32>
    %max3A_572 = arith.constant 0.000000e+00 : f32
    %max3A_573 = vector.broadcast %max3A_572 : f32 to vector<512x1xf32>
    %max3A_574 = arith.maximumf %broadcast_in_dim3A_571, %max3A_573 : vector<512x1xf32>
    %sqrt3A_575 = math.sqrt %max3A_574 : vector<512x1xf32>
    %reduce_sum3A_576 = vector.shape_cast %sqrt3A_575 : vector<512x1xf32> to vector<1x512x1xf32>
    %reduce_sum3A_577 = arith.constant dense<0.000000e+00> : vector<1xf32>
    %reduce_sum3A_578 = vector.multi_reduction <add>, %reduce_sum3A_576, %reduce_sum3A_577 [1, 2] : vector<1x512x1xf32> to vector<1xf32>
    %reduce_sum3A_579 = vector.shape_cast %reduce_sum3A_578 : vector<1xf32> to vector<1x1x1xf32>
    %reduce_sum3A_580 = vector.extract %reduce_sum3A_579[0, 0, 0] : f32 from vector<1x1x1xf32>
    %add3A_581 = arith.addf %add3A_548, %reduce_sum3A_580 : f32
    %mul3A_582 = arith.mulf %sqrt3A_575, %sqrt3A_575 : vector<512x1xf32>
    %reduce_sum3A_583 = vector.shape_cast %mul3A_582 : vector<512x1xf32> to vector<1x512x1xf32>
    %reduce_sum3A_584 = arith.constant dense<0.000000e+00> : vector<1xf32>
    %reduce_sum3A_585 = vector.multi_reduction <add>, %reduce_sum3A_583, %reduce_sum3A_584 [1, 2] : vector<1x512x1xf32> to vector<1xf32>
    %reduce_sum3A_586 = vector.shape_cast %reduce_sum3A_585 : vector<1xf32> to vector<1x1x1xf32>
    %reduce_sum3A_587 = vector.extract %reduce_sum3A_586[0, 0, 0] : f32 from vector<1x1x1xf32>
    %add3A_588 = arith.addf %add3A_555, %reduce_sum3A_587 : f32
    %eq3A_589 = vector.broadcast %broadcast_in_dim3A_571 : vector<512x1xf32> to vector<512x128xf32>
    %eq3A_590 = arith.cmpf oeq, %select_n3A_568, %eq3A_589 : vector<512x128xf32>
    %jit3A_591 = arith.constant 128 : i32
    %broadcast_in_dim3A_592 = vector.broadcast %jit3A_591 : i32 to vector<512x128xi32>
    %select_n3A_593 = arith.select %eq3A_590, %iota3A, %broadcast_in_dim3A_592 : vector<512x128xi1>, vector<512x128xi32>
    %reduce_min3A_594 = arith.constant dense<2147483647> : vector<512xi32>
    %reduce_min3A_595 = vector.multi_reduction <minsi>, %select_n3A_593, %reduce_min3A_594 [1] : vector<512x128xi32> to vector<512xi32>
    %broadcast_in_dim3A_596 = vector.shape_cast %reduce_min3A_595 : vector<512xi32> to vector<512x1xi32>
    %eq3A_597 = vector.broadcast %broadcast_in_dim3A_596 : vector<512x1xi32> to vector<512x128xi32>
    %eq3A_598 = arith.cmpi eq, %iota3A, %eq3A_597 : vector<512x128xi32>
    %jit3A_599 = arith.constant 0x7F800000 : f32
    %broadcast_in_dim3A_600 = vector.broadcast %jit3A_599 : f32 to vector<512x128xf32>
    %select_n3A_601 = arith.select %eq3A_598, %broadcast_in_dim3A_600, %select_n3A_568 : vector<512x128xi1>, vector<512x128xf32>
    %reduce_min3A_602 = arith.constant dense<0x7F800000> : vector<512xf32>
    %reduce_min3A_603 = vector.multi_reduction <minimumf>, %select_n3A_601, %reduce_min3A_602 [1] : vector<512x128xf32> to vector<512xf32>
    %broadcast_in_dim3A_604 = vector.shape_cast %reduce_min3A_603 : vector<512xf32> to vector<512x1xf32>
    %max3A_605 = arith.constant 0.000000e+00 : f32
    %max3A_606 = vector.broadcast %max3A_605 : f32 to vector<512x1xf32>
    %max3A_607 = arith.maximumf %broadcast_in_dim3A_604, %max3A_606 : vector<512x1xf32>
    %sqrt3A_608 = math.sqrt %max3A_607 : vector<512x1xf32>
    %reduce_sum3A_609 = vector.shape_cast %sqrt3A_608 : vector<512x1xf32> to vector<1x512x1xf32>
    %reduce_sum3A_610 = arith.constant dense<0.000000e+00> : vector<1xf32>
    %reduce_sum3A_611 = vector.multi_reduction <add>, %reduce_sum3A_609, %reduce_sum3A_610 [1, 2] : vector<1x512x1xf32> to vector<1xf32>
    %reduce_sum3A_612 = vector.shape_cast %reduce_sum3A_611 : vector<1xf32> to vector<1x1x1xf32>
    %reduce_sum3A_613 = vector.extract %reduce_sum3A_612[0, 0, 0] : f32 from vector<1x1x1xf32>
    %add3A_614 = arith.addf %add3A_581, %reduce_sum3A_613 : f32
    %mul3A_615 = arith.mulf %sqrt3A_608, %sqrt3A_608 : vector<512x1xf32>
    %reduce_sum3A_616 = vector.shape_cast %mul3A_615 : vector<512x1xf32> to vector<1x512x1xf32>
    %reduce_sum3A_617 = arith.constant dense<0.000000e+00> : vector<1xf32>
    %reduce_sum3A_618 = vector.multi_reduction <add>, %reduce_sum3A_616, %reduce_sum3A_617 [1, 2] : vector<1x512x1xf32> to vector<1xf32>
    %reduce_sum3A_619 = vector.shape_cast %reduce_sum3A_618 : vector<1xf32> to vector<1x1x1xf32>
    %reduce_sum3A_620 = vector.extract %reduce_sum3A_619[0, 0, 0] : f32 from vector<1x1x1xf32>
    %add3A_621 = arith.addf %add3A_588, %reduce_sum3A_620 : f32
    %eq3A_622 = vector.broadcast %broadcast_in_dim3A_604 : vector<512x1xf32> to vector<512x128xf32>
    %eq3A_623 = arith.cmpf oeq, %select_n3A_601, %eq3A_622 : vector<512x128xf32>
    %jit3A_624 = arith.constant 128 : i32
    %broadcast_in_dim3A_625 = vector.broadcast %jit3A_624 : i32 to vector<512x128xi32>
    %select_n3A_626 = arith.select %eq3A_623, %iota3A, %broadcast_in_dim3A_625 : vector<512x128xi1>, vector<512x128xi32>
    %reduce_min3A_627 = arith.constant dense<2147483647> : vector<512xi32>
    %reduce_min3A_628 = vector.multi_reduction <minsi>, %select_n3A_626, %reduce_min3A_627 [1] : vector<512x128xi32> to vector<512xi32>
    %broadcast_in_dim3A_629 = vector.shape_cast %reduce_min3A_628 : vector<512xi32> to vector<512x1xi32>
    %eq3A_630 = vector.broadcast %broadcast_in_dim3A_629 : vector<512x1xi32> to vector<512x128xi32>
    %eq3A_631 = arith.cmpi eq, %iota3A, %eq3A_630 : vector<512x128xi32>
    %jit3A_632 = arith.constant 0x7F800000 : f32
    %broadcast_in_dim3A_633 = vector.broadcast %jit3A_632 : f32 to vector<512x128xf32>
    %select_n3A_634 = arith.select %eq3A_631, %broadcast_in_dim3A_633, %select_n3A_601 : vector<512x128xi1>, vector<512x128xf32>
    %reduce_min3A_635 = arith.constant dense<0x7F800000> : vector<512xf32>
    %reduce_min3A_636 = vector.multi_reduction <minimumf>, %select_n3A_634, %reduce_min3A_635 [1] : vector<512x128xf32> to vector<512xf32>
    %broadcast_in_dim3A_637 = vector.shape_cast %reduce_min3A_636 : vector<512xf32> to vector<512x1xf32>
    %max3A_638 = arith.constant 0.000000e+00 : f32
    %max3A_639 = vector.broadcast %max3A_638 : f32 to vector<512x1xf32>
    %max3A_640 = arith.maximumf %broadcast_in_dim3A_637, %max3A_639 : vector<512x1xf32>
    %sqrt3A_641 = math.sqrt %max3A_640 : vector<512x1xf32>
    %reduce_sum3A_642 = vector.shape_cast %sqrt3A_641 : vector<512x1xf32> to vector<1x512x1xf32>
    %reduce_sum3A_643 = arith.constant dense<0.000000e+00> : vector<1xf32>
    %reduce_sum3A_644 = vector.multi_reduction <add>, %reduce_sum3A_642, %reduce_sum3A_643 [1, 2] : vector<1x512x1xf32> to vector<1xf32>
    %reduce_sum3A_645 = vector.shape_cast %reduce_sum3A_644 : vector<1xf32> to vector<1x1x1xf32>
    %reduce_sum3A_646 = vector.extract %reduce_sum3A_645[0, 0, 0] : f32 from vector<1x1x1xf32>
    %add3A_647 = arith.addf %add3A_614, %reduce_sum3A_646 : f32
    %mul3A_648 = arith.mulf %sqrt3A_641, %sqrt3A_641 : vector<512x1xf32>
    %reduce_sum3A_649 = vector.shape_cast %mul3A_648 : vector<512x1xf32> to vector<1x512x1xf32>
    %reduce_sum3A_650 = arith.constant dense<0.000000e+00> : vector<1xf32>
    %reduce_sum3A_651 = vector.multi_reduction <add>, %reduce_sum3A_649, %reduce_sum3A_650 [1, 2] : vector<1x512x1xf32> to vector<1xf32>
    %reduce_sum3A_652 = vector.shape_cast %reduce_sum3A_651 : vector<1xf32> to vector<1x1x1xf32>
    %reduce_sum3A_653 = vector.extract %reduce_sum3A_652[0, 0, 0] : f32 from vector<1x1x1xf32>
    %add3A_654 = arith.addf %add3A_621, %reduce_sum3A_653 : f32
    %eq3A_655 = vector.broadcast %broadcast_in_dim3A_637 : vector<512x1xf32> to vector<512x128xf32>
    %eq3A_656 = arith.cmpf oeq, %select_n3A_634, %eq3A_655 : vector<512x128xf32>
    %jit3A_657 = arith.constant 128 : i32
    %broadcast_in_dim3A_658 = vector.broadcast %jit3A_657 : i32 to vector<512x128xi32>
    %select_n3A_659 = arith.select %eq3A_656, %iota3A, %broadcast_in_dim3A_658 : vector<512x128xi1>, vector<512x128xi32>
    %reduce_min3A_660 = arith.constant dense<2147483647> : vector<512xi32>
    %reduce_min3A_661 = vector.multi_reduction <minsi>, %select_n3A_659, %reduce_min3A_660 [1] : vector<512x128xi32> to vector<512xi32>
    %broadcast_in_dim3A_662 = vector.shape_cast %reduce_min3A_661 : vector<512xi32> to vector<512x1xi32>
    %eq3A_663 = vector.broadcast %broadcast_in_dim3A_662 : vector<512x1xi32> to vector<512x128xi32>
    %eq3A_664 = arith.cmpi eq, %iota3A, %eq3A_663 : vector<512x128xi32>
    %jit3A_665 = arith.constant 0x7F800000 : f32
    %broadcast_in_dim3A_666 = vector.broadcast %jit3A_665 : f32 to vector<512x128xf32>
    %select_n3A_667 = arith.select %eq3A_664, %broadcast_in_dim3A_666, %select_n3A_634 : vector<512x128xi1>, vector<512x128xf32>
    %reduce_min3A_668 = arith.constant dense<0x7F800000> : vector<512xf32>
    %reduce_min3A_669 = vector.multi_reduction <minimumf>, %select_n3A_667, %reduce_min3A_668 [1] : vector<512x128xf32> to vector<512xf32>
    %broadcast_in_dim3A_670 = vector.shape_cast %reduce_min3A_669 : vector<512xf32> to vector<512x1xf32>
    %max3A_671 = arith.constant 0.000000e+00 : f32
    %max3A_672 = vector.broadcast %max3A_671 : f32 to vector<512x1xf32>
    %max3A_673 = arith.maximumf %broadcast_in_dim3A_670, %max3A_672 : vector<512x1xf32>
    %sqrt3A_674 = math.sqrt %max3A_673 : vector<512x1xf32>
    %reduce_sum3A_675 = vector.shape_cast %sqrt3A_674 : vector<512x1xf32> to vector<1x512x1xf32>
    %reduce_sum3A_676 = arith.constant dense<0.000000e+00> : vector<1xf32>
    %reduce_sum3A_677 = vector.multi_reduction <add>, %reduce_sum3A_675, %reduce_sum3A_676 [1, 2] : vector<1x512x1xf32> to vector<1xf32>
    %reduce_sum3A_678 = vector.shape_cast %reduce_sum3A_677 : vector<1xf32> to vector<1x1x1xf32>
    %reduce_sum3A_679 = vector.extract %reduce_sum3A_678[0, 0, 0] : f32 from vector<1x1x1xf32>
    %add3A_680 = arith.addf %add3A_647, %reduce_sum3A_679 : f32
    %mul3A_681 = arith.mulf %sqrt3A_674, %sqrt3A_674 : vector<512x1xf32>
    %reduce_sum3A_682 = vector.shape_cast %mul3A_681 : vector<512x1xf32> to vector<1x512x1xf32>
    %reduce_sum3A_683 = arith.constant dense<0.000000e+00> : vector<1xf32>
    %reduce_sum3A_684 = vector.multi_reduction <add>, %reduce_sum3A_682, %reduce_sum3A_683 [1, 2] : vector<1x512x1xf32> to vector<1xf32>
    %reduce_sum3A_685 = vector.shape_cast %reduce_sum3A_684 : vector<1xf32> to vector<1x1x1xf32>
    %reduce_sum3A_686 = vector.extract %reduce_sum3A_685[0, 0, 0] : f32 from vector<1x1x1xf32>
    %add3A_687 = arith.addf %add3A_654, %reduce_sum3A_686 : f32
    %eq3A_688 = vector.broadcast %broadcast_in_dim3A_670 : vector<512x1xf32> to vector<512x128xf32>
    %eq3A_689 = arith.cmpf oeq, %select_n3A_667, %eq3A_688 : vector<512x128xf32>
    %jit3A_690 = arith.constant 128 : i32
    %broadcast_in_dim3A_691 = vector.broadcast %jit3A_690 : i32 to vector<512x128xi32>
    %select_n3A_692 = arith.select %eq3A_689, %iota3A, %broadcast_in_dim3A_691 : vector<512x128xi1>, vector<512x128xi32>
    %reduce_min3A_693 = arith.constant dense<2147483647> : vector<512xi32>
    %reduce_min3A_694 = vector.multi_reduction <minsi>, %select_n3A_692, %reduce_min3A_693 [1] : vector<512x128xi32> to vector<512xi32>
    %broadcast_in_dim3A_695 = vector.shape_cast %reduce_min3A_694 : vector<512xi32> to vector<512x1xi32>
    %eq3A_696 = vector.broadcast %broadcast_in_dim3A_695 : vector<512x1xi32> to vector<512x128xi32>
    %eq3A_697 = arith.cmpi eq, %iota3A, %eq3A_696 : vector<512x128xi32>
    %jit3A_698 = arith.constant 0x7F800000 : f32
    %broadcast_in_dim3A_699 = vector.broadcast %jit3A_698 : f32 to vector<512x128xf32>
    %select_n3A_700 = arith.select %eq3A_697, %broadcast_in_dim3A_699, %select_n3A_667 : vector<512x128xi1>, vector<512x128xf32>
    %reduce_min3A_701 = arith.constant dense<0x7F800000> : vector<512xf32>
    %reduce_min3A_702 = vector.multi_reduction <minimumf>, %select_n3A_700, %reduce_min3A_701 [1] : vector<512x128xf32> to vector<512xf32>
    %broadcast_in_dim3A_703 = vector.shape_cast %reduce_min3A_702 : vector<512xf32> to vector<512x1xf32>
    %max3A_704 = arith.constant 0.000000e+00 : f32
    %max3A_705 = vector.broadcast %max3A_704 : f32 to vector<512x1xf32>
    %max3A_706 = arith.maximumf %broadcast_in_dim3A_703, %max3A_705 : vector<512x1xf32>
    %sqrt3A_707 = math.sqrt %max3A_706 : vector<512x1xf32>
    %reduce_sum3A_708 = vector.shape_cast %sqrt3A_707 : vector<512x1xf32> to vector<1x512x1xf32>
    %reduce_sum3A_709 = arith.constant dense<0.000000e+00> : vector<1xf32>
    %reduce_sum3A_710 = vector.multi_reduction <add>, %reduce_sum3A_708, %reduce_sum3A_709 [1, 2] : vector<1x512x1xf32> to vector<1xf32>
    %reduce_sum3A_711 = vector.shape_cast %reduce_sum3A_710 : vector<1xf32> to vector<1x1x1xf32>
    %reduce_sum3A_712 = vector.extract %reduce_sum3A_711[0, 0, 0] : f32 from vector<1x1x1xf32>
    %add3A_713 = arith.addf %add3A_680, %reduce_sum3A_712 : f32
    %mul3A_714 = arith.mulf %sqrt3A_707, %sqrt3A_707 : vector<512x1xf32>
    %reduce_sum3A_715 = vector.shape_cast %mul3A_714 : vector<512x1xf32> to vector<1x512x1xf32>
    %reduce_sum3A_716 = arith.constant dense<0.000000e+00> : vector<1xf32>
    %reduce_sum3A_717 = vector.multi_reduction <add>, %reduce_sum3A_715, %reduce_sum3A_716 [1, 2] : vector<1x512x1xf32> to vector<1xf32>
    %reduce_sum3A_718 = vector.shape_cast %reduce_sum3A_717 : vector<1xf32> to vector<1x1x1xf32>
    %reduce_sum3A_719 = vector.extract %reduce_sum3A_718[0, 0, 0] : f32 from vector<1x1x1xf32>
    %add3A_720 = arith.addf %add3A_687, %reduce_sum3A_719 : f32
    %eq3A_721 = vector.broadcast %broadcast_in_dim3A_703 : vector<512x1xf32> to vector<512x128xf32>
    %eq3A_722 = arith.cmpf oeq, %select_n3A_700, %eq3A_721 : vector<512x128xf32>
    %jit3A_723 = arith.constant 128 : i32
    %broadcast_in_dim3A_724 = vector.broadcast %jit3A_723 : i32 to vector<512x128xi32>
    %select_n3A_725 = arith.select %eq3A_722, %iota3A, %broadcast_in_dim3A_724 : vector<512x128xi1>, vector<512x128xi32>
    %reduce_min3A_726 = arith.constant dense<2147483647> : vector<512xi32>
    %reduce_min3A_727 = vector.multi_reduction <minsi>, %select_n3A_725, %reduce_min3A_726 [1] : vector<512x128xi32> to vector<512xi32>
    %broadcast_in_dim3A_728 = vector.shape_cast %reduce_min3A_727 : vector<512xi32> to vector<512x1xi32>
    %eq3A_729 = vector.broadcast %broadcast_in_dim3A_728 : vector<512x1xi32> to vector<512x128xi32>
    %eq3A_730 = arith.cmpi eq, %iota3A, %eq3A_729 : vector<512x128xi32>
    %jit3A_731 = arith.constant 0x7F800000 : f32
    %broadcast_in_dim3A_732 = vector.broadcast %jit3A_731 : f32 to vector<512x128xf32>
    %select_n3A_733 = arith.select %eq3A_730, %broadcast_in_dim3A_732, %select_n3A_700 : vector<512x128xi1>, vector<512x128xf32>
    %reduce_min3A_734 = arith.constant dense<0x7F800000> : vector<512xf32>
    %reduce_min3A_735 = vector.multi_reduction <minimumf>, %select_n3A_733, %reduce_min3A_734 [1] : vector<512x128xf32> to vector<512xf32>
    %broadcast_in_dim3A_736 = vector.shape_cast %reduce_min3A_735 : vector<512xf32> to vector<512x1xf32>
    %max3A_737 = arith.constant 0.000000e+00 : f32
    %max3A_738 = vector.broadcast %max3A_737 : f32 to vector<512x1xf32>
    %max3A_739 = arith.maximumf %broadcast_in_dim3A_736, %max3A_738 : vector<512x1xf32>
    %sqrt3A_740 = math.sqrt %max3A_739 : vector<512x1xf32>
    %reduce_sum3A_741 = vector.shape_cast %sqrt3A_740 : vector<512x1xf32> to vector<1x512x1xf32>
    %reduce_sum3A_742 = arith.constant dense<0.000000e+00> : vector<1xf32>
    %reduce_sum3A_743 = vector.multi_reduction <add>, %reduce_sum3A_741, %reduce_sum3A_742 [1, 2] : vector<1x512x1xf32> to vector<1xf32>
    %reduce_sum3A_744 = vector.shape_cast %reduce_sum3A_743 : vector<1xf32> to vector<1x1x1xf32>
    %reduce_sum3A_745 = vector.extract %reduce_sum3A_744[0, 0, 0] : f32 from vector<1x1x1xf32>
    %add3A_746 = arith.addf %add3A_713, %reduce_sum3A_745 : f32
    %mul3A_747 = arith.mulf %sqrt3A_740, %sqrt3A_740 : vector<512x1xf32>
    %reduce_sum3A_748 = vector.shape_cast %mul3A_747 : vector<512x1xf32> to vector<1x512x1xf32>
    %reduce_sum3A_749 = arith.constant dense<0.000000e+00> : vector<1xf32>
    %reduce_sum3A_750 = vector.multi_reduction <add>, %reduce_sum3A_748, %reduce_sum3A_749 [1, 2] : vector<1x512x1xf32> to vector<1xf32>
    %reduce_sum3A_751 = vector.shape_cast %reduce_sum3A_750 : vector<1xf32> to vector<1x1x1xf32>
    %reduce_sum3A_752 = vector.extract %reduce_sum3A_751[0, 0, 0] : f32 from vector<1x1x1xf32>
    %add3A_753 = arith.addf %add3A_720, %reduce_sum3A_752 : f32
    %eq3A_754 = vector.broadcast %broadcast_in_dim3A_736 : vector<512x1xf32> to vector<512x128xf32>
    %eq3A_755 = arith.cmpf oeq, %select_n3A_733, %eq3A_754 : vector<512x128xf32>
    %jit3A_756 = arith.constant 128 : i32
    %broadcast_in_dim3A_757 = vector.broadcast %jit3A_756 : i32 to vector<512x128xi32>
    %select_n3A_758 = arith.select %eq3A_755, %iota3A, %broadcast_in_dim3A_757 : vector<512x128xi1>, vector<512x128xi32>
    %reduce_min3A_759 = arith.constant dense<2147483647> : vector<512xi32>
    %reduce_min3A_760 = vector.multi_reduction <minsi>, %select_n3A_758, %reduce_min3A_759 [1] : vector<512x128xi32> to vector<512xi32>
    %broadcast_in_dim3A_761 = vector.shape_cast %reduce_min3A_760 : vector<512xi32> to vector<512x1xi32>
    %eq3A_762 = vector.broadcast %broadcast_in_dim3A_761 : vector<512x1xi32> to vector<512x128xi32>
    %eq3A_763 = arith.cmpi eq, %iota3A, %eq3A_762 : vector<512x128xi32>
    %jit3A_764 = arith.constant 0x7F800000 : f32
    %broadcast_in_dim3A_765 = vector.broadcast %jit3A_764 : f32 to vector<512x128xf32>
    %select_n3A_766 = arith.select %eq3A_763, %broadcast_in_dim3A_765, %select_n3A_733 : vector<512x128xi1>, vector<512x128xf32>
    %reduce_min3A_767 = arith.constant dense<0x7F800000> : vector<512xf32>
    %reduce_min3A_768 = vector.multi_reduction <minimumf>, %select_n3A_766, %reduce_min3A_767 [1] : vector<512x128xf32> to vector<512xf32>
    %broadcast_in_dim3A_769 = vector.shape_cast %reduce_min3A_768 : vector<512xf32> to vector<512x1xf32>
    %max3A_770 = arith.constant 0.000000e+00 : f32
    %max3A_771 = vector.broadcast %max3A_770 : f32 to vector<512x1xf32>
    %max3A_772 = arith.maximumf %broadcast_in_dim3A_769, %max3A_771 : vector<512x1xf32>
    %sqrt3A_773 = math.sqrt %max3A_772 : vector<512x1xf32>
    %reduce_sum3A_774 = vector.shape_cast %sqrt3A_773 : vector<512x1xf32> to vector<1x512x1xf32>
    %reduce_sum3A_775 = arith.constant dense<0.000000e+00> : vector<1xf32>
    %reduce_sum3A_776 = vector.multi_reduction <add>, %reduce_sum3A_774, %reduce_sum3A_775 [1, 2] : vector<1x512x1xf32> to vector<1xf32>
    %reduce_sum3A_777 = vector.shape_cast %reduce_sum3A_776 : vector<1xf32> to vector<1x1x1xf32>
    %reduce_sum3A_778 = vector.extract %reduce_sum3A_777[0, 0, 0] : f32 from vector<1x1x1xf32>
    %add3A_779 = arith.addf %add3A_746, %reduce_sum3A_778 : f32
    %mul3A_780 = arith.mulf %sqrt3A_773, %sqrt3A_773 : vector<512x1xf32>
    %reduce_sum3A_781 = vector.shape_cast %mul3A_780 : vector<512x1xf32> to vector<1x512x1xf32>
    %reduce_sum3A_782 = arith.constant dense<0.000000e+00> : vector<1xf32>
    %reduce_sum3A_783 = vector.multi_reduction <add>, %reduce_sum3A_781, %reduce_sum3A_782 [1, 2] : vector<1x512x1xf32> to vector<1xf32>
    %reduce_sum3A_784 = vector.shape_cast %reduce_sum3A_783 : vector<1xf32> to vector<1x1x1xf32>
    %reduce_sum3A_785 = vector.extract %reduce_sum3A_784[0, 0, 0] : f32 from vector<1x1x1xf32>
    %add3A_786 = arith.addf %add3A_753, %reduce_sum3A_785 : f32
    %eq3A_787 = vector.broadcast %broadcast_in_dim3A_769 : vector<512x1xf32> to vector<512x128xf32>
    %eq3A_788 = arith.cmpf oeq, %select_n3A_766, %eq3A_787 : vector<512x128xf32>
    %jit3A_789 = arith.constant 128 : i32
    %broadcast_in_dim3A_790 = vector.broadcast %jit3A_789 : i32 to vector<512x128xi32>
    %select_n3A_791 = arith.select %eq3A_788, %iota3A, %broadcast_in_dim3A_790 : vector<512x128xi1>, vector<512x128xi32>
    %reduce_min3A_792 = arith.constant dense<2147483647> : vector<512xi32>
    %reduce_min3A_793 = vector.multi_reduction <minsi>, %select_n3A_791, %reduce_min3A_792 [1] : vector<512x128xi32> to vector<512xi32>
    %broadcast_in_dim3A_794 = vector.shape_cast %reduce_min3A_793 : vector<512xi32> to vector<512x1xi32>
    %eq3A_795 = vector.broadcast %broadcast_in_dim3A_794 : vector<512x1xi32> to vector<512x128xi32>
    %eq3A_796 = arith.cmpi eq, %iota3A, %eq3A_795 : vector<512x128xi32>
    %jit3A_797 = arith.constant 0x7F800000 : f32
    %broadcast_in_dim3A_798 = vector.broadcast %jit3A_797 : f32 to vector<512x128xf32>
    %select_n3A_799 = arith.select %eq3A_796, %broadcast_in_dim3A_798, %select_n3A_766 : vector<512x128xi1>, vector<512x128xf32>
    %reduce_min3A_800 = arith.constant dense<0x7F800000> : vector<512xf32>
    %reduce_min3A_801 = vector.multi_reduction <minimumf>, %select_n3A_799, %reduce_min3A_800 [1] : vector<512x128xf32> to vector<512xf32>
    %broadcast_in_dim3A_802 = vector.shape_cast %reduce_min3A_801 : vector<512xf32> to vector<512x1xf32>
    %max3A_803 = arith.constant 0.000000e+00 : f32
    %max3A_804 = vector.broadcast %max3A_803 : f32 to vector<512x1xf32>
    %max3A_805 = arith.maximumf %broadcast_in_dim3A_802, %max3A_804 : vector<512x1xf32>
    %sqrt3A_806 = math.sqrt %max3A_805 : vector<512x1xf32>
    %reduce_sum3A_807 = vector.shape_cast %sqrt3A_806 : vector<512x1xf32> to vector<1x512x1xf32>
    %reduce_sum3A_808 = arith.constant dense<0.000000e+00> : vector<1xf32>
    %reduce_sum3A_809 = vector.multi_reduction <add>, %reduce_sum3A_807, %reduce_sum3A_808 [1, 2] : vector<1x512x1xf32> to vector<1xf32>
    %reduce_sum3A_810 = vector.shape_cast %reduce_sum3A_809 : vector<1xf32> to vector<1x1x1xf32>
    %reduce_sum3A_811 = vector.extract %reduce_sum3A_810[0, 0, 0] : f32 from vector<1x1x1xf32>
    %add3A_812 = arith.addf %add3A_779, %reduce_sum3A_811 : f32
    %mul3A_813 = arith.mulf %sqrt3A_806, %sqrt3A_806 : vector<512x1xf32>
    %reduce_sum3A_814 = vector.shape_cast %mul3A_813 : vector<512x1xf32> to vector<1x512x1xf32>
    %reduce_sum3A_815 = arith.constant dense<0.000000e+00> : vector<1xf32>
    %reduce_sum3A_816 = vector.multi_reduction <add>, %reduce_sum3A_814, %reduce_sum3A_815 [1, 2] : vector<1x512x1xf32> to vector<1xf32>
    %reduce_sum3A_817 = vector.shape_cast %reduce_sum3A_816 : vector<1xf32> to vector<1x1x1xf32>
    %reduce_sum3A_818 = vector.extract %reduce_sum3A_817[0, 0, 0] : f32 from vector<1x1x1xf32>
    %add3A_819 = arith.addf %add3A_786, %reduce_sum3A_818 : f32
    %eq3A_820 = vector.broadcast %broadcast_in_dim3A_802 : vector<512x1xf32> to vector<512x128xf32>
    %eq3A_821 = arith.cmpf oeq, %select_n3A_799, %eq3A_820 : vector<512x128xf32>
    %jit3A_822 = arith.constant 128 : i32
    %broadcast_in_dim3A_823 = vector.broadcast %jit3A_822 : i32 to vector<512x128xi32>
    %select_n3A_824 = arith.select %eq3A_821, %iota3A, %broadcast_in_dim3A_823 : vector<512x128xi1>, vector<512x128xi32>
    %reduce_min3A_825 = arith.constant dense<2147483647> : vector<512xi32>
    %reduce_min3A_826 = vector.multi_reduction <minsi>, %select_n3A_824, %reduce_min3A_825 [1] : vector<512x128xi32> to vector<512xi32>
    %broadcast_in_dim3A_827 = vector.shape_cast %reduce_min3A_826 : vector<512xi32> to vector<512x1xi32>
    %eq3A_828 = vector.broadcast %broadcast_in_dim3A_827 : vector<512x1xi32> to vector<512x128xi32>
    %eq3A_829 = arith.cmpi eq, %iota3A, %eq3A_828 : vector<512x128xi32>
    %jit3A_830 = arith.constant 0x7F800000 : f32
    %broadcast_in_dim3A_831 = vector.broadcast %jit3A_830 : f32 to vector<512x128xf32>
    %select_n3A_832 = arith.select %eq3A_829, %broadcast_in_dim3A_831, %select_n3A_799 : vector<512x128xi1>, vector<512x128xf32>
    %reduce_min3A_833 = arith.constant dense<0x7F800000> : vector<512xf32>
    %reduce_min3A_834 = vector.multi_reduction <minimumf>, %select_n3A_832, %reduce_min3A_833 [1] : vector<512x128xf32> to vector<512xf32>
    %broadcast_in_dim3A_835 = vector.shape_cast %reduce_min3A_834 : vector<512xf32> to vector<512x1xf32>
    %max3A_836 = arith.constant 0.000000e+00 : f32
    %max3A_837 = vector.broadcast %max3A_836 : f32 to vector<512x1xf32>
    %max3A_838 = arith.maximumf %broadcast_in_dim3A_835, %max3A_837 : vector<512x1xf32>
    %sqrt3A_839 = math.sqrt %max3A_838 : vector<512x1xf32>
    %reduce_sum3A_840 = vector.shape_cast %sqrt3A_839 : vector<512x1xf32> to vector<1x512x1xf32>
    %reduce_sum3A_841 = arith.constant dense<0.000000e+00> : vector<1xf32>
    %reduce_sum3A_842 = vector.multi_reduction <add>, %reduce_sum3A_840, %reduce_sum3A_841 [1, 2] : vector<1x512x1xf32> to vector<1xf32>
    %reduce_sum3A_843 = vector.shape_cast %reduce_sum3A_842 : vector<1xf32> to vector<1x1x1xf32>
    %reduce_sum3A_844 = vector.extract %reduce_sum3A_843[0, 0, 0] : f32 from vector<1x1x1xf32>
    %add3A_845 = arith.addf %add3A_812, %reduce_sum3A_844 : f32
    %mul3A_846 = arith.mulf %sqrt3A_839, %sqrt3A_839 : vector<512x1xf32>
    %reduce_sum3A_847 = vector.shape_cast %mul3A_846 : vector<512x1xf32> to vector<1x512x1xf32>
    %reduce_sum3A_848 = arith.constant dense<0.000000e+00> : vector<1xf32>
    %reduce_sum3A_849 = vector.multi_reduction <add>, %reduce_sum3A_847, %reduce_sum3A_848 [1, 2] : vector<1x512x1xf32> to vector<1xf32>
    %reduce_sum3A_850 = vector.shape_cast %reduce_sum3A_849 : vector<1xf32> to vector<1x1x1xf32>
    %reduce_sum3A_851 = vector.extract %reduce_sum3A_850[0, 0, 0] : f32 from vector<1x1x1xf32>
    %add3A_852 = arith.addf %add3A_819, %reduce_sum3A_851 : f32
    %eq3A_853 = vector.broadcast %broadcast_in_dim3A_835 : vector<512x1xf32> to vector<512x128xf32>
    %eq3A_854 = arith.cmpf oeq, %select_n3A_832, %eq3A_853 : vector<512x128xf32>
    %jit3A_855 = arith.constant 128 : i32
    %broadcast_in_dim3A_856 = vector.broadcast %jit3A_855 : i32 to vector<512x128xi32>
    %select_n3A_857 = arith.select %eq3A_854, %iota3A, %broadcast_in_dim3A_856 : vector<512x128xi1>, vector<512x128xi32>
    %reduce_min3A_858 = arith.constant dense<2147483647> : vector<512xi32>
    %reduce_min3A_859 = vector.multi_reduction <minsi>, %select_n3A_857, %reduce_min3A_858 [1] : vector<512x128xi32> to vector<512xi32>
    %broadcast_in_dim3A_860 = vector.shape_cast %reduce_min3A_859 : vector<512xi32> to vector<512x1xi32>
    %eq3A_861 = vector.broadcast %broadcast_in_dim3A_860 : vector<512x1xi32> to vector<512x128xi32>
    %eq3A_862 = arith.cmpi eq, %iota3A, %eq3A_861 : vector<512x128xi32>
    %jit3A_863 = arith.constant 0x7F800000 : f32
    %broadcast_in_dim3A_864 = vector.broadcast %jit3A_863 : f32 to vector<512x128xf32>
    %select_n3A_865 = arith.select %eq3A_862, %broadcast_in_dim3A_864, %select_n3A_832 : vector<512x128xi1>, vector<512x128xf32>
    %reduce_min3A_866 = arith.constant dense<0x7F800000> : vector<512xf32>
    %reduce_min3A_867 = vector.multi_reduction <minimumf>, %select_n3A_865, %reduce_min3A_866 [1] : vector<512x128xf32> to vector<512xf32>
    %broadcast_in_dim3A_868 = vector.shape_cast %reduce_min3A_867 : vector<512xf32> to vector<512x1xf32>
    %max3A_869 = arith.constant 0.000000e+00 : f32
    %max3A_870 = vector.broadcast %max3A_869 : f32 to vector<512x1xf32>
    %max3A_871 = arith.maximumf %broadcast_in_dim3A_868, %max3A_870 : vector<512x1xf32>
    %sqrt3A_872 = math.sqrt %max3A_871 : vector<512x1xf32>
    %reduce_sum3A_873 = vector.shape_cast %sqrt3A_872 : vector<512x1xf32> to vector<1x512x1xf32>
    %reduce_sum3A_874 = arith.constant dense<0.000000e+00> : vector<1xf32>
    %reduce_sum3A_875 = vector.multi_reduction <add>, %reduce_sum3A_873, %reduce_sum3A_874 [1, 2] : vector<1x512x1xf32> to vector<1xf32>
    %reduce_sum3A_876 = vector.shape_cast %reduce_sum3A_875 : vector<1xf32> to vector<1x1x1xf32>
    %reduce_sum3A_877 = vector.extract %reduce_sum3A_876[0, 0, 0] : f32 from vector<1x1x1xf32>
    %add3A_878 = arith.addf %add3A_845, %reduce_sum3A_877 : f32
    %mul3A_879 = arith.mulf %sqrt3A_872, %sqrt3A_872 : vector<512x1xf32>
    %reduce_sum3A_880 = vector.shape_cast %mul3A_879 : vector<512x1xf32> to vector<1x512x1xf32>
    %reduce_sum3A_881 = arith.constant dense<0.000000e+00> : vector<1xf32>
    %reduce_sum3A_882 = vector.multi_reduction <add>, %reduce_sum3A_880, %reduce_sum3A_881 [1, 2] : vector<1x512x1xf32> to vector<1xf32>
    %reduce_sum3A_883 = vector.shape_cast %reduce_sum3A_882 : vector<1xf32> to vector<1x1x1xf32>
    %reduce_sum3A_884 = vector.extract %reduce_sum3A_883[0, 0, 0] : f32 from vector<1x1x1xf32>
    %add3A_885 = arith.addf %add3A_852, %reduce_sum3A_884 : f32
    %eq3A_886 = vector.broadcast %broadcast_in_dim3A_868 : vector<512x1xf32> to vector<512x128xf32>
    %eq3A_887 = arith.cmpf oeq, %select_n3A_865, %eq3A_886 : vector<512x128xf32>
    %jit3A_888 = arith.constant 128 : i32
    %broadcast_in_dim3A_889 = vector.broadcast %jit3A_888 : i32 to vector<512x128xi32>
    %select_n3A_890 = arith.select %eq3A_887, %iota3A, %broadcast_in_dim3A_889 : vector<512x128xi1>, vector<512x128xi32>
    %reduce_min3A_891 = arith.constant dense<2147483647> : vector<512xi32>
    %reduce_min3A_892 = vector.multi_reduction <minsi>, %select_n3A_890, %reduce_min3A_891 [1] : vector<512x128xi32> to vector<512xi32>
    %broadcast_in_dim3A_893 = vector.shape_cast %reduce_min3A_892 : vector<512xi32> to vector<512x1xi32>
    %eq3A_894 = vector.broadcast %broadcast_in_dim3A_893 : vector<512x1xi32> to vector<512x128xi32>
    %eq3A_895 = arith.cmpi eq, %iota3A, %eq3A_894 : vector<512x128xi32>
    %jit3A_896 = arith.constant 0x7F800000 : f32
    %broadcast_in_dim3A_897 = vector.broadcast %jit3A_896 : f32 to vector<512x128xf32>
    %select_n3A_898 = arith.select %eq3A_895, %broadcast_in_dim3A_897, %select_n3A_865 : vector<512x128xi1>, vector<512x128xf32>
    %reduce_min3A_899 = arith.constant dense<0x7F800000> : vector<512xf32>
    %reduce_min3A_900 = vector.multi_reduction <minimumf>, %select_n3A_898, %reduce_min3A_899 [1] : vector<512x128xf32> to vector<512xf32>
    %broadcast_in_dim3A_901 = vector.shape_cast %reduce_min3A_900 : vector<512xf32> to vector<512x1xf32>
    %max3A_902 = arith.constant 0.000000e+00 : f32
    %max3A_903 = vector.broadcast %max3A_902 : f32 to vector<512x1xf32>
    %max3A_904 = arith.maximumf %broadcast_in_dim3A_901, %max3A_903 : vector<512x1xf32>
    %sqrt3A_905 = math.sqrt %max3A_904 : vector<512x1xf32>
    %reduce_sum3A_906 = vector.shape_cast %sqrt3A_905 : vector<512x1xf32> to vector<1x512x1xf32>
    %reduce_sum3A_907 = arith.constant dense<0.000000e+00> : vector<1xf32>
    %reduce_sum3A_908 = vector.multi_reduction <add>, %reduce_sum3A_906, %reduce_sum3A_907 [1, 2] : vector<1x512x1xf32> to vector<1xf32>
    %reduce_sum3A_909 = vector.shape_cast %reduce_sum3A_908 : vector<1xf32> to vector<1x1x1xf32>
    %reduce_sum3A_910 = vector.extract %reduce_sum3A_909[0, 0, 0] : f32 from vector<1x1x1xf32>
    %add3A_911 = arith.addf %add3A_878, %reduce_sum3A_910 : f32
    %mul3A_912 = arith.mulf %sqrt3A_905, %sqrt3A_905 : vector<512x1xf32>
    %reduce_sum3A_913 = vector.shape_cast %mul3A_912 : vector<512x1xf32> to vector<1x512x1xf32>
    %reduce_sum3A_914 = arith.constant dense<0.000000e+00> : vector<1xf32>
    %reduce_sum3A_915 = vector.multi_reduction <add>, %reduce_sum3A_913, %reduce_sum3A_914 [1, 2] : vector<1x512x1xf32> to vector<1xf32>
    %reduce_sum3A_916 = vector.shape_cast %reduce_sum3A_915 : vector<1xf32> to vector<1x1x1xf32>
    %reduce_sum3A_917 = vector.extract %reduce_sum3A_916[0, 0, 0] : f32 from vector<1x1x1xf32>
    %add3A_918 = arith.addf %add3A_885, %reduce_sum3A_917 : f32
    %reduce_max3A_919 = vector.shape_cast %sqrt3A_905 : vector<512x1xf32> to vector<1x512x1xf32>
    %reduce_max3A_920 = arith.constant dense<0xFF800000> : vector<1xf32>
    %reduce_max3A_921 = vector.multi_reduction <maximumf>, %reduce_max3A_919, %reduce_max3A_920 [1, 2] : vector<1x512x1xf32> to vector<1xf32>
    %reduce_max3A_922 = vector.shape_cast %reduce_max3A_921 : vector<1xf32> to vector<1x1x1xf32>
    %reduce_max3A_923 = vector.extract %reduce_max3A_922[0, 0, 0] : f32 from vector<1x1x1xf32>
    %iota3A_924 = tpu.iota {dimensions = array<i32: 1>} : vector<1x128xi32>
    %eq3A_925 = arith.constant 0 : i32
    %eq3A_926 = vector.broadcast %eq3A_925 : i32 to vector<1x128xi32>
    %eq3A_927 = arith.cmpi eq, %iota3A_924, %eq3A_926 : vector<1x128xi32>
    %eq3A_928 = arith.constant 1 : i32
    %eq3A_929 = vector.broadcast %eq3A_928 : i32 to vector<1x128xi32>
    %eq3A_930 = arith.cmpi eq, %iota3A_924, %eq3A_929 : vector<1x128xi32>
    %eq3A_931 = arith.constant 2 : i32
    %eq3A_932 = vector.broadcast %eq3A_931 : i32 to vector<1x128xi32>
    %eq3A_933 = arith.cmpi eq, %iota3A_924, %eq3A_932 : vector<1x128xi32>
    %eq3A_934 = arith.constant 3 : i32
    %eq3A_935 = vector.broadcast %eq3A_934 : i32 to vector<1x128xi32>
    %eq3A_936 = arith.cmpi eq, %iota3A_924, %eq3A_935 : vector<1x128xi32>
    %jit3A_937 = arith.constant 0.000000e+00 : f32
    %broadcast_in_dim3A_938 = vector.broadcast %reduce_max3A_923 : f32 to vector<1x128xf32>
    %broadcast_in_dim3A_939 = vector.broadcast %jit3A_937 : f32 to vector<1x128xf32>
    %select_n3A_940 = arith.select %eq3A_936, %broadcast_in_dim3A_938, %broadcast_in_dim3A_939 : vector<1x128xi1>, vector<1x128xf32>
    %broadcast_in_dim3A_941 = vector.broadcast %reduce_min3A_425 : f32 to vector<1x128xf32>
    %select_n3A_942 = arith.select %eq3A_933, %broadcast_in_dim3A_941, %select_n3A_940 : vector<1x128xi1>, vector<1x128xf32>
    %broadcast_in_dim3A_943 = vector.broadcast %add3A_918 : f32 to vector<1x128xf32>
    %select_n3A_944 = arith.select %eq3A_930, %broadcast_in_dim3A_943, %select_n3A_942 : vector<1x128xi1>, vector<1x128xf32>
    %broadcast_in_dim3A_945 = vector.broadcast %add3A_911 : f32 to vector<1x128xf32>
    %select_n3A_946 = arith.select %eq3A_927, %broadcast_in_dim3A_945, %select_n3A_944 : vector<1x128xi1>, vector<1x128xf32>
    %eq3A_947 = arith.constant 0 : i32
    %eq3A_948 = arith.cmpi eq, %arg1, %eq3A_947 : i32
    %convert_element_type3A_949 = arith.extui %eq3A_948 : i1 to i32
    %cond3A_950 = arith.constant 0 : i32
    %cond3A_951 = arith.cmpi ne, %convert_element_type3A_949, %cond3A_950 : i32
    scf.if %cond3A_951 {
      %eq3A_978 = arith.constant 2 : i32
      %eq3A_979 = vector.broadcast %eq3A_978 : i32 to vector<1x128xi32>
      %eq3A_980 = arith.cmpi eq, %iota3A_924, %eq3A_979 : vector<1x128xi32>
      %eq3A_981 = arith.constant 3 : i32
      %eq3A_982 = vector.broadcast %eq3A_981 : i32 to vector<1x128xi32>
      %eq3A_983 = arith.cmpi eq, %iota3A_924, %eq3A_982 : vector<1x128xi32>
      %jit3A_984 = arith.constant 0xFF800000 : f32
      %jit3A_985 = arith.constant 0.000000e+00 : f32
      %broadcast_in_dim3A_986 = vector.broadcast %jit3A_984 : f32 to vector<1x128xf32>
      %broadcast_in_dim3A_987 = vector.broadcast %jit3A_985 : f32 to vector<1x128xf32>
      %select_n3A_988 = arith.select %eq3A_983, %broadcast_in_dim3A_986, %broadcast_in_dim3A_987 : vector<1x128xi1>, vector<1x128xf32>
      %jit3A_989 = arith.constant 0x7F800000 : f32
      %broadcast_in_dim3A_990 = vector.broadcast %jit3A_989 : f32 to vector<1x128xf32>
      %select_n3A_991 = arith.select %eq3A_980, %broadcast_in_dim3A_990, %select_n3A_988 : vector<1x128xi1>, vector<1x128xf32>
      %swap3A_992 = arith.constant 0 : index
      %swap3A_993 = arith.constant 0 : index
      %swap3A_994 = arith.constant 0 : index
      %swap3A_995 = vector.load %arg12[%swap3A_992, %swap3A_993, %swap3A_994] : memref<1x1x128xf32, #tpu.memory_space<vmem>>, vector<1x1x128xf32>
      %swap3A_996 = vector.shape_cast %swap3A_995 : vector<1x1x128xf32> to vector<1x128xf32>
      %swap3A_997 = vector.shape_cast %select_n3A_991 : vector<1x128xf32> to vector<1x1x128xf32>
      tpu.vector_store %arg12[%swap3A_992, %swap3A_993, %swap3A_994], %swap3A_997 {strides = array<i32>} : memref<1x1x128xf32, #tpu.memory_space<vmem>>, vector<1x1x128xf32>,
    } else {
    }
    %get3A_952 = arith.constant 0 : index
    %get3A_953 = arith.constant 0 : index
    %get3A_954 = arith.constant 0 : index
    %get3A_955 = vector.load %arg12[%get3A_952, %get3A_953, %get3A_954] : memref<1x1x128xf32, #tpu.memory_space<vmem>>, vector<1x1x128xf32>
    %get3A_956 = vector.shape_cast %get3A_955 : vector<1x1x128xf32> to vector<1x128xf32>
    %lt3A = arith.constant 2 : i32
    %lt3A_957 = vector.broadcast %lt3A : i32 to vector<1x128xi32>
    %lt3A_958 = arith.cmpi slt, %iota3A_924, %lt3A_957 : vector<1x128xi32>
    %add3A_959 = arith.addf %get3A_956, %select_n3A_946 : vector<1x128xf32>
    %eq3A_960 = arith.constant 2 : i32
    %eq3A_961 = vector.broadcast %eq3A_960 : i32 to vector<1x128xi32>
    %eq3A_962 = arith.cmpi eq, %iota3A_924, %eq3A_961 : vector<1x128xi32>
    %min3A = arith.minimumf %get3A_956, %select_n3A_946 : vector<1x128xf32>
    %eq3A_963 = arith.constant 3 : i32
    %eq3A_964 = vector.broadcast %eq3A_963 : i32 to vector<1x128xi32>
    %eq3A_965 = arith.cmpi eq, %iota3A_924, %eq3A_964 : vector<1x128xi32>
    %max3A_966 = arith.maximumf %get3A_956, %select_n3A_946 : vector<1x128xf32>
    %jit3A_967 = arith.constant 0.000000e+00 : f32
    %broadcast_in_dim3A_968 = vector.broadcast %jit3A_967 : f32 to vector<1x128xf32>
    %select_n3A_969 = arith.select %eq3A_965, %max3A_966, %broadcast_in_dim3A_968 : vector<1x128xi1>, vector<1x128xf32>
    %select_n3A_970 = arith.select %eq3A_962, %min3A, %select_n3A_969 : vector<1x128xi1>, vector<1x128xf32>
    %select_n3A_971 = arith.select %lt3A_958, %add3A_959, %select_n3A_970 : vector<1x128xi1>, vector<1x128xf32>
    %swap3A_972 = arith.constant 0 : index
    %swap3A_973 = arith.constant 0 : index
    %swap3A_974 = arith.constant 0 : index
    %swap3A_975 = vector.load %arg12[%swap3A_972, %swap3A_973, %swap3A_974] : memref<1x1x128xf32, #tpu.memory_space<vmem>>, vector<1x1x128xf32>
    %swap3A_976 = vector.shape_cast %swap3A_975 : vector<1x1x128xf32> to vector<1x128xf32>
    %swap3A_977 = vector.shape_cast %select_n3A_971 : vector<1x128xf32> to vector<1x1x128xf32>
    tpu.vector_store %arg12[%swap3A_972, %swap3A_973, %swap3A_974], %swap3A_977 {strides = array<i32>} : memref<1x1x128xf32, #tpu.memory_space<vmem>>, vector<1x1x128xf32>,
    return
  }
  func.func @transform_0(%arg0: i32, %arg1: i32) -> (i32, i32, i32) {
    %c0_i32 = arith.constant 0 : i32
    %c0_i32_0 = arith.constant 0 : i32
    return %arg0, %arg1, %c0_i32 : i32, i32, i32
  }
  func.func @transform_1(%arg0: i32, %arg1: i32) -> (i32, i32, i32) {
    %c0_i32 = arith.constant 0 : i32
    %c0_i32_0 = arith.constant 0 : i32
    %c0_i32_1 = arith.constant 0 : i32
    return %arg0, %c0_i32, %c0_i32_0 : i32, i32, i32
  }
  func.func @transform_2(%arg0: i32, %arg1: i32) -> (i32, i32, i32) {
    %c0_i32 = arith.constant 0 : i32
    %c0_i32_0 = arith.constant 0 : i32
    %c0_i32_1 = arith.constant 0 : i32
    return %arg0, %c0_i32, %c0_i32_0 : i32, i32, i32
  }
  func.func @transform_3(%arg0: i32, %arg1: i32) -> (i32, i32) {
    %c0_i32 = arith.constant 0 : i32
    %c0_i32_0 = arith.constant 0 : i32
    %c0_i32_1 = arith.constant 0 : i32
    return %c0_i32, %c0_i32_0 : i32, i32
  }
  func.func @transform_4(%arg0: i32, %arg1: i32) -> (i32, i32) {
    %c0_i32 = arith.constant 0 : i32
    %c0_i32_0 = arith.constant 0 : i32
    %c0_i32_1 = arith.constant 0 : i32
    return %c0_i32, %c0_i32_0 : i32, i32
  }
  func.func @transform_5(%arg0: i32, %arg1: i32) -> (i32, i32) {
    %c0_i32 = arith.constant 0 : i32
    %c0_i32_0 = arith.constant 0 : i32
    %c0_i32_1 = arith.constant 0 : i32
    return %c0_i32, %c0_i32_0 : i32, i32
  }
  func.func @transform_6(%arg0: i32, %arg1: i32) -> (i32, i32) {
    %c0_i32 = arith.constant 0 : i32
    %c0_i32_0 = arith.constant 0 : i32
    %c0_i32_1 = arith.constant 0 : i32
    return %c0_i32, %c0_i32_0 : i32, i32
  }
  func.func @transform_7(%arg0: i32, %arg1: i32) -> (i32, i32) {
    %c0_i32 = arith.constant 0 : i32
    %c0_i32_0 = arith.constant 0 : i32
    %c0_i32_1 = arith.constant 0 : i32
    return %c0_i32, %c0_i32_0 : i32, i32
  }
  func.func @transform_8(%arg0: i32, %arg1: i32) -> (i32, i32) {
    %c0_i32 = arith.constant 0 : i32
    %c0_i32_0 = arith.constant 0 : i32
    %c0_i32_1 = arith.constant 0 : i32
    return %c0_i32, %c0_i32_0 : i32, i32
  }
  func.func @transform_9(%arg0: i32, %arg1: i32) -> (i32, i32, i32) {
    %c0_i32 = arith.constant 0 : i32
    %c0_i32_0 = arith.constant 0 : i32
    return %arg0, %arg1, %c0_i32 : i32, i32, i32
  }
  func.func @transform_10(%arg0: i32, %arg1: i32) -> (i32, i32, i32) {
    %c0_i32 = arith.constant 0 : i32
    %c0_i32_0 = arith.constant 0 : i32
    %c0_i32_1 = arith.constant 0 : i32
    return %arg0, %c0_i32, %c0_i32_0 : i32, i32, i32
  }
}

module attributes {stable_mosaic.version = 14 : i64} {
  func.func @_ffn_kernel(%arg0: i32, %arg1: i32, %arg2: memref<1x512x768xf32, #tpu.memory_space<vmem>>, %arg3: memref<1x512x768xf32, #tpu.memory_space<vmem>>, %arg4: memref<1x1x128xf32, #tpu.memory_space<vmem>>, %arg5: memref<1x1xf32, #tpu.memory_space<vmem>>, %arg6: memref<768x768xf32, #tpu.memory_space<vmem>>, %arg7: memref<1x768xf32, #tpu.memory_space<vmem>>, %arg8: memref<8x192xf32, #tpu.memory_space<vmem>>, %arg9: memref<1x192xf32, #tpu.memory_space<vmem>>, %arg10: memref<192x32xf32, #tpu.memory_space<vmem>>, %arg11: memref<1x32xf32, #tpu.memory_space<vmem>>, %arg12: memref<32x32xf32, #tpu.memory_space<vmem>>, %arg13: memref<1x32xf32, #tpu.memory_space<vmem>>, %arg14: memref<32x32xf32, #tpu.memory_space<vmem>>, %arg15: memref<1x32xf32, #tpu.memory_space<vmem>>, %arg16: memref<32x768xf32, #tpu.memory_space<vmem>>, %arg17: memref<1x768xf32, #tpu.memory_space<vmem>>, %arg18: memref<1x768xf32, #tpu.memory_space<vmem>>, %arg19: memref<1x768xf32, #tpu.memory_space<vmem>>, %arg20: memref<768x3072xf32, #tpu.memory_space<vmem>>, %arg21: memref<1x3072xf32, #tpu.memory_space<vmem>>, %arg22: memref<3072x768xf32, #tpu.memory_space<vmem>>, %arg23: memref<1x768xf32, #tpu.memory_space<vmem>>, %arg24: memref<1x768xf32, #tpu.memory_space<vmem>>, %arg25: memref<1x768xf32, #tpu.memory_space<vmem>>, %arg26: memref<1x512x768xf32, #tpu.memory_space<vmem>>, %arg27: memref<1x768xf32, #tpu.memory_space<vmem>>) attributes {dimension_semantics = [#tpu.dimension_semantics<arbitrary>, #tpu.dimension_semantics<arbitrary>], iteration_bounds = array<i64: 2, 4>, scalar_prefetch = 0 : i64, scratch_operands = 1 : i64, tpu.core_type = #tpu.core_type<tc>, window_params = [{transform_indices = @transform_0, window_bounds = array<i64: 1, 512, 768>}, {transform_indices = @transform_1, window_bounds = array<i64: 1, 512, 768>}, {transform_indices = @transform_2, window_bounds = array<i64: 1, 1, 128>}, {pipeline_mode = #tpu.pipeline_mode<synchronous>, transform_indices = @transform_3, window_bounds = array<i64: 1, 1>}, {pipeline_mode = #tpu.pipeline_mode<synchronous>, transform_indices = @transform_4, window_bounds = array<i64: 768, 768>}, {pipeline_mode = #tpu.pipeline_mode<synchronous>, transform_indices = @transform_5, window_bounds = array<i64: 1, 768>}, {pipeline_mode = #tpu.pipeline_mode<synchronous>, transform_indices = @transform_6, window_bounds = array<i64: 8, 192>}, {pipeline_mode = #tpu.pipeline_mode<synchronous>, transform_indices = @transform_7, window_bounds = array<i64: 1, 192>}, {pipeline_mode = #tpu.pipeline_mode<synchronous>, transform_indices = @transform_8, window_bounds = array<i64: 192, 32>}, {pipeline_mode = #tpu.pipeline_mode<synchronous>, transform_indices = @transform_9, window_bounds = array<i64: 1, 32>}, {pipeline_mode = #tpu.pipeline_mode<synchronous>, transform_indices = @transform_10, window_bounds = array<i64: 32, 32>}, {pipeline_mode = #tpu.pipeline_mode<synchronous>, transform_indices = @transform_11, window_bounds = array<i64: 1, 32>}, {pipeline_mode = #tpu.pipeline_mode<synchronous>, transform_indices = @transform_12, window_bounds = array<i64: 32, 32>}, {pipeline_mode = #tpu.pipeline_mode<synchronous>, transform_indices = @transform_13, window_bounds = array<i64: 1, 32>}, {pipeline_mode = #tpu.pipeline_mode<synchronous>, transform_indices = @transform_14, window_bounds = array<i64: 32, 768>}, {pipeline_mode = #tpu.pipeline_mode<synchronous>, transform_indices = @transform_15, window_bounds = array<i64: 1, 768>}, {pipeline_mode = #tpu.pipeline_mode<synchronous>, transform_indices = @transform_16, window_bounds = array<i64: 1, 768>}, {pipeline_mode = #tpu.pipeline_mode<synchronous>, transform_indices = @transform_17, window_bounds = array<i64: 1, 768>}, {pipeline_mode = #tpu.pipeline_mode<synchronous>, transform_indices = @transform_18, window_bounds = array<i64: 768, 3072>}, {pipeline_mode = #tpu.pipeline_mode<synchronous>, transform_indices = @transform_19, window_bounds = array<i64: 1, 3072>}, {pipeline_mode = #tpu.pipeline_mode<synchronous>, transform_indices = @transform_20, window_bounds = array<i64: 3072, 768>}, {pipeline_mode = #tpu.pipeline_mode<synchronous>, transform_indices = @transform_21, window_bounds = array<i64: 1, 768>}, {pipeline_mode = #tpu.pipeline_mode<synchronous>, transform_indices = @transform_22, window_bounds = array<i64: 1, 768>}, {pipeline_mode = #tpu.pipeline_mode<synchronous>, transform_indices = @transform_23, window_bounds = array<i64: 1, 768>}, {transform_indices = @transform_24, window_bounds = array<i64: 1, 512, 768>}]} {
    %eq3A = arith.constant 0 : i32
    %eq3A_0 = arith.cmpi eq, %arg1, %eq3A : i32
    %convert_element_type3A = arith.extui %eq3A_0 : i1 to i32
    %cond3A = arith.constant 0 : i32
    %cond3A_1 = arith.cmpi ne, %convert_element_type3A, %cond3A : i32
    scf.if %cond3A_1 {
      %get3A_126 = arith.constant 0 : index
      %get3A_127 = arith.constant 0 : index
      %get3A_128 = arith.constant 0 : index
      %get3A_129 = vector.load %arg4[%get3A_126, %get3A_127, %get3A_128] : memref<1x1x128xf32, #tpu.memory_space<vmem>>, vector<1x1x128xf32>
      %get3A_130 = vector.shape_cast %get3A_129 : vector<1x1x128xf32> to vector<1x128xf32>
      %slice3A = vector.extract_strided_slice %get3A_130 {offsets = [0, 0], sizes = [1, 1], strides = [1, 1]} : vector<1x128xf32> to vector<1x1xf32>
      %slice3A_131 = vector.extract_strided_slice %get3A_130 {offsets = [0, 1], sizes = [1, 1], strides = [1, 1]} : vector<1x128xf32> to vector<1x1xf32>
      %slice3A_132 = vector.extract_strided_slice %get3A_130 {offsets = [0, 2], sizes = [1, 1], strides = [1, 1]} : vector<1x128xf32> to vector<1x1xf32>
      %slice3A_133 = vector.extract_strided_slice %get3A_130 {offsets = [0, 3], sizes = [1, 1], strides = [1, 1]} : vector<1x128xf32> to vector<1x1xf32>
      %div3A_134 = arith.constant 3.276800e+04 : f32
      %div3A_135 = vector.broadcast %div3A_134 : f32 to vector<1x1xf32>
      %div3A_136 = arith.divf %slice3A, %div3A_135 : vector<1x1xf32>
      %mul3A_137 = arith.constant 3.276800e+04 : f32
      %mul3A_138 = vector.broadcast %mul3A_137 : f32 to vector<1x1xf32>
      %mul3A_139 = arith.mulf %mul3A_138, %div3A_136 : vector<1x1xf32>
      %mul3A_140 = arith.mulf %mul3A_139, %div3A_136 : vector<1x1xf32>
      %sub3A_141 = arith.subf %slice3A_131, %mul3A_140 : vector<1x1xf32>
      %div3A_142 = arith.constant 3.276700e+04 : f32
      %div3A_143 = vector.broadcast %div3A_142 : f32 to vector<1x1xf32>
      %div3A_144 = arith.divf %sub3A_141, %div3A_143 : vector<1x1xf32>
      %max3A = arith.constant 0.000000e+00 : f32
      %max3A_145 = vector.broadcast %max3A : f32 to vector<1x1xf32>
      %max3A_146 = arith.maximumf %div3A_144, %max3A_145 : vector<1x1xf32>
      %sqrt3A_147 = math.sqrt %max3A_146 : vector<1x1xf32>
      %broadcast_in_dim3A_148 = arith.constant 0.000000e+00 : f32
      %broadcast_in_dim3A_149 = vector.broadcast %broadcast_in_dim3A_148 : f32 to vector<1x1xf32>
      %iota3A = tpu.iota {dimensions = array<i32: 1>} : vector<1x8xi32>
      %div3A_150 = arith.constant 2.000000e+00 : f32
      %div3A_151 = vector.broadcast %div3A_150 : f32 to vector<1x1xf32>
      %div3A_152 = arith.divf %div3A_136, %div3A_151 : vector<1x1xf32>
      %div3A_153 = arith.constant 2.000000e+00 : f32
      %div3A_154 = vector.broadcast %div3A_153 : f32 to vector<1x1xf32>
      %div3A_155 = arith.divf %sqrt3A_147, %div3A_154 : vector<1x1xf32>
      %eq3A_156 = arith.constant 0 : i32
      %eq3A_157 = vector.broadcast %eq3A_156 : i32 to vector<1x8xi32>
      %eq3A_158 = arith.cmpi eq, %iota3A, %eq3A_157 : vector<1x8xi32>
      %eq3A_159 = arith.constant 1 : i32
      %eq3A_160 = vector.broadcast %eq3A_159 : i32 to vector<1x8xi32>
      %eq3A_161 = arith.cmpi eq, %iota3A, %eq3A_160 : vector<1x8xi32>
      %eq3A_162 = arith.constant 2 : i32
      %eq3A_163 = vector.broadcast %eq3A_162 : i32 to vector<1x8xi32>
      %eq3A_164 = arith.cmpi eq, %iota3A, %eq3A_163 : vector<1x8xi32>
      %eq3A_165 = arith.constant 3 : i32
      %eq3A_166 = vector.broadcast %eq3A_165 : i32 to vector<1x8xi32>
      %eq3A_167 = arith.cmpi eq, %iota3A, %eq3A_166 : vector<1x8xi32>
      %eq3A_168 = arith.constant 4 : i32
      %eq3A_169 = vector.broadcast %eq3A_168 : i32 to vector<1x8xi32>
      %eq3A_170 = arith.cmpi eq, %iota3A, %eq3A_169 : vector<1x8xi32>
      %eq3A_171 = arith.constant 5 : i32
      %eq3A_172 = vector.broadcast %eq3A_171 : i32 to vector<1x8xi32>
      %eq3A_173 = arith.cmpi eq, %iota3A, %eq3A_172 : vector<1x8xi32>
      %broadcast_in_dim3A_174 = vector.shape_cast %div3A_155 : vector<1x1xf32> to vector<1x1xf32>
      %broadcast_in_dim3A_175 = vector.broadcast %broadcast_in_dim3A_174 : vector<1x1xf32> to vector<1x8xf32>
      %broadcast_in_dim3A_176 = vector.shape_cast %broadcast_in_dim3A_149 : vector<1x1xf32> to vector<1x1xf32>
      %broadcast_in_dim3A_177 = vector.broadcast %broadcast_in_dim3A_176 : vector<1x1xf32> to vector<1x8xf32>
      %select_n3A = arith.select %eq3A_173, %broadcast_in_dim3A_175, %broadcast_in_dim3A_177 : vector<1x8xi1>, vector<1x8xf32>
      %broadcast_in_dim3A_178 = vector.shape_cast %div3A_152 : vector<1x1xf32> to vector<1x1xf32>
      %broadcast_in_dim3A_179 = vector.broadcast %broadcast_in_dim3A_178 : vector<1x1xf32> to vector<1x8xf32>
      %select_n3A_180 = arith.select %eq3A_170, %broadcast_in_dim3A_179, %select_n3A : vector<1x8xi1>, vector<1x8xf32>
      %broadcast_in_dim3A_181 = vector.shape_cast %slice3A_133 : vector<1x1xf32> to vector<1x1xf32>
      %broadcast_in_dim3A_182 = vector.broadcast %broadcast_in_dim3A_181 : vector<1x1xf32> to vector<1x8xf32>
      %select_n3A_183 = arith.select %eq3A_167, %broadcast_in_dim3A_182, %select_n3A_180 : vector<1x8xi1>, vector<1x8xf32>
      %broadcast_in_dim3A_184 = vector.shape_cast %slice3A_132 : vector<1x1xf32> to vector<1x1xf32>
      %broadcast_in_dim3A_185 = vector.broadcast %broadcast_in_dim3A_184 : vector<1x1xf32> to vector<1x8xf32>
      %select_n3A_186 = arith.select %eq3A_164, %broadcast_in_dim3A_185, %select_n3A_183 : vector<1x8xi1>, vector<1x8xf32>
      %broadcast_in_dim3A_187 = vector.shape_cast %sqrt3A_147 : vector<1x1xf32> to vector<1x1xf32>
      %broadcast_in_dim3A_188 = vector.broadcast %broadcast_in_dim3A_187 : vector<1x1xf32> to vector<1x8xf32>
      %select_n3A_189 = arith.select %eq3A_161, %broadcast_in_dim3A_188, %select_n3A_186 : vector<1x8xi1>, vector<1x8xf32>
      %broadcast_in_dim3A_190 = vector.shape_cast %div3A_136 : vector<1x1xf32> to vector<1x1xf32>
      %broadcast_in_dim3A_191 = vector.broadcast %broadcast_in_dim3A_190 : vector<1x1xf32> to vector<1x8xf32>
      %select_n3A_192 = arith.select %eq3A_158, %broadcast_in_dim3A_191, %select_n3A_189 : vector<1x8xi1>, vector<1x8xf32>
      %mul3A_193 = arith.constant 0.699999988 : f32
      %mul3A_194 = vector.broadcast %mul3A_193 : f32 to vector<1x1xf32>
      %mul3A_195 = arith.mulf %div3A_136, %mul3A_194 : vector<1x1xf32>
      %mul3A_196 = arith.constant 0.699999988 : f32
      %mul3A_197 = vector.broadcast %mul3A_196 : f32 to vector<1x1xf32>
      %mul3A_198 = arith.mulf %sqrt3A_147, %mul3A_197 : vector<1x1xf32>
      %mul3A_199 = arith.constant 3.000000e-01 : f32
      %mul3A_200 = vector.broadcast %mul3A_199 : f32 to vector<1x1xf32>
      %mul3A_201 = arith.mulf %div3A_136, %mul3A_200 : vector<1x1xf32>
      %mul3A_202 = arith.constant 1.200000e+00 : f32
      %mul3A_203 = vector.broadcast %mul3A_202 : f32 to vector<1x1xf32>
      %mul3A_204 = arith.mulf %div3A_136, %mul3A_203 : vector<1x1xf32>
      %mul3A_205 = arith.constant 5.000000e-01 : f32
      %mul3A_206 = vector.broadcast %mul3A_205 : f32 to vector<1x1xf32>
      %mul3A_207 = arith.mulf %div3A_136, %mul3A_206 : vector<1x1xf32>
      %mul3A_208 = arith.constant 3.000000e-01 : f32
      %mul3A_209 = vector.broadcast %mul3A_208 : f32 to vector<1x1xf32>
      %mul3A_210 = arith.mulf %sqrt3A_147, %mul3A_209 : vector<1x1xf32>
      %eq3A_211 = arith.constant 0 : i32
      %eq3A_212 = vector.broadcast %eq3A_211 : i32 to vector<1x8xi32>
      %eq3A_213 = arith.cmpi eq, %iota3A, %eq3A_212 : vector<1x8xi32>
      %eq3A_214 = arith.constant 1 : i32
      %eq3A_215 = vector.broadcast %eq3A_214 : i32 to vector<1x8xi32>
      %eq3A_216 = arith.cmpi eq, %iota3A, %eq3A_215 : vector<1x8xi32>
      %eq3A_217 = arith.constant 2 : i32
      %eq3A_218 = vector.broadcast %eq3A_217 : i32 to vector<1x8xi32>
      %eq3A_219 = arith.cmpi eq, %iota3A, %eq3A_218 : vector<1x8xi32>
      %eq3A_220 = arith.constant 3 : i32
      %eq3A_221 = vector.broadcast %eq3A_220 : i32 to vector<1x8xi32>
      %eq3A_222 = arith.cmpi eq, %iota3A, %eq3A_221 : vector<1x8xi32>
      %eq3A_223 = arith.constant 4 : i32
      %eq3A_224 = vector.broadcast %eq3A_223 : i32 to vector<1x8xi32>
      %eq3A_225 = arith.cmpi eq, %iota3A, %eq3A_224 : vector<1x8xi32>
      %eq3A_226 = arith.constant 5 : i32
      %eq3A_227 = vector.broadcast %eq3A_226 : i32 to vector<1x8xi32>
      %eq3A_228 = arith.cmpi eq, %iota3A, %eq3A_227 : vector<1x8xi32>
      %broadcast_in_dim3A_229 = vector.shape_cast %mul3A_210 : vector<1x1xf32> to vector<1x1xf32>
      %broadcast_in_dim3A_230 = vector.broadcast %broadcast_in_dim3A_229 : vector<1x1xf32> to vector<1x8xf32>
      %broadcast_in_dim3A_231 = vector.shape_cast %broadcast_in_dim3A_149 : vector<1x1xf32> to vector<1x1xf32>
      %broadcast_in_dim3A_232 = vector.broadcast %broadcast_in_dim3A_231 : vector<1x1xf32> to vector<1x8xf32>
      %select_n3A_233 = arith.select %eq3A_228, %broadcast_in_dim3A_230, %broadcast_in_dim3A_232 : vector<1x8xi1>, vector<1x8xf32>
      %broadcast_in_dim3A_234 = vector.shape_cast %mul3A_207 : vector<1x1xf32> to vector<1x1xf32>
      %broadcast_in_dim3A_235 = vector.broadcast %broadcast_in_dim3A_234 : vector<1x1xf32> to vector<1x8xf32>
      %select_n3A_236 = arith.select %eq3A_225, %broadcast_in_dim3A_235, %select_n3A_233 : vector<1x8xi1>, vector<1x8xf32>
      %broadcast_in_dim3A_237 = vector.shape_cast %mul3A_204 : vector<1x1xf32> to vector<1x1xf32>
      %broadcast_in_dim3A_238 = vector.broadcast %broadcast_in_dim3A_237 : vector<1x1xf32> to vector<1x8xf32>
      %select_n3A_239 = arith.select %eq3A_222, %broadcast_in_dim3A_238, %select_n3A_236 : vector<1x8xi1>, vector<1x8xf32>
      %broadcast_in_dim3A_240 = vector.shape_cast %mul3A_201 : vector<1x1xf32> to vector<1x1xf32>
      %broadcast_in_dim3A_241 = vector.broadcast %broadcast_in_dim3A_240 : vector<1x1xf32> to vector<1x8xf32>
      %select_n3A_242 = arith.select %eq3A_219, %broadcast_in_dim3A_241, %select_n3A_239 : vector<1x8xi1>, vector<1x8xf32>
      %broadcast_in_dim3A_243 = vector.shape_cast %mul3A_198 : vector<1x1xf32> to vector<1x1xf32>
      %broadcast_in_dim3A_244 = vector.broadcast %broadcast_in_dim3A_243 : vector<1x1xf32> to vector<1x8xf32>
      %select_n3A_245 = arith.select %eq3A_216, %broadcast_in_dim3A_244, %select_n3A_242 : vector<1x8xi1>, vector<1x8xf32>
      %broadcast_in_dim3A_246 = vector.shape_cast %mul3A_195 : vector<1x1xf32> to vector<1x1xf32>
      %broadcast_in_dim3A_247 = vector.broadcast %broadcast_in_dim3A_246 : vector<1x1xf32> to vector<1x8xf32>
      %select_n3A_248 = arith.select %eq3A_213, %broadcast_in_dim3A_247, %select_n3A_245 : vector<1x8xi1>, vector<1x8xf32>
      %get3A_249 = arith.constant 0 : index
      %get3A_250 = arith.constant 0 : index
      %get3A_251 = vector.load %arg8[%get3A_249, %get3A_250] : memref<8x192xf32, #tpu.memory_space<vmem>>, vector<8x192xf32>
      %dot_general3A_252 = arith.constant dense<0.000000e+00> : vector<1x192xf32>
      %dot_general3A_253 = tpu.matmul %select_n3A_192, %get3A_251, %dot_general3A_252 {dimension_numbers = #tpu.dot_dimension_numbers<[1], [0], [0], [1], [0, 0, 1, 1], [], []>, transpose_lhs_hint = false} : vector<1x8xf32>, vector<8x192xf32>, vector<1x192xf32> -> vector<1x192xf32>
      %get3A_254 = arith.constant 0 : index
      %get3A_255 = arith.constant 0 : index
      %get3A_256 = vector.load %arg9[%get3A_254, %get3A_255] : memref<1x192xf32, #tpu.memory_space<vmem>>, vector<1x192xf32>
      %add3A_257 = arith.addf %dot_general3A_253, %get3A_256 : vector<1x192xf32>
      %max3A_258 = arith.constant 0.000000e+00 : f32
      %max3A_259 = vector.broadcast %max3A_258 : f32 to vector<1x192xf32>
      %max3A_260 = arith.maximumf %add3A_257, %max3A_259 : vector<1x192xf32>
      %get3A_261 = arith.constant 0 : index
      %get3A_262 = arith.constant 0 : index
      %get3A_263 = vector.load %arg10[%get3A_261, %get3A_262] : memref<192x32xf32, #tpu.memory_space<vmem>>, vector<192x32xf32>
      %dot_general3A_264 = arith.constant dense<0.000000e+00> : vector<1x32xf32>
      %dot_general3A_265 = tpu.matmul %max3A_260, %get3A_263, %dot_general3A_264 {dimension_numbers = #tpu.dot_dimension_numbers<[1], [0], [0], [1], [0, 0, 1, 1], [], []>, transpose_lhs_hint = false} : vector<1x192xf32>, vector<192x32xf32>, vector<1x32xf32> -> vector<1x32xf32>
      %get3A_266 = arith.constant 0 : index
      %get3A_267 = arith.constant 0 : index
      %get3A_268 = vector.load %arg11[%get3A_266, %get3A_267] : memref<1x32xf32, #tpu.memory_space<vmem>>, vector<1x32xf32>
      %add3A_269 = arith.addf %dot_general3A_265, %get3A_268 : vector<1x32xf32>
      %get3A_270 = arith.constant 0 : index
      %get3A_271 = arith.constant 0 : index
      %get3A_272 = vector.load %arg12[%get3A_270, %get3A_271] : memref<32x32xf32, #tpu.memory_space<vmem>>, vector<32x32xf32>
      %dot_general3A_273 = arith.constant dense<0.000000e+00> : vector<1x32xf32>
      %dot_general3A_274 = tpu.matmul %add3A_269, %get3A_272, %dot_general3A_273 {dimension_numbers = #tpu.dot_dimension_numbers<[1], [0], [0], [1], [0, 0, 1, 1], [], []>, transpose_lhs_hint = false} : vector<1x32xf32>, vector<32x32xf32>, vector<1x32xf32> -> vector<1x32xf32>
      %get3A_275 = arith.constant 0 : index
      %get3A_276 = arith.constant 0 : index
      %get3A_277 = vector.load %arg13[%get3A_275, %get3A_276] : memref<1x32xf32, #tpu.memory_space<vmem>>, vector<1x32xf32>
      %add3A_278 = arith.addf %dot_general3A_274, %get3A_277 : vector<1x32xf32>
      %get3A_279 = arith.constant 0 : index
      %get3A_280 = arith.constant 0 : index
      %get3A_281 = vector.load %arg8[%get3A_279, %get3A_280] : memref<8x192xf32, #tpu.memory_space<vmem>>, vector<8x192xf32>
      %dot_general3A_282 = arith.constant dense<0.000000e+00> : vector<1x192xf32>
      %dot_general3A_283 = tpu.matmul %select_n3A_248, %get3A_281, %dot_general3A_282 {dimension_numbers = #tpu.dot_dimension_numbers<[1], [0], [0], [1], [0, 0, 1, 1], [], []>, transpose_lhs_hint = false} : vector<1x8xf32>, vector<8x192xf32>, vector<1x192xf32> -> vector<1x192xf32>
      %get3A_284 = arith.constant 0 : index
      %get3A_285 = arith.constant 0 : index
      %get3A_286 = vector.load %arg9[%get3A_284, %get3A_285] : memref<1x192xf32, #tpu.memory_space<vmem>>, vector<1x192xf32>
      %add3A_287 = arith.addf %dot_general3A_283, %get3A_286 : vector<1x192xf32>
      %max3A_288 = arith.constant 0.000000e+00 : f32
      %max3A_289 = vector.broadcast %max3A_288 : f32 to vector<1x192xf32>
      %max3A_290 = arith.maximumf %add3A_287, %max3A_289 : vector<1x192xf32>
      %get3A_291 = arith.constant 0 : index
      %get3A_292 = arith.constant 0 : index
      %get3A_293 = vector.load %arg10[%get3A_291, %get3A_292] : memref<192x32xf32, #tpu.memory_space<vmem>>, vector<192x32xf32>
      %dot_general3A_294 = arith.constant dense<0.000000e+00> : vector<1x32xf32>
      %dot_general3A_295 = tpu.matmul %max3A_290, %get3A_293, %dot_general3A_294 {dimension_numbers = #tpu.dot_dimension_numbers<[1], [0], [0], [1], [0, 0, 1, 1], [], []>, transpose_lhs_hint = false} : vector<1x192xf32>, vector<192x32xf32>, vector<1x32xf32> -> vector<1x32xf32>
      %get3A_296 = arith.constant 0 : index
      %get3A_297 = arith.constant 0 : index
      %get3A_298 = vector.load %arg11[%get3A_296, %get3A_297] : memref<1x32xf32, #tpu.memory_space<vmem>>, vector<1x32xf32>
      %add3A_299 = arith.addf %dot_general3A_295, %get3A_298 : vector<1x32xf32>
      %get3A_300 = arith.constant 0 : index
      %get3A_301 = arith.constant 0 : index
      %get3A_302 = vector.load %arg14[%get3A_300, %get3A_301] : memref<32x32xf32, #tpu.memory_space<vmem>>, vector<32x32xf32>
      %dot_general3A_303 = arith.constant dense<0.000000e+00> : vector<1x32xf32>
      %dot_general3A_304 = tpu.matmul %add3A_299, %get3A_302, %dot_general3A_303 {dimension_numbers = #tpu.dot_dimension_numbers<[1], [0], [0], [1], [0, 0, 1, 1], [], []>, transpose_lhs_hint = false} : vector<1x32xf32>, vector<32x32xf32>, vector<1x32xf32> -> vector<1x32xf32>
      %get3A_305 = arith.constant 0 : index
      %get3A_306 = arith.constant 0 : index
      %get3A_307 = vector.load %arg15[%get3A_305, %get3A_306] : memref<1x32xf32, #tpu.memory_space<vmem>>, vector<1x32xf32>
      %add3A_308 = arith.addf %dot_general3A_304, %get3A_307 : vector<1x32xf32>
      %add3A_309 = arith.addf %add3A_278, %add3A_308 : vector<1x32xf32>
      %mul3A_310 = arith.constant 5.000000e-01 : f32
      %mul3A_311 = vector.broadcast %mul3A_310 : f32 to vector<1x32xf32>
      %mul3A_312 = arith.mulf %mul3A_311, %add3A_309 : vector<1x32xf32>
      %get3A_313 = arith.constant 0 : index
      %get3A_314 = arith.constant 0 : index
      %get3A_315 = vector.load %arg5[%get3A_313, %get3A_314] : memref<1x1xf32, #tpu.memory_space<vmem>>, vector<1x1xf32>
      %get3A_316 = vector.extract %get3A_315[0, 0] : f32 from vector<1x1xf32>
      %get3A_317 = arith.constant 0 : index
      %get3A_318 = arith.constant 0 : index
      %get3A_319 = vector.load %arg16[%get3A_317, %get3A_318] : memref<32x768xf32, #tpu.memory_space<vmem>>, vector<32x768xf32>
      %dot_general3A_320 = arith.constant dense<0.000000e+00> : vector<1x768xf32>
      %dot_general3A_321 = tpu.matmul %mul3A_312, %get3A_319, %dot_general3A_320 {dimension_numbers = #tpu.dot_dimension_numbers<[1], [0], [0], [1], [0, 0, 1, 1], [], []>, transpose_lhs_hint = false} : vector<1x32xf32>, vector<32x768xf32>, vector<1x768xf32> -> vector<1x768xf32>
      %get3A_322 = arith.constant 0 : index
      %get3A_323 = arith.constant 0 : index
      %get3A_324 = vector.load %arg17[%get3A_322, %get3A_323] : memref<1x768xf32, #tpu.memory_space<vmem>>, vector<1x768xf32>
      %add3A_325 = arith.addf %dot_general3A_321, %get3A_324 : vector<1x768xf32>
      %mul3A_326 = vector.broadcast %get3A_316 : f32 to vector<1x768xf32>
      %mul3A_327 = arith.mulf %mul3A_326, %add3A_325 : vector<1x768xf32>
      %swap3A_328 = arith.constant 0 : index
      %swap3A_329 = arith.constant 0 : index
      %swap3A_330 = vector.load %arg27[%swap3A_328, %swap3A_329] : memref<1x768xf32, #tpu.memory_space<vmem>>, vector<1x768xf32>
      tpu.vector_store %arg27[%swap3A_328, %swap3A_329], %mul3A_327 {strides = array<i32>} : memref<1x768xf32, #tpu.memory_space<vmem>>, vector<1x768xf32>,
    } else {
    }
    %get3A = arith.constant 0 : index
    %get3A_2 = arith.constant 0 : index
    %get3A_3 = arith.constant 0 : index
    %get3A_4 = vector.load %arg2[%get3A, %get3A_2, %get3A_3] : memref<1x512x768xf32, #tpu.memory_space<vmem>>, vector<1x512x768xf32>
    %get3A_5 = vector.shape_cast %get3A_4 : vector<1x512x768xf32> to vector<512x768xf32>
    %get3A_6 = arith.constant 0 : index
    %get3A_7 = arith.constant 0 : index
    %get3A_8 = arith.constant 0 : index
    %get3A_9 = vector.load %arg3[%get3A_6, %get3A_7, %get3A_8] : memref<1x512x768xf32, #tpu.memory_space<vmem>>, vector<1x512x768xf32>
    %get3A_10 = vector.shape_cast %get3A_9 : vector<1x512x768xf32> to vector<512x768xf32>
    %get3A_11 = arith.constant 0 : index
    %get3A_12 = arith.constant 0 : index
    %get3A_13 = vector.load %arg6[%get3A_11, %get3A_12] : memref<768x768xf32, #tpu.memory_space<vmem>>, vector<768x768xf32>
    %dot_general3A = arith.constant dense<0.000000e+00> : vector<512x768xf32>
    %dot_general3A_14 = tpu.matmul %get3A_10, %get3A_13, %dot_general3A {dimension_numbers = #tpu.dot_dimension_numbers<[1], [0], [0], [1], [0, 0, 1, 1], [], []>, transpose_lhs_hint = false} : vector<512x768xf32>, vector<768x768xf32>, vector<512x768xf32> -> vector<512x768xf32>
    %get3A_15 = arith.constant 0 : index
    %get3A_16 = arith.constant 0 : index
    %get3A_17 = vector.load %arg7[%get3A_15, %get3A_16] : memref<1x768xf32, #tpu.memory_space<vmem>>, vector<1x768xf32>
    %add3A = vector.broadcast %get3A_17 : vector<1x768xf32> to vector<512x768xf32>
    %add3A_18 = arith.addf %dot_general3A_14, %add3A : vector<512x768xf32>
    %get3A_19 = arith.constant 0 : index
    %get3A_20 = arith.constant 0 : index
    %get3A_21 = vector.load %arg27[%get3A_19, %get3A_20] : memref<1x768xf32, #tpu.memory_space<vmem>>, vector<1x768xf32>
    %add3A_22 = vector.broadcast %get3A_21 : vector<1x768xf32> to vector<512x768xf32>
    %add3A_23 = arith.addf %add3A_18, %add3A_22 : vector<512x768xf32>
    %add3A_24 = arith.addf %get3A_5, %add3A_23 : vector<512x768xf32>
    %reduce_sum3A = arith.constant dense<0.000000e+00> : vector<512xf32>
    %reduce_sum3A_25 = vector.multi_reduction <add>, %add3A_24, %reduce_sum3A [1] : vector<512x768xf32> to vector<512xf32>
    %broadcast_in_dim3A = vector.shape_cast %reduce_sum3A_25 : vector<512xf32> to vector<512x1xf32>
    %div3A = arith.constant 7.680000e+02 : f32
    %div3A_26 = vector.broadcast %div3A : f32 to vector<512x1xf32>
    %div3A_27 = arith.divf %broadcast_in_dim3A, %div3A_26 : vector<512x1xf32>
    %sub3A = vector.broadcast %div3A_27 : vector<512x1xf32> to vector<512x768xf32>
    %sub3A_28 = arith.subf %add3A_24, %sub3A : vector<512x768xf32>
    %integer_pow3A = arith.mulf %sub3A_28, %sub3A_28 : vector<512x768xf32>
    %reduce_sum3A_29 = arith.constant dense<0.000000e+00> : vector<512xf32>
    %reduce_sum3A_30 = vector.multi_reduction <add>, %integer_pow3A, %reduce_sum3A_29 [1] : vector<512x768xf32> to vector<512xf32>
    %broadcast_in_dim3A_31 = vector.shape_cast %reduce_sum3A_30 : vector<512xf32> to vector<512x1xf32>
    %div3A_32 = arith.constant 7.680000e+02 : f32
    %div3A_33 = vector.broadcast %div3A_32 : f32 to vector<512x1xf32>
    %div3A_34 = arith.divf %broadcast_in_dim3A_31, %div3A_33 : vector<512x1xf32>
    %sub3A_35 = vector.broadcast %div3A_27 : vector<512x1xf32> to vector<512x768xf32>
    %sub3A_36 = arith.subf %add3A_24, %sub3A_35 : vector<512x768xf32>
    %add3A_37 = arith.constant 9.99999974E-6 : f32
    %add3A_38 = vector.broadcast %add3A_37 : f32 to vector<512x1xf32>
    %add3A_39 = arith.addf %div3A_34, %add3A_38 : vector<512x1xf32>
    %sqrt3A = math.sqrt %add3A_39 : vector<512x1xf32>
    %div3A_40 = vector.broadcast %sqrt3A : vector<512x1xf32> to vector<512x768xf32>
    %div3A_41 = arith.divf %sub3A_36, %div3A_40 : vector<512x768xf32>
    %get3A_42 = arith.constant 0 : index
    %get3A_43 = arith.constant 0 : index
    %get3A_44 = vector.load %arg18[%get3A_42, %get3A_43] : memref<1x768xf32, #tpu.memory_space<vmem>>, vector<1x768xf32>
    %mul3A = vector.broadcast %get3A_44 : vector<1x768xf32> to vector<512x768xf32>
    %mul3A_45 = arith.mulf %div3A_41, %mul3A : vector<512x768xf32>
    %get3A_46 = arith.constant 0 : index
    %get3A_47 = arith.constant 0 : index
    %get3A_48 = vector.load %arg19[%get3A_46, %get3A_47] : memref<1x768xf32, #tpu.memory_space<vmem>>, vector<1x768xf32>
    %add3A_49 = vector.broadcast %get3A_48 : vector<1x768xf32> to vector<512x768xf32>
    %add3A_50 = arith.addf %mul3A_45, %add3A_49 : vector<512x768xf32>
    %get3A_51 = arith.constant 0 : index
    %get3A_52 = arith.constant 0 : index
    %get3A_53 = vector.load %arg20[%get3A_51, %get3A_52] : memref<768x3072xf32, #tpu.memory_space<vmem>>, vector<768x3072xf32>
    %dot_general3A_54 = arith.constant dense<0.000000e+00> : vector<512x3072xf32>
    %dot_general3A_55 = tpu.matmul %add3A_50, %get3A_53, %dot_general3A_54 {dimension_numbers = #tpu.dot_dimension_numbers<[1], [0], [0], [1], [0, 0, 1, 1], [], []>, transpose_lhs_hint = false} : vector<512x768xf32>, vector<768x3072xf32>, vector<512x3072xf32> -> vector<512x3072xf32>
    %get3A_56 = arith.constant 0 : index
    %get3A_57 = arith.constant 0 : index
    %get3A_58 = vector.load %arg21[%get3A_56, %get3A_57] : memref<1x3072xf32, #tpu.memory_space<vmem>>, vector<1x3072xf32>
    %add3A_59 = vector.broadcast %get3A_58 : vector<1x3072xf32> to vector<512x3072xf32>
    %add3A_60 = arith.addf %dot_general3A_55, %add3A_59 : vector<512x3072xf32>
    %integer_pow3A_61 = arith.mulf %add3A_60, %add3A_60 : vector<512x3072xf32>
    %integer_pow3A_62 = arith.mulf %add3A_60, %integer_pow3A_61 : vector<512x3072xf32>
    %mul3A_63 = arith.constant 4.471500e-02 : f32
    %mul3A_64 = vector.broadcast %mul3A_63 : f32 to vector<512x3072xf32>
    %mul3A_65 = arith.mulf %mul3A_64, %integer_pow3A_62 : vector<512x3072xf32>
    %add3A_66 = arith.addf %add3A_60, %mul3A_65 : vector<512x3072xf32>
    %mul3A_67 = arith.constant 0.797884583 : f32
    %mul3A_68 = vector.broadcast %mul3A_67 : f32 to vector<512x3072xf32>
    %mul3A_69 = arith.mulf %mul3A_68, %add3A_66 : vector<512x3072xf32>
    %tanh3A = math.tanh %mul3A_69 : vector<512x3072xf32>
    %add3A_70 = arith.constant 1.000000e+00 : f32
    %add3A_71 = vector.broadcast %add3A_70 : f32 to vector<512x3072xf32>
    %add3A_72 = arith.addf %add3A_71, %tanh3A : vector<512x3072xf32>
    %mul3A_73 = arith.constant 5.000000e-01 : f32
    %mul3A_74 = vector.broadcast %mul3A_73 : f32 to vector<512x3072xf32>
    %mul3A_75 = arith.mulf %mul3A_74, %add3A_72 : vector<512x3072xf32>
    %mul3A_76 = arith.mulf %add3A_60, %mul3A_75 : vector<512x3072xf32>
    %get3A_77 = arith.constant 0 : index
    %get3A_78 = arith.constant 0 : index
    %get3A_79 = vector.load %arg22[%get3A_77, %get3A_78] : memref<3072x768xf32, #tpu.memory_space<vmem>>, vector<3072x768xf32>
    %dot_general3A_80 = arith.constant dense<0.000000e+00> : vector<512x768xf32>
    %dot_general3A_81 = tpu.matmul %mul3A_76, %get3A_79, %dot_general3A_80 {dimension_numbers = #tpu.dot_dimension_numbers<[1], [0], [0], [1], [0, 0, 1, 1], [], []>, transpose_lhs_hint = false} : vector<512x3072xf32>, vector<3072x768xf32>, vector<512x768xf32> -> vector<512x768xf32>
    %get3A_82 = arith.constant 0 : index
    %get3A_83 = arith.constant 0 : index
    %get3A_84 = vector.load %arg23[%get3A_82, %get3A_83] : memref<1x768xf32, #tpu.memory_space<vmem>>, vector<1x768xf32>
    %add3A_85 = vector.broadcast %get3A_84 : vector<1x768xf32> to vector<512x768xf32>
    %add3A_86 = arith.addf %dot_general3A_81, %add3A_85 : vector<512x768xf32>
    %add3A_87 = arith.addf %add3A_50, %add3A_86 : vector<512x768xf32>
    %reduce_sum3A_88 = arith.constant dense<0.000000e+00> : vector<512xf32>
    %reduce_sum3A_89 = vector.multi_reduction <add>, %add3A_87, %reduce_sum3A_88 [1] : vector<512x768xf32> to vector<512xf32>
    %broadcast_in_dim3A_90 = vector.shape_cast %reduce_sum3A_89 : vector<512xf32> to vector<512x1xf32>
    %div3A_91 = arith.constant 7.680000e+02 : f32
    %div3A_92 = vector.broadcast %div3A_91 : f32 to vector<512x1xf32>
    %div3A_93 = arith.divf %broadcast_in_dim3A_90, %div3A_92 : vector<512x1xf32>
    %sub3A_94 = vector.broadcast %div3A_93 : vector<512x1xf32> to vector<512x768xf32>
    %sub3A_95 = arith.subf %add3A_87, %sub3A_94 : vector<512x768xf32>
    %integer_pow3A_96 = arith.mulf %sub3A_95, %sub3A_95 : vector<512x768xf32>
    %reduce_sum3A_97 = arith.constant dense<0.000000e+00> : vector<512xf32>
    %reduce_sum3A_98 = vector.multi_reduction <add>, %integer_pow3A_96, %reduce_sum3A_97 [1] : vector<512x768xf32> to vector<512xf32>
    %broadcast_in_dim3A_99 = vector.shape_cast %reduce_sum3A_98 : vector<512xf32> to vector<512x1xf32>
    %div3A_100 = arith.constant 7.680000e+02 : f32
    %div3A_101 = vector.broadcast %div3A_100 : f32 to vector<512x1xf32>
    %div3A_102 = arith.divf %broadcast_in_dim3A_99, %div3A_101 : vector<512x1xf32>
    %sub3A_103 = vector.broadcast %div3A_93 : vector<512x1xf32> to vector<512x768xf32>
    %sub3A_104 = arith.subf %add3A_87, %sub3A_103 : vector<512x768xf32>
    %add3A_105 = arith.constant 9.99999974E-6 : f32
    %add3A_106 = vector.broadcast %add3A_105 : f32 to vector<512x1xf32>
    %add3A_107 = arith.addf %div3A_102, %add3A_106 : vector<512x1xf32>
    %sqrt3A_108 = math.sqrt %add3A_107 : vector<512x1xf32>
    %div3A_109 = vector.broadcast %sqrt3A_108 : vector<512x1xf32> to vector<512x768xf32>
    %div3A_110 = arith.divf %sub3A_104, %div3A_109 : vector<512x768xf32>
    %get3A_111 = arith.constant 0 : index
    %get3A_112 = arith.constant 0 : index
    %get3A_113 = vector.load %arg24[%get3A_111, %get3A_112] : memref<1x768xf32, #tpu.memory_space<vmem>>, vector<1x768xf32>
    %mul3A_114 = vector.broadcast %get3A_113 : vector<1x768xf32> to vector<512x768xf32>
    %mul3A_115 = arith.mulf %div3A_110, %mul3A_114 : vector<512x768xf32>
    %get3A_116 = arith.constant 0 : index
    %get3A_117 = arith.constant 0 : index
    %get3A_118 = vector.load %arg25[%get3A_116, %get3A_117] : memref<1x768xf32, #tpu.memory_space<vmem>>, vector<1x768xf32>
    %add3A_119 = vector.broadcast %get3A_118 : vector<1x768xf32> to vector<512x768xf32>
    %add3A_120 = arith.addf %mul3A_115, %add3A_119 : vector<512x768xf32>
    %swap3A = arith.constant 0 : index
    %swap3A_121 = arith.constant 0 : index
    %swap3A_122 = arith.constant 0 : index
    %swap3A_123 = vector.load %arg26[%swap3A, %swap3A_121, %swap3A_122] : memref<1x512x768xf32, #tpu.memory_space<vmem>>, vector<1x512x768xf32>
    %swap3A_124 = vector.shape_cast %swap3A_123 : vector<1x512x768xf32> to vector<512x768xf32>
    %swap3A_125 = vector.shape_cast %add3A_120 : vector<512x768xf32> to vector<1x512x768xf32>
    tpu.vector_store %arg26[%swap3A, %swap3A_121, %swap3A_122], %swap3A_125 {strides = array<i32>} : memref<1x512x768xf32, #tpu.memory_space<vmem>>, vector<1x512x768xf32>,
    return
  }
  func.func @transform_0(%arg0: i32, %arg1: i32) -> (i32, i32, i32) {
    %c0_i32 = arith.constant 0 : i32
    %c0_i32_0 = arith.constant 0 : i32
    return %arg0, %arg1, %c0_i32 : i32, i32, i32
  }
  func.func @transform_1(%arg0: i32, %arg1: i32) -> (i32, i32, i32) {
    %c0_i32 = arith.constant 0 : i32
    %c0_i32_0 = arith.constant 0 : i32
    return %arg0, %arg1, %c0_i32 : i32, i32, i32
  }
  func.func @transform_2(%arg0: i32, %arg1: i32) -> (i32, i32, i32) {
    %c0_i32 = arith.constant 0 : i32
    %c0_i32_0 = arith.constant 0 : i32
    %c0_i32_1 = arith.constant 0 : i32
    return %arg0, %c0_i32, %c0_i32_0 : i32, i32, i32
  }
  func.func @transform_3(%arg0: i32, %arg1: i32) -> (i32, i32) {
    %c0_i32 = arith.constant 0 : i32
    %c0_i32_0 = arith.constant 0 : i32
    %c0_i32_1 = arith.constant 0 : i32
    return %c0_i32, %c0_i32_0 : i32, i32
  }
  func.func @transform_4(%arg0: i32, %arg1: i32) -> (i32, i32) {
    %c0_i32 = arith.constant 0 : i32
    %c0_i32_0 = arith.constant 0 : i32
    %c0_i32_1 = arith.constant 0 : i32
    return %c0_i32, %c0_i32_0 : i32, i32
  }
  func.func @transform_5(%arg0: i32, %arg1: i32) -> (i32, i32) {
    %c0_i32 = arith.constant 0 : i32
    %c0_i32_0 = arith.constant 0 : i32
    %c0_i32_1 = arith.constant 0 : i32
    return %c0_i32, %c0_i32_0 : i32, i32
  }
  func.func @transform_6(%arg0: i32, %arg1: i32) -> (i32, i32) {
    %c0_i32 = arith.constant 0 : i32
    %c0_i32_0 = arith.constant 0 : i32
    %c0_i32_1 = arith.constant 0 : i32
    return %c0_i32, %c0_i32_0 : i32, i32
  }
  func.func @transform_7(%arg0: i32, %arg1: i32) -> (i32, i32) {
    %c0_i32 = arith.constant 0 : i32
    %c0_i32_0 = arith.constant 0 : i32
    %c0_i32_1 = arith.constant 0 : i32
    return %c0_i32, %c0_i32_0 : i32, i32
  }
  func.func @transform_8(%arg0: i32, %arg1: i32) -> (i32, i32) {
    %c0_i32 = arith.constant 0 : i32
    %c0_i32_0 = arith.constant 0 : i32
    %c0_i32_1 = arith.constant 0 : i32
    return %c0_i32, %c0_i32_0 : i32, i32
  }
  func.func @transform_9(%arg0: i32, %arg1: i32) -> (i32, i32) {
    %c0_i32 = arith.constant 0 : i32
    %c0_i32_0 = arith.constant 0 : i32
    %c0_i32_1 = arith.constant 0 : i32
    return %c0_i32, %c0_i32_0 : i32, i32
  }
  func.func @transform_10(%arg0: i32, %arg1: i32) -> (i32, i32) {
    %c0_i32 = arith.constant 0 : i32
    %c0_i32_0 = arith.constant 0 : i32
    %c0_i32_1 = arith.constant 0 : i32
    return %c0_i32, %c0_i32_0 : i32, i32
  }
  func.func @transform_11(%arg0: i32, %arg1: i32) -> (i32, i32) {
    %c0_i32 = arith.constant 0 : i32
    %c0_i32_0 = arith.constant 0 : i32
    %c0_i32_1 = arith.constant 0 : i32
    return %c0_i32, %c0_i32_0 : i32, i32
  }
  func.func @transform_12(%arg0: i32, %arg1: i32) -> (i32, i32) {
    %c0_i32 = arith.constant 0 : i32
    %c0_i32_0 = arith.constant 0 : i32
    %c0_i32_1 = arith.constant 0 : i32
    return %c0_i32, %c0_i32_0 : i32, i32
  }
  func.func @transform_13(%arg0: i32, %arg1: i32) -> (i32, i32) {
    %c0_i32 = arith.constant 0 : i32
    %c0_i32_0 = arith.constant 0 : i32
    %c0_i32_1 = arith.constant 0 : i32
    return %c0_i32, %c0_i32_0 : i32, i32
  }
  func.func @transform_14(%arg0: i32, %arg1: i32) -> (i32, i32) {
    %c0_i32 = arith.constant 0 : i32
    %c0_i32_0 = arith.constant 0 : i32
    %c0_i32_1 = arith.constant 0 : i32
    return %c0_i32, %c0_i32_0 : i32, i32
  }
  func.func @transform_15(%arg0: i32, %arg1: i32) -> (i32, i32) {
    %c0_i32 = arith.constant 0 : i32
    %c0_i32_0 = arith.constant 0 : i32
    %c0_i32_1 = arith.constant 0 : i32
    return %c0_i32, %c0_i32_0 : i32, i32
  }
  func.func @transform_16(%arg0: i32, %arg1: i32) -> (i32, i32) {
    %c0_i32 = arith.constant 0 : i32
    %c0_i32_0 = arith.constant 0 : i32
    %c0_i32_1 = arith.constant 0 : i32
    return %c0_i32, %c0_i32_0 : i32, i32
  }
  func.func @transform_17(%arg0: i32, %arg1: i32) -> (i32, i32) {
    %c0_i32 = arith.constant 0 : i32
    %c0_i32_0 = arith.constant 0 : i32
    %c0_i32_1 = arith.constant 0 : i32
    return %c0_i32, %c0_i32_0 : i32, i32
  }
  func.func @transform_18(%arg0: i32, %arg1: i32) -> (i32, i32) {
    %c0_i32 = arith.constant 0 : i32
    %c0_i32_0 = arith.constant 0 : i32
    %c0_i32_1 = arith.constant 0 : i32
    return %c0_i32, %c0_i32_0 : i32, i32
  }
  func.func @transform_19(%arg0: i32, %arg1: i32) -> (i32, i32) {
    %c0_i32 = arith.constant 0 : i32
    %c0_i32_0 = arith.constant 0 : i32
    %c0_i32_1 = arith.constant 0 : i32
    return %c0_i32, %c0_i32_0 : i32, i32
  }
  func.func @transform_20(%arg0: i32, %arg1: i32) -> (i32, i32) {
    %c0_i32 = arith.constant 0 : i32
    %c0_i32_0 = arith.constant 0 : i32
    %c0_i32_1 = arith.constant 0 : i32
    return %c0_i32, %c0_i32_0 : i32, i32
  }
  func.func @transform_21(%arg0: i32, %arg1: i32) -> (i32, i32) {
    %c0_i32 = arith.constant 0 : i32
    %c0_i32_0 = arith.constant 0 : i32
    %c0_i32_1 = arith.constant 0 : i32
    return %c0_i32, %c0_i32_0 : i32, i32
  }
  func.func @transform_22(%arg0: i32, %arg1: i32) -> (i32, i32) {
    %c0_i32 = arith.constant 0 : i32
    %c0_i32_0 = arith.constant 0 : i32
    %c0_i32_1 = arith.constant 0 : i32
    return %c0_i32, %c0_i32_0 : i32, i32
  }
  func.func @transform_23(%arg0: i32, %arg1: i32) -> (i32, i32) {
    %c0_i32 = arith.constant 0 : i32
    %c0_i32_0 = arith.constant 0 : i32
    %c0_i32_1 = arith.constant 0 : i32
    return %c0_i32, %c0_i32_0 : i32, i32
  }
  func.func @transform_24(%arg0: i32, %arg1: i32) -> (i32, i32, i32) {
    %c0_i32 = arith.constant 0 : i32
    %c0_i32_0 = arith.constant 0 : i32
    return %arg0, %arg1, %c0_i32 : i32, i32, i32
  }
}

</mosaic_0001>

<sc_bundles>
// kernel: kernel.5.cloned.1.call-start
scs
__scs_entry_jumppad:
0x0: {  	(pc) =	sbr.rel $0x88, $3  }
0x1: {  	(tag) =	ssettag $0x0;
	lr =	simm.s32 $0x1  }
0x2: {  	[smem:$0x3F84] =	sst lr;
	_ =	strace $0xD0000000  }
0x3: {  	_ = 	snop  }
0x4: {  	_ = 	snop  }
0x5: {  	_ = 	snop  }
0x6: {  	_ = 	snop  }
0x7: {  	_ = 	snop  }
__scs_overlays_trampoline_lowered:
0x8: {  	[smem:$0x3F93] =	sst s0  }
0x9: {  	[smem:$0x3F94] =	sst s1  }
0xa: {  	[smem:$0x3F95] =	sst s2  }
0xb: {  	[smem:$0x3F96] =	sst s3  }
0xc: {  	[smem:$0x3F97] =	sst s4  }
0xd: {  	[smem:$0x3F98] =	sst s5  }
0xe: {  	[smem:$0x3F99] =	sst s6  }
0xf: {  	[smem:$0x3F9A] =	sst s7  }
0x10: {  	[smem:$0x3F9B] =	sst s8  }
0x11: {  	[smem:$0x3F9C] =	sst s9;
	s0 =	simm.s32 @!p0 $0x0  }
0x12: {  	s1 =	sld [smem:$0x3F82];
	s0 =	simm.s32 @p0 $0x1  }
0x13: {  	[smem:$0x3F9D] =	sst s0;
	s0 =	simm.s32 @!p1 $0x0  }
0x14: {  	s2 =	sld [smem:$0x3F81];
	s0 =	simm.s32 @p1 $0x1  }
0x15: {  	[smem:$0x3F9E] =	sst s0;
	s0 =	simm.s32 @!p2 $0x0  }
0x16: {  	s3 =	sld [smem:$0x3FDB];
	s0 =	simm.s32 @p2 $0x1  }
0x17: {  	s4 =	simm.s32 $0x1BF5;
	[smem:$0x3FA0] =	sst s0  }
0x18: {  	s0 =	sld [smem:$0x3F83];
	_ =	swait.ge [sflag:s4], $0x0  }
0x19: {  	s7 =	sld [smem:$0x3F84]  }
0x1a: {  	s8 =	sadd.s32 $0xFFFFE003, lr  }
0x1b: {  	s9 =	sadd.s32 $0xFFFFFEF7, lr;
	s5 =	simm.s32 $0xFFFFFFFF;
	p2 =	slt.u32 s8, $0xFFFFF086  }
0x1c: {  	p1 =	slt.u32 s9, $0xF7A;
	s5 =	simm.s32 @!p2 $0x0  }
0x1d: {  	s5 =	simm.s32 @p1 $0x1;
	p0 =	seq.s32 s7, s2  }
0x1e: {  	s7 =	smul.u32 @!p0 $0xF7A, s2;
	p2 =	seq.s32 @!p0 s5, $0x0  }
0x1f: {  	s9 =	smul.u32 $0xF7A, s1;
	s8 =	simm.s32 @!p0 $0x1BF5;
	p2 =	por !p2, p0  }
0x20: {  	[sflag:s8] =	ssyncset.s32 @!p0 $0xFFFFF086;
	s6 =	sadd.s32 @!p0 s3, s7;
	s7 =	simm.s32 @!p0 $0x108  }
0x21: {  	s3 =	sadd.s32 s3, s9;
	s6 =	sadd.s32 @!p0 $0x88, s6;
	s7 =	simm.s32 @p2 $0x1082  }
0x22: {  	[simem:s7], [sflag:s8] =	dma.local @!p0 [hbm:s6], $0xF7A  }
0x23: {  	s9 =	sor.u32 $0xD0000000, s2;
	s6 =	simm.s32 $0x108;
	_ =	swait.ge @!p0 [sflag:s8], $0x0  }
0x24: {  	s3 =	sadd.s32 $0x88, s3;
	s6 =	simm.s32 @!p1 $0x1082;
	[sflag:s4] =	ssyncset.s32 $0xFFFFF086  }
0x25: {  	[simem:s6], [sflag:s4] =	dma.local [hbm:s3], $0xF7A  }
0x26: {  	[smem:$0x3F84] =	sst s1;
	(tag) =	ssettag s2;
	_ =	strace s9  }
0x27: {  	s1 =	sld [smem:$0x3F94]  }
0x28: {  	s2 =	sld [smem:$0x3F95]  }
0x29: {  	s4 =	sld [smem:$0x3F97]  }
0x2a: {  	p0 =	seq.s32 s5, $0x0;
	s5 =	sld [smem:$0x3F98]  }
0x2b: {  	s6 =	sld [smem:$0x3F99]  }
0x2c: {  	s7 =	sld [smem:$0x3F9A]  }
0x2d: {  	s3 =	simm.s32 $0x108;
	s8 =	sld [smem:$0x3F9B]  }
0x2e: {  	s3 =	simm.s32 @!p0 $0x1082;
	s9 =	sld [smem:$0x3F9C]  }
0x2f: {  	lr =	sadd.s32 s0, s3;
	s0 =	sld [smem:$0x3F93]  }
0x30: {  	s3 =	sld [smem:$0x3F96]  }
0x31: {  	[smem:$0x3F9F] =	sst s10  }
0x32: {  	s10 =	sld [smem:$0x3F9D];
	_ =	sdelay $0x3  }
0x33: {  	p0 =	seq.s32 s10, $0x1;
	s10 =	sld [smem:$0x3F9F];
	_ =	sdelay $0x3  }
0x34: {  	[smem:$0x3F9F] =	sst s10  }
0x35: {  	s10 =	sld [smem:$0x3F9E];
	_ =	sdelay $0x3  }
0x36: {  	p1 =	seq.s32 s10, $0x1;
	s10 =	sld [smem:$0x3F9F];
	_ =	sdelay $0x3  }
0x37: {  	[smem:$0x3F9F] =	sst s10  }
0x38: {  	s10 =	sld [smem:$0x3FA0]  }
0x39: {  	_ = 	snop;
	(pc) =	sbr.ind lr, $3  }
0x3a: {  	_ = 	snop  }
0x3b: {  	_ = 	snop  }
0x3c: {  	p2 =	seq.s32 s10, $0x1;
	s10 =	sld [smem:$0x3F9F]  }
0x3d: {  	_ =	shalt  }
0x3e: {  	_ =	shalt  }
0x3f: {  	_ =	shalt  }
0x40: {  	_ =	shalt  }
0x41: {  	_ =	shalt  }
0x42: {  	_ =	shalt  }
0x43: {  	_ =	shalt  }
0x44: {  	_ =	shalt  }
0x45: {  	_ =	shalt  }
0x46: {  	_ =	shalt  }
0x47: {  	_ =	shalt  }
0x48: {  	_ =	shalt  }
0x49: {  	_ =	shalt  }
0x4a: {  	_ =	shalt  }
0x4b: {  	_ =	shalt  }
0x4c: {  	_ =	shalt  }
0x4d: {  	_ =	shalt  }
0x4e: {  	_ =	shalt  }
0x4f: {  	_ =	shalt  }
0x50: {  	_ =	shalt  }
0x51: {  	_ =	shalt  }
0x52: {  	_ =	shalt  }
0x53: {  	_ =	shalt  }
0x54: {  	_ =	shalt  }
0x55: {  	_ =	shalt  }
0x56: {  	_ =	shalt  }
0x57: {  	_ =	shalt  }
0x58: {  	_ =	shalt  }
0x59: {  	_ =	shalt  }
0x5a: {  	_ =	shalt  }
0x5b: {  	_ =	shalt  }
0x5c: {  	_ =	shalt  }
0x5d: {  	_ =	shalt  }
0x5e: {  	_ =	shalt  }
0x5f: {  	_ =	shalt  }
0x60: {  	_ =	shalt  }
0x61: {  	_ =	shalt  }
0x62: {  	_ =	shalt  }
0x63: {  	_ =	shalt  }
0x64: {  	_ =	shalt  }
0x65: {  	_ =	shalt  }
0x66: {  	_ =	shalt  }
0x67: {  	_ =	shalt  }
0x68: {  	_ =	shalt  }
0x69: {  	_ =	shalt  }
0x6a: {  	_ =	shalt  }
0x6b: {  	_ =	shalt  }
0x6c: {  	_ =	shalt  }
0x6d: {  	_ =	shalt  }
0x6e: {  	_ =	shalt  }
0x6f: {  	_ =	shalt  }
0x70: {  	_ =	shalt  }
0x71: {  	_ =	shalt  }
0x72: {  	_ =	shalt  }
0x73: {  	_ =	shalt  }
0x74: {  	_ =	shalt  }
0x75: {  	_ =	shalt  }
0x76: {  	_ =	shalt  }
0x77: {  	_ =	shalt  }
0x78: {  	_ =	shalt  }
0x79: {  	_ =	shalt  }
0x7a: {  	_ =	shalt  }
0x7b: {  	_ =	shalt  }
0x7c: {  	_ =	shalt  }
0x7d: {  	_ =	shalt  }
0x7e: {  	_ =	shalt  }
0x7f: {  	_ =	shalt  }
0x80: {  	_ =	shalt  }
0x81: {  	_ =	shalt  }
0x82: {  	_ =	shalt  }
0x83: {  	_ =	shalt  }
0x84: {  	_ =	shalt  }
0x85: {  	_ =	shalt  }
0x86: {  	_ =	shalt  }
0x87: {  	_ =	shalt  }
.Lfunc_end0:
.L_simem_size_0:
called_computation_lowered:
.L_overlay_start_0:
0x88: {  	s2 =	sld [smem:$0x3FD9]  }
0x89: {  	s3 =	sld [smem:$0x3FFE];
	_ =	sdelay $0x1  }
0x8a: {  	s1 =	srdreg.scid  }
0x8b: {  	s0 =	sand.u32 $0x1, s1  }
0x8c: {  	s17 =	sshll.u32 s0, $0xA;
	s2 =	sadd.s32 s3, s2  }
0x8d: {  	s2 =	sadd.s32 s2, s17  }
0x8e: {  	[smem:$0x3FAB] =	sst s2  }
0x8f: {  	_ = 	snop  }
0x90: {  	s2 =	sld [smem:$0x3FD0];
	(tm) =	ssettm $0x1  }
0x91: {  	s18 =	sld [smem:$0x3FFB];
	_ =	sdelay $0x3  }
0x92: {  	_ =	strace s18  }
0x93: {  	s3 =	sld [smem:$0x3FFC];
	_ =	sdelay $0x3  }
0x94: {  	_ =	strace s3  }
0x95: {  	s3 =	sld [smem:$0x3FFD];
	_ =	sdelay $0x3  }
0x96: {  	_ =	strace s3  }
0x97: {  	_ =	strace $0x8FFFFFFF  }
0x98: {  	s19 =	sld [smem:$0x3FDB];
	_ =	sdelay $0x1  }
0x99: {  	s4 =	simm.s32 $_scs_section_size  }
0x9a: {  	s5 =	simm.s32 $_size__tile_overlayer_lowered;
	s6 =	simm.s32 $_tile_overlayer_lowered  }
0x9b: {  	s22 =	simm.s32 $0x1BFF;
	s21 =	sshll.u32 s6, $0x1;
	s3 =	sadd.s32 s4, s19  }
0x9c: {  	s7 =	simm.s32 $0x0;
	s20 =	sshll.u32 s5, $0x1;
	s5 =	sadd.s32 s21, s3  }
0x9d: {  	[timem:s7], [sflag:s22] =	dma.local [hbm:s5], s20  }
0x9e: {  	_ =	swait.ge [sflag:s22], s20  }
0x9f: {  	s4 =	ssub.s32 $0x0, s20;
	[sflag:s22] =	ssyncset.done $0x0  }
0xa0: {  	[sflag:s22] =	ssyncadd.s32 s4;
	_ =	sdelay $0x1  }
0xa1: {  	s23 =	simm.s32 $0x1B8B  }
0xa2: {  	_ =	swait.ge [sflag:s23], $0x1  }
0xa3: {  	[sflag:s23] =	ssyncset.done $0x0  }
0xa4: {  	s25 =	simm.s32 $0x1B8E;
	s24 =	sld [smem:$0x3FFE];
	[sflag:s23] =	ssyncadd.s32 $0xFFFFFFFF  }
0xa5: {  	s26 =	simm.s32 $execute0_lowered;
	[smem:$0x3FD2] =	sst s25  }
0xa6: {  	s5 =	sshll.u32 s26, $0x1;
	_ =	strace $0x80000046;
	[dreg:$0x1] =	wrdreg $0xFFFFFFFF  }
0xa7: {  	s28 =	simm.s32 $_size_execute0_lowered;
	s3 =	sadd.s32 s3, s5;
	[dreg:$0x0] =	wrdreg $0x0  }
0xa8: {  	s5 =	sshll.u32 s28, $0x1;
	[dreg:$0x2] =	wrdreg s3  }
0xa9: {  	[dreg:$0x3] =	wrdreg s5  }
0xaa: {  	[dreg:$0x4] =	wrdreg $0xC0  }
0xab: {  	_ =	task [dreg:s7], $0x5FFFF  }
0xac: {  	[dreg:$0x1] =	wrdreg $0xFFFFFFFF  }
0xad: {  	[dreg:$0x0] =	wrdreg $0x60  }
0xae: {  	[dreg:$0x2] =	wrdreg s2  }
0xaf: {  	[dreg:$0x3] =	wrdreg s24  }
0xb0: {  	[dreg:$0x4] =	wrdreg $0x9  }
0xb1: {  	_ =	task.clear_ibuf [dreg:s7], $0x5FFFF;
	_ =	strace $0x90000046  }
0xb2: {  	s29 =	simm.s32 $0x9;
	_ =	strace $0x8000004F  }
0xb3: {  	_ =	swait.ge [sflag:s29], $0x1  }
0xb4: {  	[sflag:s29] =	ssyncadd.s32 $0xFFFFFFFF  }
0xb5: {  	_ =	strace $0x9000004F  }
0xb6: {  	_ =	sfence  }
0xb7: {  	s30 =	sld [smem:$0x0];
	_ =	sdelay $0x2  }
0xb8: {  	s31 =	sshll.u32 s1, $0xD;
	s1 =	sshrl.u32 s1, $0x2  }
0xb9: {  	s3 =	sand.u32 $0x4000, s31;
	s1 =	sadd.s32 s1, s30  }
0xba: {  	s0 =	sor.u32 s3, s0;
	s1 =	sshll.u32 s1, $0x11  }
0xbb: {  	s0 =	sor.u32 s1, s0  }
0xbc: {  	s0 =	sadd.s32 $0x8F2B, s0  }
0xbd: {  	[sflag:s0] =	ssyncadd.remote.s32 $0x1  }
0xbe: {  	_ =	sfence.sel $0xFFFF  }
0xbf: {  	[dreg:$0x0] =	wrdreg $0xFFFFFFFF;
	(pc) =	sbr.abs _section_cstart, $3  }
0xc0: {  	[dreg:$0x1] =	wrdreg $0xFFFFFFFF  }
0xc1: {  	_ =	task.clear_ibuf [dreg:s7], $0x2FFFF;
	_ =	strace $0x9FFFFFFF  }
0xc2: {  	(tm) =	ssettm $0x7FFFFFFF  }
0xc3: {  	_ =	shalt  }
tec
execute0_lowered:
.L_overlay_start_1:
0x0: {  	(tag) =	ssettag $0x1  }
0x1: {  	s0 =	srdreg.scid  }
0x2: {  	s10 =	sand.u32 $0x1, s0  }
0x3: {  	s1 =	stileid.u32;
	s4 =	sshll.u32 s10, $0x4  }
0x4: {  	s4 =	sor.u32 s1, s4  }
0x5: {  	p0 =	sgt.u32 s4, $0xB  }
.Ltmp0:
0x6: {  	_ = 	snop;
	(pc) =	sbr.rel @p0 .LBB2_4-.Ltmp0, $4  }
0x7: {  	s2 =	rddreg [dreg:$0x0]  }
0x8: {  	s9 =	rddreg [dreg:$0x1];
	s3 =	simm.s32 $0x0  }
0x9: {  	[smem:$0x7FF] =	sst s3  }
0xa: {  	s0 =	rddreg [dreg:$0x2];
	_ =	strace $0x80000047  }
0xb: {  	s11 =	smin.u32 s4, $0xC  }
0xc: {  	s4 =	sshll.u32 s11, $0x4  }
0xd: {  	s4 =	sadd.s32 s4, s9  }
0xe: {  	_ =	strace $0x80000048;
	s4 =	sadd.s32 $0x4600, s4  }
0xf: {  	[tilespmem:s3], [sflag:$0x1] =	stream.linear.gather [hbm4b:s4+s3], $0x80, $0x200038;
	[tilespmem:$0x8100] =	vst v63  }
0x10: {  	_ =	strace $0x90000048  }
0x11: {  	s5 =	simm.s32 $0x1;
	_ =	strace $0x8000004A  }
0x12: {  	_ =	swait.ge [sflag:s5], $0x80  }
0x13: {  	[sflag:s5] =	ssyncset.done $0x0  }
0x14: {  	[sflag:s5] =	ssyncadd.s32 $0xFFFFFF80  }
0x15: {  	s6 =	simm.s32 $0x80;
	_ =	strace $0x9000004A  }
0x16: {  	s7 =	simm.s32 $0x100;
	s8 =	simm.s32 $0x5;
	_ =	strace $0x8000004B  }
0x17: {  	[tilespmem:s7], [sflag:$0x5] =	stream.indirect.gather [hbm4b:s2+s6], $0x80, s3, s6, $0x2000b8;
	[tilespmem:$0x8100] =	vst v63  }
0x18: {  	s10 =	ssub.s32 $0x2, s10;
	_ =	swait.ge [sflag:s8], $0x4000  }
0x19: {  	s11 =	sshll.u32 s11, $0xB;
	s31 =	sshrl.u32 s10, $0x1;
	[sflag:s8] =	ssyncset.done $0x0  }
0x1a: {  	s30 =	sadd.s32 s11, s9;
	s11 =	ssub.s32 s10, s31;
	[sflag:s8] =	ssyncadd.s32 $0xFFFFC000  }
0x1b: {  	s11 =	smax.u32 s11, $0x1;
	_ =	strace $0x9000004B  }
0x1c: {  	s9 =	sadd.s32 $0x4800, s30;
	p0 =	sne.s32 s11, $0x1;
	_ =	strace $0x8000004C  }
0x1d: {  	[hbm4b:s9+s3] =	stream.linear.scatter [tilespmem:s7], [sflag:$0x3], $0x4000, $0x200038;
	[tilespmem:$0x8100] =	vst v63  }
.Ltmp1:
0x1e: {  	_ =	strace $0x9000004C;
	(pc) =	sbr.rel @!p0 .LBB2_3-.Ltmp1, $4  }
0x1f: {  	s10 =	simm.s32 $0x3;
	_ =	strace $0x8000004E  }
0x20: {  	_ =	swait.ge [sflag:s10], $0x4000  }
0x21: {  	[sflag:s10] =	ssyncset.done $0x0  }
0x22: {  	s11 =	sadd.s32 $0xFFFFFFFF, s11;
	[sflag:s10] =	ssyncadd.s32 $0xFFFFC000  }
.LBB2_2:
0x23: {  	p0 =	sne.s32 s11, $0x1;
	s11 =	sadd.s32 $0xFFFFFFFF, s11;
	_ =	strace $0x9000004E  }
0x24: {  	_ =	strace $0x80000048  }
0x25: {  	[tilespmem:s3], [sflag:$0x1] =	stream.linear.gather [hbm4b:s4+s3], $0x80, $0x200038;
	[tilespmem:$0x8100] =	vst v63  }
0x26: {  	_ =	strace $0x90000048  }
0x27: {  	_ =	strace $0x8000004A  }
0x28: {  	_ =	swait.ge [sflag:s5], $0x80  }
0x29: {  	[sflag:s5] =	ssyncset.done $0x0  }
0x2a: {  	[sflag:s5] =	ssyncadd.s32 $0xFFFFFF80  }
0x2b: {  	_ =	strace $0x9000004A  }
0x2c: {  	_ =	strace $0x8000004B  }
0x2d: {  	[tilespmem:s7], [sflag:$0x5] =	stream.indirect.gather [hbm4b:s2+s6], $0x80, s3, s6, $0x2000b8;
	[tilespmem:$0x8100] =	vst v63  }
0x2e: {  	_ =	swait.ge [sflag:s8], $0x4000  }
0x2f: {  	[sflag:s8] =	ssyncset.done $0x0  }
0x30: {  	[sflag:s8] =	ssyncadd.s32 $0xFFFFC000  }
0x31: {  	_ =	strace $0x9000004B  }
0x32: {  	_ =	strace $0x8000004C  }
0x33: {  	[hbm4b:s9+s3] =	stream.linear.scatter [tilespmem:s7], [sflag:$0x3], $0x4000, $0x200038;
	[tilespmem:$0x8100] =	vst v63  }
.Ltmp2:
0x34: {  	_ =	strace $0x9000004C;
	(pc) =	sbr.rel @p0 .LBB2_2-.Ltmp2, $4  }
0x35: {  	_ =	strace $0x8000004E  }
0x36: {  	_ =	swait.ge [sflag:s10], $0x4000  }
0x37: {  	[sflag:s10] =	ssyncset.done $0x0  }
0x38: {  	[sflag:s10] =	ssyncadd.s32 $0xFFFFC000  }
.LBB2_3:
0x39: {  	_ =	strace $0x9000004E  }
.LBB2_4:
0x3a: {  	_ =	sfence.sel $0x180000  }
0x3b: {  	[bflag:$0x0] =	sbarrier.arrive $0xFFFF  }
0x3c: {  	p0 =	sne.s32 s1, $0x0;
	_ =	strace $0x90000047  }
0x3d: {  	s0 =	sadd.s32 @!p0 $0x100000, s0;
	[bflag:$0x2] =	sbarrier.arrive $0xFFFF  }
0x3e: {  	[sflag:s0] =	ssyncadd.tile.s32 @!p0 $0x1;
	_ =	shalt  }
.Lfunc_end2:
_tile_overlayer_lowered:
.L_overlay_start_2:
0x3f: {  	(tag) =	ssettag $0x2  }
0x40: {  	s0 =	rddreg [dreg:$0x0];
	s2 =	stileid.u32  }
0x41: {  	s1 =	rddreg [dreg:$0x1];
	p0 =	sne.s32 s2, $0x0  }
0x42: {  	s3 =	rddreg [dreg:$0x2];
	[bflag:$0x3] =	sbarrier.arrive $0xFFFF;
	s2 =	simm.s32 @!p0 $0x1C01  }
0x43: {  	[timem:s3], [sflag:s2] =	dma.local @!p0 [hbm:s0], s1  }
0x44: {  	s0 =	simm.s32 @!p0 $0x1  }
0x45: {  	_ =	swait.ge @!p0 [sflag:s0], s1  }
0x46: {  	s1 =	ssub.s32 @!p0 $0x0, s1;
	[sflag:s0] =	ssyncset.done @!p0 $0x0  }
0x47: {  	[sflag:s0] =	ssyncadd.s32 @!p0 s1  }
0x48: {  	[bflag:$0x3] =	sbarrier.arrive $0xFFFF  }
0x49: {  	_ =	shalt  }

</sc_bundles>
